<compile_context>
chip_gen: v7x
topology: tpu7x:2x2x1
jax: 0.10.2.dev20260603
libtpu: 0.0.44.dev20260713+nightly
codegen_flags: <defaults>
</compile_context>

<pallas_src>
import functools

import jax
import jax.numpy as jnp
from jax import lax
from jax.experimental import pallas as pl
from jax.experimental.pallas import tpu as pltpu
from jax.experimental.pallas import tpu_sc as plsc

SEQ_LEN = 8192
D_MODEL = 1024
LANES = 16
NUM_WORKERS = 32
ROWS_PER_WORKER = SEQ_LEN // NUM_WORKERS
CHUNK_ROWS = 16
NUM_CHUNKS = ROWS_PER_WORKER // CHUNK_ROWS
NBUF = 2

_mesh = plsc.VectorSubcoreMesh(core_axis_name="c", subcore_axis_name="s")

_CHUNK = (CHUNK_ROWS, D_MODEL)
_scratch = (
    [pltpu.VMEM(_CHUNK, jnp.float32) for _ in range(3 * NBUF)]
    + [pltpu.SemaphoreType.DMA for _ in range(3 * NBUF)]
)


@functools.partial(
    pl.kernel,
    mesh=_mesh,
    out_type=jax.ShapeDtypeStruct((SEQ_LEN, D_MODEL), jnp.float32),
    scratch_types=_scratch,
)
def _sc_add(x_hbm, emb_hbm, out_hbm, *scratch):
    bufs = scratch[: 3 * NBUF]
    sems = scratch[3 * NBUF :]
    xbufs, ebufs, obufs = bufs[:NBUF], bufs[NBUF : 2 * NBUF], bufs[2 * NBUF :]
    sxs, ses, sos = sems[:NBUF], sems[NBUF : 2 * NBUF], sems[2 * NBUF :]

    wid = lax.axis_index("c") * 16 + lax.axis_index("s")
    base = wid * ROWS_PER_WORKER

    def rows_at(ci):
        return pl.ds(base + ci * CHUNK_ROWS, CHUNK_ROWS)

    def start_gather(ci, b):
        pltpu.async_copy(x_hbm.at[rows_at(ci), :], xbufs[b], sxs[b])
        pltpu.async_copy(emb_hbm.at[rows_at(ci), :], ebufs[b], ses[b])

    def wait_gather(b):
        pltpu.make_async_copy(x_hbm.at[rows_at(0), :], xbufs[b], sxs[b]).wait()
        pltpu.make_async_copy(emb_hbm.at[rows_at(0), :], ebufs[b], ses[b]).wait()

    def wait_scatter(b):
        pltpu.make_async_copy(obufs[b], out_hbm.at[rows_at(0), :], sos[b]).wait()

    for b in range(NBUF - 1):
        start_gather(b, b)

    def outer(g, carry):
        for b in range(NBUF):
            ci = NBUF * g + b

            @pl.when(ci + NBUF - 1 < NUM_CHUNKS)
            def _():
                start_gather(ci + NBUF - 1, (b + NBUF - 1) % NBUF)

            wait_gather(b)

            @pl.when(ci >= NBUF)
            def _():
                wait_scatter(b)

            xbuf, ebuf, obuf = xbufs[b], ebufs[b], obufs[b]

            def row_body(r, rcarry):
                for j in range(D_MODEL // LANES):
                    sl = pl.ds(j * LANES, LANES)
                    obuf[r, sl] = xbuf[r, sl] + ebuf[r, sl]
                return rcarry

            lax.fori_loop(0, CHUNK_ROWS, row_body, 0)
            pltpu.async_copy(obuf, out_hbm.at[rows_at(ci), :], sos[b])
        return carry

    lax.fori_loop(0, NUM_CHUNKS // NBUF, outer, 0)
    for b in range(NBUF):
        wait_scatter(b)


def kernel(x, emb):
    return _sc_add(x, emb)

# --- scband reference (transcript-rebuilt; emitter-appended) ---
"""Pipeline reference for scband-positional-encoding-5093831213200 (READ-ONLY COPY).

The authoritative reference and input builder live on the scoring server;
editing this copy changes nothing except your own understanding.
"""

import jax, jax.numpy as jnp
import numpy as np

D_MODEL = 1024
NUM_POSITIONS = 8192
SEQ_LEN = 8192

def setup_inputs(seed: int = 0) -> dict:
    key = jax.random.key(seed)
    k1, k2 = jax.random.split(key)
    x = jax.random.normal(k1, (SEQ_LEN, D_MODEL), dtype=jnp.float32)
    emb = jax.random.normal(k2, (NUM_POSITIONS, D_MODEL), dtype=jnp.float32)
    return {"x": x, "emb": emb}

def reference(x, emb):
    # non-batched path: x is [seq_len, d_model]
    input_size = x.shape[-2]
    indices_to_embed = jnp.arange(input_size, dtype=jnp.int32)
    pos = jnp.take(emb, indices_to_embed, axis=0)
    return x + pos

if __name__ == "__main__":
    import jax
    _d = setup_inputs()
    print(jax.jit(kernel)(*tuple(_d.values())))

</pallas_src>

<mosaic_0001>
#map = affine_map<(d0, d1) -> (0, 0)>
module attributes {stable_mosaic.version = 14 : i64} {
  func.func @_sc_add(%arg0: i32, %arg1: i32, %arg2: memref<8192x1024xf32, #tpu.memory_space<hbm>>, %arg3: memref<8192x1024xf32, #tpu.memory_space<hbm>>, %arg4: memref<8192x1024xf32, #tpu.memory_space<hbm>>, %arg5: memref<16x1024xf32, #tpu.memory_space<vmem>>, %arg6: memref<16x1024xf32, #tpu.memory_space<vmem>>, %arg7: memref<16x1024xf32, #tpu.memory_space<vmem>>, %arg8: memref<16x1024xf32, #tpu.memory_space<vmem>>, %arg9: memref<16x1024xf32, #tpu.memory_space<vmem>>, %arg10: memref<16x1024xf32, #tpu.memory_space<vmem>>, %arg11: memref<!tpu.dma_semaphore, #tpu.memory_space<semaphore_mem>>, %arg12: memref<!tpu.dma_semaphore, #tpu.memory_space<semaphore_mem>>, %arg13: memref<!tpu.dma_semaphore, #tpu.memory_space<semaphore_mem>>, %arg14: memref<!tpu.dma_semaphore, #tpu.memory_space<semaphore_mem>>, %arg15: memref<!tpu.dma_semaphore, #tpu.memory_space<semaphore_mem>>, %arg16: memref<!tpu.dma_semaphore, #tpu.memory_space<semaphore_mem>>) attributes {dimension_semantics = [#tpu.dimension_semantics<core_parallel>, #tpu.dimension_semantics<subcore_parallel>], iteration_bounds = array<i64: 2, 16>, scalar_prefetch = 0 : i64, scratch_operands = 12 : i64, tpu.core_type = #tpu.core_type<sc_vector_subcore>, window_params = [{transform_indices = #map}, {transform_indices = #map}, {transform_indices = #map}]} {
    %mul3A = arith.constant 16 : i32
    %mul3A_0 = arith.muli %arg0, %mul3A : i32
    %add3A = arith.addi %mul3A_0, %arg1 : i32
    %mul3A_1 = arith.constant 256 : i32
    %mul3A_2 = arith.muli %add3A, %mul3A_1 : i32
    %add3A_3 = arith.constant 0 : i32
    %add3A_4 = arith.addi %mul3A_2, %add3A_3 : i32
    %dma_start3A = arith.constant 0 : i32
    %dma_start3A_5 = tpu.memref_slice %arg2[%add3A_4, %dma_start3A] : memref<8192x1024xf32, #tpu.memory_space<hbm>> -> memref<16x1024xf32, #tpu.memory_space<hbm>>
    %dma_start3A_6 = arith.constant 0 : i32
    %dma_start3A_7 = tpu.memref_slice %arg2[%add3A_4, %dma_start3A_6] : memref<8192x1024xf32, #tpu.memory_space<hbm>> -> memref<16x1024xf32, #tpu.memory_space<hbm>>
    tpu.enqueue_dma source(%dma_start3A_7 : memref<16x1024xf32, #tpu.memory_space<hbm>>) target(%arg5 : memref<16x1024xf32, #tpu.memory_space<vmem>>) target_semaphore(%arg11 : memref<!tpu.dma_semaphore, #tpu.memory_space<semaphore_mem>>)
    %add3A_8 = arith.constant 0 : i32
    %add3A_9 = arith.addi %mul3A_2, %add3A_8 : i32
    %dma_start3A_10 = arith.constant 0 : i32
    %dma_start3A_11 = tpu.memref_slice %arg3[%add3A_9, %dma_start3A_10] : memref<8192x1024xf32, #tpu.memory_space<hbm>> -> memref<16x1024xf32, #tpu.memory_space<hbm>>
    %dma_start3A_12 = arith.constant 0 : i32
    %dma_start3A_13 = tpu.memref_slice %arg3[%add3A_9, %dma_start3A_12] : memref<8192x1024xf32, #tpu.memory_space<hbm>> -> memref<16x1024xf32, #tpu.memory_space<hbm>>
    tpu.enqueue_dma source(%dma_start3A_13 : memref<16x1024xf32, #tpu.memory_space<hbm>>) target(%arg7 : memref<16x1024xf32, #tpu.memory_space<vmem>>) target_semaphore(%arg13 : memref<!tpu.dma_semaphore, #tpu.memory_space<semaphore_mem>>)
    %scan3A = arith.constant 0 : i32
    %scan3A_14 = arith.constant 0 : i32
    %scan3A_15 = arith.constant 8 : i32
    %scan3A_16 = arith.addi %scan3A_14, %scan3A_15 : i32
    %scan3A_17 = arith.constant 1 : i32
    scf.for %scan3A_30 = %scan3A_14 to %scan3A_16 step %scan3A_17  : i32 {
      %mul3A_31 = arith.constant 2 : i32
      %mul3A_32 = arith.muli %mul3A_31, %scan3A_30 : i32
      %add3A_33 = arith.constant 0 : i32
      %add3A_34 = arith.addi %mul3A_32, %add3A_33 : i32
      %add3A_35 = arith.constant 2 : i32
      %add3A_36 = arith.addi %add3A_34, %add3A_35 : i32
      %sub3A = arith.constant 1 : i32
      %sub3A_37 = arith.subi %add3A_36, %sub3A : i32
      %lt3A = arith.constant 16 : i32
      %lt3A_38 = arith.cmpi slt, %sub3A_37, %lt3A : i32
      %convert_element_type3A = arith.extui %lt3A_38 : i1 to i32
      %cond3A = arith.constant 0 : i32
      %cond3A_39 = arith.cmpi ne, %convert_element_type3A, %cond3A : i32
      scf.if %cond3A_39 {
        %add3A_112 = arith.constant 2 : i32
        %add3A_113 = arith.addi %add3A_34, %add3A_112 : i32
        %sub3A_114 = arith.constant 1 : i32
        %sub3A_115 = arith.subi %add3A_113, %sub3A_114 : i32
        %mul3A_116 = arith.constant 16 : i32
        %mul3A_117 = arith.muli %sub3A_115, %mul3A_116 : i32
        %add3A_118 = arith.addi %mul3A_2, %mul3A_117 : i32
        %dma_start3A_119 = arith.constant 0 : i32
        %dma_start3A_120 = tpu.memref_slice %arg2[%add3A_118, %dma_start3A_119] : memref<8192x1024xf32, #tpu.memory_space<hbm>> -> memref<16x1024xf32, #tpu.memory_space<hbm>>
        %dma_start3A_121 = arith.constant 0 : i32
        %dma_start3A_122 = tpu.memref_slice %arg2[%add3A_118, %dma_start3A_121] : memref<8192x1024xf32, #tpu.memory_space<hbm>> -> memref<16x1024xf32, #tpu.memory_space<hbm>>
        tpu.enqueue_dma source(%dma_start3A_122 : memref<16x1024xf32, #tpu.memory_space<hbm>>) target(%arg6 : memref<16x1024xf32, #tpu.memory_space<vmem>>) target_semaphore(%arg12 : memref<!tpu.dma_semaphore, #tpu.memory_space<semaphore_mem>>)
        %mul3A_123 = arith.constant 16 : i32
        %mul3A_124 = arith.muli %sub3A_115, %mul3A_123 : i32
        %add3A_125 = arith.addi %mul3A_2, %mul3A_124 : i32
        %dma_start3A_126 = arith.constant 0 : i32
        %dma_start3A_127 = tpu.memref_slice %arg3[%add3A_125, %dma_start3A_126] : memref<8192x1024xf32, #tpu.memory_space<hbm>> -> memref<16x1024xf32, #tpu.memory_space<hbm>>
        %dma_start3A_128 = arith.constant 0 : i32
        %dma_start3A_129 = tpu.memref_slice %arg3[%add3A_125, %dma_start3A_128] : memref<8192x1024xf32, #tpu.memory_space<hbm>> -> memref<16x1024xf32, #tpu.memory_space<hbm>>
        tpu.enqueue_dma source(%dma_start3A_129 : memref<16x1024xf32, #tpu.memory_space<hbm>>) target(%arg8 : memref<16x1024xf32, #tpu.memory_space<vmem>>) target_semaphore(%arg14 : memref<!tpu.dma_semaphore, #tpu.memory_space<semaphore_mem>>)
      } else {
      }
      %add3A_40 = arith.constant 0 : i32
      %add3A_41 = arith.addi %mul3A_2, %add3A_40 : i32
      %dma_wait3A_42 = arith.constant 0 : i32
      %dma_wait3A_43 = tpu.memref_slice %arg2[%add3A_41, %dma_wait3A_42] : memref<8192x1024xf32, #tpu.memory_space<hbm>> -> memref<16x1024xf32, #tpu.memory_space<hbm>>
      %dma_wait3A_44 = arith.constant 0 : i32
      %dma_wait3A_45 = tpu.memref_slice %arg2[%add3A_41, %dma_wait3A_44] : memref<8192x1024xf32, #tpu.memory_space<hbm>> -> memref<16x1024xf32, #tpu.memory_space<hbm>>
      tpu.wait_dma2 semaphore(%arg11 : memref<!tpu.dma_semaphore, #tpu.memory_space<semaphore_mem>>) src(%dma_wait3A_45 : memref<16x1024xf32, #tpu.memory_space<hbm>>) dst(%arg5 : memref<16x1024xf32, #tpu.memory_space<vmem>>)
      %add3A_46 = arith.constant 0 : i32
      %add3A_47 = arith.addi %mul3A_2, %add3A_46 : i32
      %dma_wait3A_48 = arith.constant 0 : i32
      %dma_wait3A_49 = tpu.memref_slice %arg3[%add3A_47, %dma_wait3A_48] : memref<8192x1024xf32, #tpu.memory_space<hbm>> -> memref<16x1024xf32, #tpu.memory_space<hbm>>
      %dma_wait3A_50 = arith.constant 0 : i32
      %dma_wait3A_51 = tpu.memref_slice %arg3[%add3A_47, %dma_wait3A_50] : memref<8192x1024xf32, #tpu.memory_space<hbm>> -> memref<16x1024xf32, #tpu.memory_space<hbm>>
      tpu.wait_dma2 semaphore(%arg13 : memref<!tpu.dma_semaphore, #tpu.memory_space<semaphore_mem>>) src(%dma_wait3A_51 : memref<16x1024xf32, #tpu.memory_space<hbm>>) dst(%arg7 : memref<16x1024xf32, #tpu.memory_space<vmem>>)
      %ge3A = arith.constant 2 : i32
      %ge3A_52 = arith.cmpi sge, %add3A_34, %ge3A : i32
      %convert_element_type3A_53 = arith.extui %ge3A_52 : i1 to i32
      %cond3A_54 = arith.constant 0 : i32
      %cond3A_55 = arith.cmpi ne, %convert_element_type3A_53, %cond3A_54 : i32
      scf.if %cond3A_55 {
        %add3A_112 = arith.constant 0 : i32
        %add3A_113 = arith.addi %mul3A_2, %add3A_112 : i32
        %dma_wait3A_114 = arith.constant 0 : i32
        %dma_wait3A_115 = tpu.memref_slice %arg4[%add3A_113, %dma_wait3A_114] : memref<8192x1024xf32, #tpu.memory_space<hbm>> -> memref<16x1024xf32, #tpu.memory_space<hbm>>
        %dma_wait3A_116 = arith.constant 0 : i32
        %dma_wait3A_117 = tpu.memref_slice %arg4[%add3A_113, %dma_wait3A_116] : memref<8192x1024xf32, #tpu.memory_space<hbm>> -> memref<16x1024xf32, #tpu.memory_space<hbm>>
        tpu.wait_dma2 semaphore(%arg15 : memref<!tpu.dma_semaphore, #tpu.memory_space<semaphore_mem>>) src(%arg9 : memref<16x1024xf32, #tpu.memory_space<vmem>>) dst(%dma_wait3A_117 : memref<16x1024xf32, #tpu.memory_space<hbm>>)
      } else {
      }
      %scan3A_56 = arith.constant 0 : i32
      %scan3A_57 = arith.constant 0 : i32
      %scan3A_58 = arith.constant 16 : i32
      %scan3A_59 = arith.addi %scan3A_57, %scan3A_58 : i32
      %scan3A_60 = arith.constant 1 : i32
      scf.for %scan3A_112 = %scan3A_57 to %scan3A_59 step %scan3A_60  : i32 {
        %get3A = arith.index_cast %scan3A_112 : i32 to index
        %get3A_113 = arith.constant 0 : index
        %get3A_114 = tpu.vector_load %arg5[%get3A, %get3A_113] {strides = array<i32>} : memref<16x1024xf32, #tpu.memory_space<vmem>>, vector<1x16xf32>,
        %get3A_115 = vector.shape_cast %get3A_114 : vector<1x16xf32> to vector<16xf32>
        %get3A_116 = arith.index_cast %scan3A_112 : i32 to index
        %get3A_117 = arith.constant 0 : index
        %get3A_118 = tpu.vector_load %arg7[%get3A_116, %get3A_117] {strides = array<i32>} : memref<16x1024xf32, #tpu.memory_space<vmem>>, vector<1x16xf32>,
        %get3A_119 = vector.shape_cast %get3A_118 : vector<1x16xf32> to vector<16xf32>
        %add3A_120 = arith.addf %get3A_115, %get3A_119 : vector<16xf32>
        %swap3A = arith.index_cast %scan3A_112 : i32 to index
        %swap3A_121 = arith.constant 0 : index
        %swap3A_122 = tpu.vector_load %arg9[%swap3A, %swap3A_121] {strides = array<i32>} : memref<16x1024xf32, #tpu.memory_space<vmem>>, vector<1x16xf32>,
        %swap3A_123 = vector.shape_cast %swap3A_122 : vector<1x16xf32> to vector<16xf32>
        %swap3A_124 = vector.shape_cast %add3A_120 : vector<16xf32> to vector<1x16xf32>
        tpu.vector_store %arg9[%swap3A, %swap3A_121], %swap3A_124 {strides = array<i32>} : memref<16x1024xf32, #tpu.memory_space<vmem>>, vector<1x16xf32>,
        %get3A_125 = arith.index_cast %scan3A_112 : i32 to index
        %get3A_126 = arith.constant 16 : index
        %get3A_127 = tpu.vector_load %arg5[%get3A_125, %get3A_126] {strides = array<i32>} : memref<16x1024xf32, #tpu.memory_space<vmem>>, vector<1x16xf32>,
        %get3A_128 = vector.shape_cast %get3A_127 : vector<1x16xf32> to vector<16xf32>
        %get3A_129 = arith.index_cast %scan3A_112 : i32 to index
        %get3A_130 = arith.constant 16 : index
        %get3A_131 = tpu.vector_load %arg7[%get3A_129, %get3A_130] {strides = array<i32>} : memref<16x1024xf32, #tpu.memory_space<vmem>>, vector<1x16xf32>,
        %get3A_132 = vector.shape_cast %get3A_131 : vector<1x16xf32> to vector<16xf32>
        %add3A_133 = arith.addf %get3A_128, %get3A_132 : vector<16xf32>
        %swap3A_134 = arith.index_cast %scan3A_112 : i32 to index
        %swap3A_135 = arith.constant 16 : index
        %swap3A_136 = tpu.vector_load %arg9[%swap3A_134, %swap3A_135] {strides = array<i32>} : memref<16x1024xf32, #tpu.memory_space<vmem>>, vector<1x16xf32>,
        %swap3A_137 = vector.shape_cast %swap3A_136 : vector<1x16xf32> to vector<16xf32>
        %swap3A_138 = vector.shape_cast %add3A_133 : vector<16xf32> to vector<1x16xf32>
        tpu.vector_store %arg9[%swap3A_134, %swap3A_135], %swap3A_138 {strides = array<i32>} : memref<16x1024xf32, #tpu.memory_space<vmem>>, vector<1x16xf32>,
        %get3A_139 = arith.index_cast %scan3A_112 : i32 to index
        %get3A_140 = arith.constant 32 : index
        %get3A_141 = tpu.vector_load %arg5[%get3A_139, %get3A_140] {strides = array<i32>} : memref<16x1024xf32, #tpu.memory_space<vmem>>, vector<1x16xf32>,
        %get3A_142 = vector.shape_cast %get3A_141 : vector<1x16xf32> to vector<16xf32>
        %get3A_143 = arith.index_cast %scan3A_112 : i32 to index
        %get3A_144 = arith.constant 32 : index
        %get3A_145 = tpu.vector_load %arg7[%get3A_143, %get3A_144] {strides = array<i32>} : memref<16x1024xf32, #tpu.memory_space<vmem>>, vector<1x16xf32>,
        %get3A_146 = vector.shape_cast %get3A_145 : vector<1x16xf32> to vector<16xf32>
        %add3A_147 = arith.addf %get3A_142, %get3A_146 : vector<16xf32>
        %swap3A_148 = arith.index_cast %scan3A_112 : i32 to index
        %swap3A_149 = arith.constant 32 : index
        %swap3A_150 = tpu.vector_load %arg9[%swap3A_148, %swap3A_149] {strides = array<i32>} : memref<16x1024xf32, #tpu.memory_space<vmem>>, vector<1x16xf32>,
        %swap3A_151 = vector.shape_cast %swap3A_150 : vector<1x16xf32> to vector<16xf32>
        %swap3A_152 = vector.shape_cast %add3A_147 : vector<16xf32> to vector<1x16xf32>
        tpu.vector_store %arg9[%swap3A_148, %swap3A_149], %swap3A_152 {strides = array<i32>} : memref<16x1024xf32, #tpu.memory_space<vmem>>, vector<1x16xf32>,
        %get3A_153 = arith.index_cast %scan3A_112 : i32 to index
        %get3A_154 = arith.constant 48 : index
        %get3A_155 = tpu.vector_load %arg5[%get3A_153, %get3A_154] {strides = array<i32>} : memref<16x1024xf32, #tpu.memory_space<vmem>>, vector<1x16xf32>,
        %get3A_156 = vector.shape_cast %get3A_155 : vector<1x16xf32> to vector<16xf32>
        %get3A_157 = arith.index_cast %scan3A_112 : i32 to index
        %get3A_158 = arith.constant 48 : index
        %get3A_159 = tpu.vector_load %arg7[%get3A_157, %get3A_158] {strides = array<i32>} : memref<16x1024xf32, #tpu.memory_space<vmem>>, vector<1x16xf32>,
        %get3A_160 = vector.shape_cast %get3A_159 : vector<1x16xf32> to vector<16xf32>
        %add3A_161 = arith.addf %get3A_156, %get3A_160 : vector<16xf32>
        %swap3A_162 = arith.index_cast %scan3A_112 : i32 to index
        %swap3A_163 = arith.constant 48 : index
        %swap3A_164 = tpu.vector_load %arg9[%swap3A_162, %swap3A_163] {strides = array<i32>} : memref<16x1024xf32, #tpu.memory_space<vmem>>, vector<1x16xf32>,
        %swap3A_165 = vector.shape_cast %swap3A_164 : vector<1x16xf32> to vector<16xf32>
        %swap3A_166 = vector.shape_cast %add3A_161 : vector<16xf32> to vector<1x16xf32>
        tpu.vector_store %arg9[%swap3A_162, %swap3A_163], %swap3A_166 {strides = array<i32>} : memref<16x1024xf32, #tpu.memory_space<vmem>>, vector<1x16xf32>,
        %get3A_167 = arith.index_cast %scan3A_112 : i32 to index
        %get3A_168 = arith.constant 64 : index
        %get3A_169 = tpu.vector_load %arg5[%get3A_167, %get3A_168] {strides = array<i32>} : memref<16x1024xf32, #tpu.memory_space<vmem>>, vector<1x16xf32>,
        %get3A_170 = vector.shape_cast %get3A_169 : vector<1x16xf32> to vector<16xf32>
        %get3A_171 = arith.index_cast %scan3A_112 : i32 to index
        %get3A_172 = arith.constant 64 : index
        %get3A_173 = tpu.vector_load %arg7[%get3A_171, %get3A_172] {strides = array<i32>} : memref<16x1024xf32, #tpu.memory_space<vmem>>, vector<1x16xf32>,
        %get3A_174 = vector.shape_cast %get3A_173 : vector<1x16xf32> to vector<16xf32>
        %add3A_175 = arith.addf %get3A_170, %get3A_174 : vector<16xf32>
        %swap3A_176 = arith.index_cast %scan3A_112 : i32 to index
        %swap3A_177 = arith.constant 64 : index
        %swap3A_178 = tpu.vector_load %arg9[%swap3A_176, %swap3A_177] {strides = array<i32>} : memref<16x1024xf32, #tpu.memory_space<vmem>>, vector<1x16xf32>,
        %swap3A_179 = vector.shape_cast %swap3A_178 : vector<1x16xf32> to vector<16xf32>
        %swap3A_180 = vector.shape_cast %add3A_175 : vector<16xf32> to vector<1x16xf32>
        tpu.vector_store %arg9[%swap3A_176, %swap3A_177], %swap3A_180 {strides = array<i32>} : memref<16x1024xf32, #tpu.memory_space<vmem>>, vector<1x16xf32>,
        %get3A_181 = arith.index_cast %scan3A_112 : i32 to index
        %get3A_182 = arith.constant 80 : index
        %get3A_183 = tpu.vector_load %arg5[%get3A_181, %get3A_182] {strides = array<i32>} : memref<16x1024xf32, #tpu.memory_space<vmem>>, vector<1x16xf32>,
        %get3A_184 = vector.shape_cast %get3A_183 : vector<1x16xf32> to vector<16xf32>
        %get3A_185 = arith.index_cast %scan3A_112 : i32 to index
        %get3A_186 = arith.constant 80 : index
        %get3A_187 = tpu.vector_load %arg7[%get3A_185, %get3A_186] {strides = array<i32>} : memref<16x1024xf32, #tpu.memory_space<vmem>>, vector<1x16xf32>,
        %get3A_188 = vector.shape_cast %get3A_187 : vector<1x16xf32> to vector<16xf32>
        %add3A_189 = arith.addf %get3A_184, %get3A_188 : vector<16xf32>
        %swap3A_190 = arith.index_cast %scan3A_112 : i32 to index
        %swap3A_191 = arith.constant 80 : index
        %swap3A_192 = tpu.vector_load %arg9[%swap3A_190, %swap3A_191] {strides = array<i32>} : memref<16x1024xf32, #tpu.memory_space<vmem>>, vector<1x16xf32>,
        %swap3A_193 = vector.shape_cast %swap3A_192 : vector<1x16xf32> to vector<16xf32>
        %swap3A_194 = vector.shape_cast %add3A_189 : vector<16xf32> to vector<1x16xf32>
        tpu.vector_store %arg9[%swap3A_190, %swap3A_191], %swap3A_194 {strides = array<i32>} : memref<16x1024xf32, #tpu.memory_space<vmem>>, vector<1x16xf32>,
        %get3A_195 = arith.index_cast %scan3A_112 : i32 to index
        %get3A_196 = arith.constant 96 : index
        %get3A_197 = tpu.vector_load %arg5[%get3A_195, %get3A_196] {strides = array<i32>} : memref<16x1024xf32, #tpu.memory_space<vmem>>, vector<1x16xf32>,
        %get3A_198 = vector.shape_cast %get3A_197 : vector<1x16xf32> to vector<16xf32>
        %get3A_199 = arith.index_cast %scan3A_112 : i32 to index
        %get3A_200 = arith.constant 96 : index
        %get3A_201 = tpu.vector_load %arg7[%get3A_199, %get3A_200] {strides = array<i32>} : memref<16x1024xf32, #tpu.memory_space<vmem>>, vector<1x16xf32>,
        %get3A_202 = vector.shape_cast %get3A_201 : vector<1x16xf32> to vector<16xf32>
        %add3A_203 = arith.addf %get3A_198, %get3A_202 : vector<16xf32>
        %swap3A_204 = arith.index_cast %scan3A_112 : i32 to index
        %swap3A_205 = arith.constant 96 : index
        %swap3A_206 = tpu.vector_load %arg9[%swap3A_204, %swap3A_205] {strides = array<i32>} : memref<16x1024xf32, #tpu.memory_space<vmem>>, vector<1x16xf32>,
        %swap3A_207 = vector.shape_cast %swap3A_206 : vector<1x16xf32> to vector<16xf32>
        %swap3A_208 = vector.shape_cast %add3A_203 : vector<16xf32> to vector<1x16xf32>
        tpu.vector_store %arg9[%swap3A_204, %swap3A_205], %swap3A_208 {strides = array<i32>} : memref<16x1024xf32, #tpu.memory_space<vmem>>, vector<1x16xf32>,
        %get3A_209 = arith.index_cast %scan3A_112 : i32 to index
        %get3A_210 = arith.constant 112 : index
        %get3A_211 = tpu.vector_load %arg5[%get3A_209, %get3A_210] {strides = array<i32>} : memref<16x1024xf32, #tpu.memory_space<vmem>>, vector<1x16xf32>,
        %get3A_212 = vector.shape_cast %get3A_211 : vector<1x16xf32> to vector<16xf32>
        %get3A_213 = arith.index_cast %scan3A_112 : i32 to index
        %get3A_214 = arith.constant 112 : index
        %get3A_215 = tpu.vector_load %arg7[%get3A_213, %get3A_214] {strides = array<i32>} : memref<16x1024xf32, #tpu.memory_space<vmem>>, vector<1x16xf32>,
        %get3A_216 = vector.shape_cast %get3A_215 : vector<1x16xf32> to vector<16xf32>
        %add3A_217 = arith.addf %get3A_212, %get3A_216 : vector<16xf32>
        %swap3A_218 = arith.index_cast %scan3A_112 : i32 to index
        %swap3A_219 = arith.constant 112 : index
        %swap3A_220 = tpu.vector_load %arg9[%swap3A_218, %swap3A_219] {strides = array<i32>} : memref<16x1024xf32, #tpu.memory_space<vmem>>, vector<1x16xf32>,
        %swap3A_221 = vector.shape_cast %swap3A_220 : vector<1x16xf32> to vector<16xf32>
        %swap3A_222 = vector.shape_cast %add3A_217 : vector<16xf32> to vector<1x16xf32>
        tpu.vector_store %arg9[%swap3A_218, %swap3A_219], %swap3A_222 {strides = array<i32>} : memref<16x1024xf32, #tpu.memory_space<vmem>>, vector<1x16xf32>,
        %get3A_223 = arith.index_cast %scan3A_112 : i32 to index
        %get3A_224 = arith.constant 128 : index
        %get3A_225 = tpu.vector_load %arg5[%get3A_223, %get3A_224] {strides = array<i32>} : memref<16x1024xf32, #tpu.memory_space<vmem>>, vector<1x16xf32>,
        %get3A_226 = vector.shape_cast %get3A_225 : vector<1x16xf32> to vector<16xf32>
        %get3A_227 = arith.index_cast %scan3A_112 : i32 to index
        %get3A_228 = arith.constant 128 : index
        %get3A_229 = tpu.vector_load %arg7[%get3A_227, %get3A_228] {strides = array<i32>} : memref<16x1024xf32, #tpu.memory_space<vmem>>, vector<1x16xf32>,
        %get3A_230 = vector.shape_cast %get3A_229 : vector<1x16xf32> to vector<16xf32>
        %add3A_231 = arith.addf %get3A_226, %get3A_230 : vector<16xf32>
        %swap3A_232 = arith.index_cast %scan3A_112 : i32 to index
        %swap3A_233 = arith.constant 128 : index
        %swap3A_234 = tpu.vector_load %arg9[%swap3A_232, %swap3A_233] {strides = array<i32>} : memref<16x1024xf32, #tpu.memory_space<vmem>>, vector<1x16xf32>,
        %swap3A_235 = vector.shape_cast %swap3A_234 : vector<1x16xf32> to vector<16xf32>
        %swap3A_236 = vector.shape_cast %add3A_231 : vector<16xf32> to vector<1x16xf32>
        tpu.vector_store %arg9[%swap3A_232, %swap3A_233], %swap3A_236 {strides = array<i32>} : memref<16x1024xf32, #tpu.memory_space<vmem>>, vector<1x16xf32>,
        %get3A_237 = arith.index_cast %scan3A_112 : i32 to index
        %get3A_238 = arith.constant 144 : index
        %get3A_239 = tpu.vector_load %arg5[%get3A_237, %get3A_238] {strides = array<i32>} : memref<16x1024xf32, #tpu.memory_space<vmem>>, vector<1x16xf32>,
        %get3A_240 = vector.shape_cast %get3A_239 : vector<1x16xf32> to vector<16xf32>
        %get3A_241 = arith.index_cast %scan3A_112 : i32 to index
        %get3A_242 = arith.constant 144 : index
        %get3A_243 = tpu.vector_load %arg7[%get3A_241, %get3A_242] {strides = array<i32>} : memref<16x1024xf32, #tpu.memory_space<vmem>>, vector<1x16xf32>,
        %get3A_244 = vector.shape_cast %get3A_243 : vector<1x16xf32> to vector<16xf32>
        %add3A_245 = arith.addf %get3A_240, %get3A_244 : vector<16xf32>
        %swap3A_246 = arith.index_cast %scan3A_112 : i32 to index
        %swap3A_247 = arith.constant 144 : index
        %swap3A_248 = tpu.vector_load %arg9[%swap3A_246, %swap3A_247] {strides = array<i32>} : memref<16x1024xf32, #tpu.memory_space<vmem>>, vector<1x16xf32>,
        %swap3A_249 = vector.shape_cast %swap3A_248 : vector<1x16xf32> to vector<16xf32>
        %swap3A_250 = vector.shape_cast %add3A_245 : vector<16xf32> to vector<1x16xf32>
        tpu.vector_store %arg9[%swap3A_246, %swap3A_247], %swap3A_250 {strides = array<i32>} : memref<16x1024xf32, #tpu.memory_space<vmem>>, vector<1x16xf32>,
        %get3A_251 = arith.index_cast %scan3A_112 : i32 to index
        %get3A_252 = arith.constant 160 : index
        %get3A_253 = tpu.vector_load %arg5[%get3A_251, %get3A_252] {strides = array<i32>} : memref<16x1024xf32, #tpu.memory_space<vmem>>, vector<1x16xf32>,
        %get3A_254 = vector.shape_cast %get3A_253 : vector<1x16xf32> to vector<16xf32>
        %get3A_255 = arith.index_cast %scan3A_112 : i32 to index
        %get3A_256 = arith.constant 160 : index
        %get3A_257 = tpu.vector_load %arg7[%get3A_255, %get3A_256] {strides = array<i32>} : memref<16x1024xf32, #tpu.memory_space<vmem>>, vector<1x16xf32>,
        %get3A_258 = vector.shape_cast %get3A_257 : vector<1x16xf32> to vector<16xf32>
        %add3A_259 = arith.addf %get3A_254, %get3A_258 : vector<16xf32>
        %swap3A_260 = arith.index_cast %scan3A_112 : i32 to index
        %swap3A_261 = arith.constant 160 : index
        %swap3A_262 = tpu.vector_load %arg9[%swap3A_260, %swap3A_261] {strides = array<i32>} : memref<16x1024xf32, #tpu.memory_space<vmem>>, vector<1x16xf32>,
        %swap3A_263 = vector.shape_cast %swap3A_262 : vector<1x16xf32> to vector<16xf32>
        %swap3A_264 = vector.shape_cast %add3A_259 : vector<16xf32> to vector<1x16xf32>
        tpu.vector_store %arg9[%swap3A_260, %swap3A_261], %swap3A_264 {strides = array<i32>} : memref<16x1024xf32, #tpu.memory_space<vmem>>, vector<1x16xf32>,
        %get3A_265 = arith.index_cast %scan3A_112 : i32 to index
        %get3A_266 = arith.constant 176 : index
        %get3A_267 = tpu.vector_load %arg5[%get3A_265, %get3A_266] {strides = array<i32>} : memref<16x1024xf32, #tpu.memory_space<vmem>>, vector<1x16xf32>,
        %get3A_268 = vector.shape_cast %get3A_267 : vector<1x16xf32> to vector<16xf32>
        %get3A_269 = arith.index_cast %scan3A_112 : i32 to index
        %get3A_270 = arith.constant 176 : index
        %get3A_271 = tpu.vector_load %arg7[%get3A_269, %get3A_270] {strides = array<i32>} : memref<16x1024xf32, #tpu.memory_space<vmem>>, vector<1x16xf32>,
        %get3A_272 = vector.shape_cast %get3A_271 : vector<1x16xf32> to vector<16xf32>
        %add3A_273 = arith.addf %get3A_268, %get3A_272 : vector<16xf32>
        %swap3A_274 = arith.index_cast %scan3A_112 : i32 to index
        %swap3A_275 = arith.constant 176 : index
        %swap3A_276 = tpu.vector_load %arg9[%swap3A_274, %swap3A_275] {strides = array<i32>} : memref<16x1024xf32, #tpu.memory_space<vmem>>, vector<1x16xf32>,
        %swap3A_277 = vector.shape_cast %swap3A_276 : vector<1x16xf32> to vector<16xf32>
        %swap3A_278 = vector.shape_cast %add3A_273 : vector<16xf32> to vector<1x16xf32>
        tpu.vector_store %arg9[%swap3A_274, %swap3A_275], %swap3A_278 {strides = array<i32>} : memref<16x1024xf32, #tpu.memory_space<vmem>>, vector<1x16xf32>,
        %get3A_279 = arith.index_cast %scan3A_112 : i32 to index
        %get3A_280 = arith.constant 192 : index
        %get3A_281 = tpu.vector_load %arg5[%get3A_279, %get3A_280] {strides = array<i32>} : memref<16x1024xf32, #tpu.memory_space<vmem>>, vector<1x16xf32>,
        %get3A_282 = vector.shape_cast %get3A_281 : vector<1x16xf32> to vector<16xf32>
        %get3A_283 = arith.index_cast %scan3A_112 : i32 to index
        %get3A_284 = arith.constant 192 : index
        %get3A_285 = tpu.vector_load %arg7[%get3A_283, %get3A_284] {strides = array<i32>} : memref<16x1024xf32, #tpu.memory_space<vmem>>, vector<1x16xf32>,
        %get3A_286 = vector.shape_cast %get3A_285 : vector<1x16xf32> to vector<16xf32>
        %add3A_287 = arith.addf %get3A_282, %get3A_286 : vector<16xf32>
        %swap3A_288 = arith.index_cast %scan3A_112 : i32 to index
        %swap3A_289 = arith.constant 192 : index
        %swap3A_290 = tpu.vector_load %arg9[%swap3A_288, %swap3A_289] {strides = array<i32>} : memref<16x1024xf32, #tpu.memory_space<vmem>>, vector<1x16xf32>,
        %swap3A_291 = vector.shape_cast %swap3A_290 : vector<1x16xf32> to vector<16xf32>
        %swap3A_292 = vector.shape_cast %add3A_287 : vector<16xf32> to vector<1x16xf32>
        tpu.vector_store %arg9[%swap3A_288, %swap3A_289], %swap3A_292 {strides = array<i32>} : memref<16x1024xf32, #tpu.memory_space<vmem>>, vector<1x16xf32>,
        %get3A_293 = arith.index_cast %scan3A_112 : i32 to index
        %get3A_294 = arith.constant 208 : index
        %get3A_295 = tpu.vector_load %arg5[%get3A_293, %get3A_294] {strides = array<i32>} : memref<16x1024xf32, #tpu.memory_space<vmem>>, vector<1x16xf32>,
        %get3A_296 = vector.shape_cast %get3A_295 : vector<1x16xf32> to vector<16xf32>
        %get3A_297 = arith.index_cast %scan3A_112 : i32 to index
        %get3A_298 = arith.constant 208 : index
        %get3A_299 = tpu.vector_load %arg7[%get3A_297, %get3A_298] {strides = array<i32>} : memref<16x1024xf32, #tpu.memory_space<vmem>>, vector<1x16xf32>,
        %get3A_300 = vector.shape_cast %get3A_299 : vector<1x16xf32> to vector<16xf32>
        %add3A_301 = arith.addf %get3A_296, %get3A_300 : vector<16xf32>
        %swap3A_302 = arith.index_cast %scan3A_112 : i32 to index
        %swap3A_303 = arith.constant 208 : index
        %swap3A_304 = tpu.vector_load %arg9[%swap3A_302, %swap3A_303] {strides = array<i32>} : memref<16x1024xf32, #tpu.memory_space<vmem>>, vector<1x16xf32>,
        %swap3A_305 = vector.shape_cast %swap3A_304 : vector<1x16xf32> to vector<16xf32>
        %swap3A_306 = vector.shape_cast %add3A_301 : vector<16xf32> to vector<1x16xf32>
        tpu.vector_store %arg9[%swap3A_302, %swap3A_303], %swap3A_306 {strides = array<i32>} : memref<16x1024xf32, #tpu.memory_space<vmem>>, vector<1x16xf32>,
        %get3A_307 = arith.index_cast %scan3A_112 : i32 to index
        %get3A_308 = arith.constant 224 : index
        %get3A_309 = tpu.vector_load %arg5[%get3A_307, %get3A_308] {strides = array<i32>} : memref<16x1024xf32, #tpu.memory_space<vmem>>, vector<1x16xf32>,
        %get3A_310 = vector.shape_cast %get3A_309 : vector<1x16xf32> to vector<16xf32>
        %get3A_311 = arith.index_cast %scan3A_112 : i32 to index
        %get3A_312 = arith.constant 224 : index
        %get3A_313 = tpu.vector_load %arg7[%get3A_311, %get3A_312] {strides = array<i32>} : memref<16x1024xf32, #tpu.memory_space<vmem>>, vector<1x16xf32>,
        %get3A_314 = vector.shape_cast %get3A_313 : vector<1x16xf32> to vector<16xf32>
        %add3A_315 = arith.addf %get3A_310, %get3A_314 : vector<16xf32>
        %swap3A_316 = arith.index_cast %scan3A_112 : i32 to index
        %swap3A_317 = arith.constant 224 : index
        %swap3A_318 = tpu.vector_load %arg9[%swap3A_316, %swap3A_317] {strides = array<i32>} : memref<16x1024xf32, #tpu.memory_space<vmem>>, vector<1x16xf32>,
        %swap3A_319 = vector.shape_cast %swap3A_318 : vector<1x16xf32> to vector<16xf32>
        %swap3A_320 = vector.shape_cast %add3A_315 : vector<16xf32> to vector<1x16xf32>
        tpu.vector_store %arg9[%swap3A_316, %swap3A_317], %swap3A_320 {strides = array<i32>} : memref<16x1024xf32, #tpu.memory_space<vmem>>, vector<1x16xf32>,
        %get3A_321 = arith.index_cast %scan3A_112 : i32 to index
        %get3A_322 = arith.constant 240 : index
        %get3A_323 = tpu.vector_load %arg5[%get3A_321, %get3A_322] {strides = array<i32>} : memref<16x1024xf32, #tpu.memory_space<vmem>>, vector<1x16xf32>,
        %get3A_324 = vector.shape_cast %get3A_323 : vector<1x16xf32> to vector<16xf32>
        %get3A_325 = arith.index_cast %scan3A_112 : i32 to index
        %get3A_326 = arith.constant 240 : index
        %get3A_327 = tpu.vector_load %arg7[%get3A_325, %get3A_326] {strides = array<i32>} : memref<16x1024xf32, #tpu.memory_space<vmem>>, vector<1x16xf32>,
        %get3A_328 = vector.shape_cast %get3A_327 : vector<1x16xf32> to vector<16xf32>
        %add3A_329 = arith.addf %get3A_324, %get3A_328 : vector<16xf32>
        %swap3A_330 = arith.index_cast %scan3A_112 : i32 to index
        %swap3A_331 = arith.constant 240 : index
        %swap3A_332 = tpu.vector_load %arg9[%swap3A_330, %swap3A_331] {strides = array<i32>} : memref<16x1024xf32, #tpu.memory_space<vmem>>, vector<1x16xf32>,
        %swap3A_333 = vector.shape_cast %swap3A_332 : vector<1x16xf32> to vector<16xf32>
        %swap3A_334 = vector.shape_cast %add3A_329 : vector<16xf32> to vector<1x16xf32>
        tpu.vector_store %arg9[%swap3A_330, %swap3A_331], %swap3A_334 {strides = array<i32>} : memref<16x1024xf32, #tpu.memory_space<vmem>>, vector<1x16xf32>,
        %get3A_335 = arith.index_cast %scan3A_112 : i32 to index
        %get3A_336 = arith.constant 256 : index
        %get3A_337 = tpu.vector_load %arg5[%get3A_335, %get3A_336] {strides = array<i32>} : memref<16x1024xf32, #tpu.memory_space<vmem>>, vector<1x16xf32>,
        %get3A_338 = vector.shape_cast %get3A_337 : vector<1x16xf32> to vector<16xf32>
        %get3A_339 = arith.index_cast %scan3A_112 : i32 to index
        %get3A_340 = arith.constant 256 : index
        %get3A_341 = tpu.vector_load %arg7[%get3A_339, %get3A_340] {strides = array<i32>} : memref<16x1024xf32, #tpu.memory_space<vmem>>, vector<1x16xf32>,
        %get3A_342 = vector.shape_cast %get3A_341 : vector<1x16xf32> to vector<16xf32>
        %add3A_343 = arith.addf %get3A_338, %get3A_342 : vector<16xf32>
        %swap3A_344 = arith.index_cast %scan3A_112 : i32 to index
        %swap3A_345 = arith.constant 256 : index
        %swap3A_346 = tpu.vector_load %arg9[%swap3A_344, %swap3A_345] {strides = array<i32>} : memref<16x1024xf32, #tpu.memory_space<vmem>>, vector<1x16xf32>,
        %swap3A_347 = vector.shape_cast %swap3A_346 : vector<1x16xf32> to vector<16xf32>
        %swap3A_348 = vector.shape_cast %add3A_343 : vector<16xf32> to vector<1x16xf32>
        tpu.vector_store %arg9[%swap3A_344, %swap3A_345], %swap3A_348 {strides = array<i32>} : memref<16x1024xf32, #tpu.memory_space<vmem>>, vector<1x16xf32>,
        %get3A_349 = arith.index_cast %scan3A_112 : i32 to index
        %get3A_350 = arith.constant 272 : index
        %get3A_351 = tpu.vector_load %arg5[%get3A_349, %get3A_350] {strides = array<i32>} : memref<16x1024xf32, #tpu.memory_space<vmem>>, vector<1x16xf32>,
        %get3A_352 = vector.shape_cast %get3A_351 : vector<1x16xf32> to vector<16xf32>
        %get3A_353 = arith.index_cast %scan3A_112 : i32 to index
        %get3A_354 = arith.constant 272 : index
        %get3A_355 = tpu.vector_load %arg7[%get3A_353, %get3A_354] {strides = array<i32>} : memref<16x1024xf32, #tpu.memory_space<vmem>>, vector<1x16xf32>,
        %get3A_356 = vector.shape_cast %get3A_355 : vector<1x16xf32> to vector<16xf32>
        %add3A_357 = arith.addf %get3A_352, %get3A_356 : vector<16xf32>
        %swap3A_358 = arith.index_cast %scan3A_112 : i32 to index
        %swap3A_359 = arith.constant 272 : index
        %swap3A_360 = tpu.vector_load %arg9[%swap3A_358, %swap3A_359] {strides = array<i32>} : memref<16x1024xf32, #tpu.memory_space<vmem>>, vector<1x16xf32>,
        %swap3A_361 = vector.shape_cast %swap3A_360 : vector<1x16xf32> to vector<16xf32>
        %swap3A_362 = vector.shape_cast %add3A_357 : vector<16xf32> to vector<1x16xf32>
        tpu.vector_store %arg9[%swap3A_358, %swap3A_359], %swap3A_362 {strides = array<i32>} : memref<16x1024xf32, #tpu.memory_space<vmem>>, vector<1x16xf32>,
        %get3A_363 = arith.index_cast %scan3A_112 : i32 to index
        %get3A_364 = arith.constant 288 : index
        %get3A_365 = tpu.vector_load %arg5[%get3A_363, %get3A_364] {strides = array<i32>} : memref<16x1024xf32, #tpu.memory_space<vmem>>, vector<1x16xf32>,
        %get3A_366 = vector.shape_cast %get3A_365 : vector<1x16xf32> to vector<16xf32>
        %get3A_367 = arith.index_cast %scan3A_112 : i32 to index
        %get3A_368 = arith.constant 288 : index
        %get3A_369 = tpu.vector_load %arg7[%get3A_367, %get3A_368] {strides = array<i32>} : memref<16x1024xf32, #tpu.memory_space<vmem>>, vector<1x16xf32>,
        %get3A_370 = vector.shape_cast %get3A_369 : vector<1x16xf32> to vector<16xf32>
        %add3A_371 = arith.addf %get3A_366, %get3A_370 : vector<16xf32>
        %swap3A_372 = arith.index_cast %scan3A_112 : i32 to index
        %swap3A_373 = arith.constant 288 : index
        %swap3A_374 = tpu.vector_load %arg9[%swap3A_372, %swap3A_373] {strides = array<i32>} : memref<16x1024xf32, #tpu.memory_space<vmem>>, vector<1x16xf32>,
        %swap3A_375 = vector.shape_cast %swap3A_374 : vector<1x16xf32> to vector<16xf32>
        %swap3A_376 = vector.shape_cast %add3A_371 : vector<16xf32> to vector<1x16xf32>
        tpu.vector_store %arg9[%swap3A_372, %swap3A_373], %swap3A_376 {strides = array<i32>} : memref<16x1024xf32, #tpu.memory_space<vmem>>, vector<1x16xf32>,
        %get3A_377 = arith.index_cast %scan3A_112 : i32 to index
        %get3A_378 = arith.constant 304 : index
        %get3A_379 = tpu.vector_load %arg5[%get3A_377, %get3A_378] {strides = array<i32>} : memref<16x1024xf32, #tpu.memory_space<vmem>>, vector<1x16xf32>,
        %get3A_380 = vector.shape_cast %get3A_379 : vector<1x16xf32> to vector<16xf32>
        %get3A_381 = arith.index_cast %scan3A_112 : i32 to index
        %get3A_382 = arith.constant 304 : index
        %get3A_383 = tpu.vector_load %arg7[%get3A_381, %get3A_382] {strides = array<i32>} : memref<16x1024xf32, #tpu.memory_space<vmem>>, vector<1x16xf32>,
        %get3A_384 = vector.shape_cast %get3A_383 : vector<1x16xf32> to vector<16xf32>
        %add3A_385 = arith.addf %get3A_380, %get3A_384 : vector<16xf32>
        %swap3A_386 = arith.index_cast %scan3A_112 : i32 to index
        %swap3A_387 = arith.constant 304 : index
        %swap3A_388 = tpu.vector_load %arg9[%swap3A_386, %swap3A_387] {strides = array<i32>} : memref<16x1024xf32, #tpu.memory_space<vmem>>, vector<1x16xf32>,
        %swap3A_389 = vector.shape_cast %swap3A_388 : vector<1x16xf32> to vector<16xf32>
        %swap3A_390 = vector.shape_cast %add3A_385 : vector<16xf32> to vector<1x16xf32>
        tpu.vector_store %arg9[%swap3A_386, %swap3A_387], %swap3A_390 {strides = array<i32>} : memref<16x1024xf32, #tpu.memory_space<vmem>>, vector<1x16xf32>,
        %get3A_391 = arith.index_cast %scan3A_112 : i32 to index
        %get3A_392 = arith.constant 320 : index
        %get3A_393 = tpu.vector_load %arg5[%get3A_391, %get3A_392] {strides = array<i32>} : memref<16x1024xf32, #tpu.memory_space<vmem>>, vector<1x16xf32>,
        %get3A_394 = vector.shape_cast %get3A_393 : vector<1x16xf32> to vector<16xf32>
        %get3A_395 = arith.index_cast %scan3A_112 : i32 to index
        %get3A_396 = arith.constant 320 : index
        %get3A_397 = tpu.vector_load %arg7[%get3A_395, %get3A_396] {strides = array<i32>} : memref<16x1024xf32, #tpu.memory_space<vmem>>, vector<1x16xf32>,
        %get3A_398 = vector.shape_cast %get3A_397 : vector<1x16xf32> to vector<16xf32>
        %add3A_399 = arith.addf %get3A_394, %get3A_398 : vector<16xf32>
        %swap3A_400 = arith.index_cast %scan3A_112 : i32 to index
        %swap3A_401 = arith.constant 320 : index
        %swap3A_402 = tpu.vector_load %arg9[%swap3A_400, %swap3A_401] {strides = array<i32>} : memref<16x1024xf32, #tpu.memory_space<vmem>>, vector<1x16xf32>,
        %swap3A_403 = vector.shape_cast %swap3A_402 : vector<1x16xf32> to vector<16xf32>
        %swap3A_404 = vector.shape_cast %add3A_399 : vector<16xf32> to vector<1x16xf32>
        tpu.vector_store %arg9[%swap3A_400, %swap3A_401], %swap3A_404 {strides = array<i32>} : memref<16x1024xf32, #tpu.memory_space<vmem>>, vector<1x16xf32>,
        %get3A_405 = arith.index_cast %scan3A_112 : i32 to index
        %get3A_406 = arith.constant 336 : index
        %get3A_407 = tpu.vector_load %arg5[%get3A_405, %get3A_406] {strides = array<i32>} : memref<16x1024xf32, #tpu.memory_space<vmem>>, vector<1x16xf32>,
        %get3A_408 = vector.shape_cast %get3A_407 : vector<1x16xf32> to vector<16xf32>
        %get3A_409 = arith.index_cast %scan3A_112 : i32 to index
        %get3A_410 = arith.constant 336 : index
        %get3A_411 = tpu.vector_load %arg7[%get3A_409, %get3A_410] {strides = array<i32>} : memref<16x1024xf32, #tpu.memory_space<vmem>>, vector<1x16xf32>,
        %get3A_412 = vector.shape_cast %get3A_411 : vector<1x16xf32> to vector<16xf32>
        %add3A_413 = arith.addf %get3A_408, %get3A_412 : vector<16xf32>
        %swap3A_414 = arith.index_cast %scan3A_112 : i32 to index
        %swap3A_415 = arith.constant 336 : index
        %swap3A_416 = tpu.vector_load %arg9[%swap3A_414, %swap3A_415] {strides = array<i32>} : memref<16x1024xf32, #tpu.memory_space<vmem>>, vector<1x16xf32>,
        %swap3A_417 = vector.shape_cast %swap3A_416 : vector<1x16xf32> to vector<16xf32>
        %swap3A_418 = vector.shape_cast %add3A_413 : vector<16xf32> to vector<1x16xf32>
        tpu.vector_store %arg9[%swap3A_414, %swap3A_415], %swap3A_418 {strides = array<i32>} : memref<16x1024xf32, #tpu.memory_space<vmem>>, vector<1x16xf32>,
        %get3A_419 = arith.index_cast %scan3A_112 : i32 to index
        %get3A_420 = arith.constant 352 : index
        %get3A_421 = tpu.vector_load %arg5[%get3A_419, %get3A_420] {strides = array<i32>} : memref<16x1024xf32, #tpu.memory_space<vmem>>, vector<1x16xf32>,
        %get3A_422 = vector.shape_cast %get3A_421 : vector<1x16xf32> to vector<16xf32>
        %get3A_423 = arith.index_cast %scan3A_112 : i32 to index
        %get3A_424 = arith.constant 352 : index
        %get3A_425 = tpu.vector_load %arg7[%get3A_423, %get3A_424] {strides = array<i32>} : memref<16x1024xf32, #tpu.memory_space<vmem>>, vector<1x16xf32>,
        %get3A_426 = vector.shape_cast %get3A_425 : vector<1x16xf32> to vector<16xf32>
        %add3A_427 = arith.addf %get3A_422, %get3A_426 : vector<16xf32>
        %swap3A_428 = arith.index_cast %scan3A_112 : i32 to index
        %swap3A_429 = arith.constant 352 : index
        %swap3A_430 = tpu.vector_load %arg9[%swap3A_428, %swap3A_429] {strides = array<i32>} : memref<16x1024xf32, #tpu.memory_space<vmem>>, vector<1x16xf32>,
        %swap3A_431 = vector.shape_cast %swap3A_430 : vector<1x16xf32> to vector<16xf32>
        %swap3A_432 = vector.shape_cast %add3A_427 : vector<16xf32> to vector<1x16xf32>
        tpu.vector_store %arg9[%swap3A_428, %swap3A_429], %swap3A_432 {strides = array<i32>} : memref<16x1024xf32, #tpu.memory_space<vmem>>, vector<1x16xf32>,
        %get3A_433 = arith.index_cast %scan3A_112 : i32 to index
        %get3A_434 = arith.constant 368 : index
        %get3A_435 = tpu.vector_load %arg5[%get3A_433, %get3A_434] {strides = array<i32>} : memref<16x1024xf32, #tpu.memory_space<vmem>>, vector<1x16xf32>,
        %get3A_436 = vector.shape_cast %get3A_435 : vector<1x16xf32> to vector<16xf32>
        %get3A_437 = arith.index_cast %scan3A_112 : i32 to index
        %get3A_438 = arith.constant 368 : index
        %get3A_439 = tpu.vector_load %arg7[%get3A_437, %get3A_438] {strides = array<i32>} : memref<16x1024xf32, #tpu.memory_space<vmem>>, vector<1x16xf32>,
        %get3A_440 = vector.shape_cast %get3A_439 : vector<1x16xf32> to vector<16xf32>
        %add3A_441 = arith.addf %get3A_436, %get3A_440 : vector<16xf32>
        %swap3A_442 = arith.index_cast %scan3A_112 : i32 to index
        %swap3A_443 = arith.constant 368 : index
        %swap3A_444 = tpu.vector_load %arg9[%swap3A_442, %swap3A_443] {strides = array<i32>} : memref<16x1024xf32, #tpu.memory_space<vmem>>, vector<1x16xf32>,
        %swap3A_445 = vector.shape_cast %swap3A_444 : vector<1x16xf32> to vector<16xf32>
        %swap3A_446 = vector.shape_cast %add3A_441 : vector<16xf32> to vector<1x16xf32>
        tpu.vector_store %arg9[%swap3A_442, %swap3A_443], %swap3A_446 {strides = array<i32>} : memref<16x1024xf32, #tpu.memory_space<vmem>>, vector<1x16xf32>,
        %get3A_447 = arith.index_cast %scan3A_112 : i32 to index
        %get3A_448 = arith.constant 384 : index
        %get3A_449 = tpu.vector_load %arg5[%get3A_447, %get3A_448] {strides = array<i32>} : memref<16x1024xf32, #tpu.memory_space<vmem>>, vector<1x16xf32>,
        %get3A_450 = vector.shape_cast %get3A_449 : vector<1x16xf32> to vector<16xf32>
        %get3A_451 = arith.index_cast %scan3A_112 : i32 to index
        %get3A_452 = arith.constant 384 : index
        %get3A_453 = tpu.vector_load %arg7[%get3A_451, %get3A_452] {strides = array<i32>} : memref<16x1024xf32, #tpu.memory_space<vmem>>, vector<1x16xf32>,
        %get3A_454 = vector.shape_cast %get3A_453 : vector<1x16xf32> to vector<16xf32>
        %add3A_455 = arith.addf %get3A_450, %get3A_454 : vector<16xf32>
        %swap3A_456 = arith.index_cast %scan3A_112 : i32 to index
        %swap3A_457 = arith.constant 384 : index
        %swap3A_458 = tpu.vector_load %arg9[%swap3A_456, %swap3A_457] {strides = array<i32>} : memref<16x1024xf32, #tpu.memory_space<vmem>>, vector<1x16xf32>,
        %swap3A_459 = vector.shape_cast %swap3A_458 : vector<1x16xf32> to vector<16xf32>
        %swap3A_460 = vector.shape_cast %add3A_455 : vector<16xf32> to vector<1x16xf32>
        tpu.vector_store %arg9[%swap3A_456, %swap3A_457], %swap3A_460 {strides = array<i32>} : memref<16x1024xf32, #tpu.memory_space<vmem>>, vector<1x16xf32>,
        %get3A_461 = arith.index_cast %scan3A_112 : i32 to index
        %get3A_462 = arith.constant 400 : index
        %get3A_463 = tpu.vector_load %arg5[%get3A_461, %get3A_462] {strides = array<i32>} : memref<16x1024xf32, #tpu.memory_space<vmem>>, vector<1x16xf32>,
        %get3A_464 = vector.shape_cast %get3A_463 : vector<1x16xf32> to vector<16xf32>
        %get3A_465 = arith.index_cast %scan3A_112 : i32 to index
        %get3A_466 = arith.constant 400 : index
        %get3A_467 = tpu.vector_load %arg7[%get3A_465, %get3A_466] {strides = array<i32>} : memref<16x1024xf32, #tpu.memory_space<vmem>>, vector<1x16xf32>,
        %get3A_468 = vector.shape_cast %get3A_467 : vector<1x16xf32> to vector<16xf32>
        %add3A_469 = arith.addf %get3A_464, %get3A_468 : vector<16xf32>
        %swap3A_470 = arith.index_cast %scan3A_112 : i32 to index
        %swap3A_471 = arith.constant 400 : index
        %swap3A_472 = tpu.vector_load %arg9[%swap3A_470, %swap3A_471] {strides = array<i32>} : memref<16x1024xf32, #tpu.memory_space<vmem>>, vector<1x16xf32>,
        %swap3A_473 = vector.shape_cast %swap3A_472 : vector<1x16xf32> to vector<16xf32>
        %swap3A_474 = vector.shape_cast %add3A_469 : vector<16xf32> to vector<1x16xf32>
        tpu.vector_store %arg9[%swap3A_470, %swap3A_471], %swap3A_474 {strides = array<i32>} : memref<16x1024xf32, #tpu.memory_space<vmem>>, vector<1x16xf32>,
        %get3A_475 = arith.index_cast %scan3A_112 : i32 to index
        %get3A_476 = arith.constant 416 : index
        %get3A_477 = tpu.vector_load %arg5[%get3A_475, %get3A_476] {strides = array<i32>} : memref<16x1024xf32, #tpu.memory_space<vmem>>, vector<1x16xf32>,
        %get3A_478 = vector.shape_cast %get3A_477 : vector<1x16xf32> to vector<16xf32>
        %get3A_479 = arith.index_cast %scan3A_112 : i32 to index
        %get3A_480 = arith.constant 416 : index
        %get3A_481 = tpu.vector_load %arg7[%get3A_479, %get3A_480] {strides = array<i32>} : memref<16x1024xf32, #tpu.memory_space<vmem>>, vector<1x16xf32>,
        %get3A_482 = vector.shape_cast %get3A_481 : vector<1x16xf32> to vector<16xf32>
        %add3A_483 = arith.addf %get3A_478, %get3A_482 : vector<16xf32>
        %swap3A_484 = arith.index_cast %scan3A_112 : i32 to index
        %swap3A_485 = arith.constant 416 : index
        %swap3A_486 = tpu.vector_load %arg9[%swap3A_484, %swap3A_485] {strides = array<i32>} : memref<16x1024xf32, #tpu.memory_space<vmem>>, vector<1x16xf32>,
        %swap3A_487 = vector.shape_cast %swap3A_486 : vector<1x16xf32> to vector<16xf32>
        %swap3A_488 = vector.shape_cast %add3A_483 : vector<16xf32> to vector<1x16xf32>
        tpu.vector_store %arg9[%swap3A_484, %swap3A_485], %swap3A_488 {strides = array<i32>} : memref<16x1024xf32, #tpu.memory_space<vmem>>, vector<1x16xf32>,
        %get3A_489 = arith.index_cast %scan3A_112 : i32 to index
        %get3A_490 = arith.constant 432 : index
        %get3A_491 = tpu.vector_load %arg5[%get3A_489, %get3A_490] {strides = array<i32>} : memref<16x1024xf32, #tpu.memory_space<vmem>>, vector<1x16xf32>,
        %get3A_492 = vector.shape_cast %get3A_491 : vector<1x16xf32> to vector<16xf32>
        %get3A_493 = arith.index_cast %scan3A_112 : i32 to index
        %get3A_494 = arith.constant 432 : index
        %get3A_495 = tpu.vector_load %arg7[%get3A_493, %get3A_494] {strides = array<i32>} : memref<16x1024xf32, #tpu.memory_space<vmem>>, vector<1x16xf32>,
        %get3A_496 = vector.shape_cast %get3A_495 : vector<1x16xf32> to vector<16xf32>
        %add3A_497 = arith.addf %get3A_492, %get3A_496 : vector<16xf32>
        %swap3A_498 = arith.index_cast %scan3A_112 : i32 to index
        %swap3A_499 = arith.constant 432 : index
        %swap3A_500 = tpu.vector_load %arg9[%swap3A_498, %swap3A_499] {strides = array<i32>} : memref<16x1024xf32, #tpu.memory_space<vmem>>, vector<1x16xf32>,
        %swap3A_501 = vector.shape_cast %swap3A_500 : vector<1x16xf32> to vector<16xf32>
        %swap3A_502 = vector.shape_cast %add3A_497 : vector<16xf32> to vector<1x16xf32>
        tpu.vector_store %arg9[%swap3A_498, %swap3A_499], %swap3A_502 {strides = array<i32>} : memref<16x1024xf32, #tpu.memory_space<vmem>>, vector<1x16xf32>,
        %get3A_503 = arith.index_cast %scan3A_112 : i32 to index
        %get3A_504 = arith.constant 448 : index
        %get3A_505 = tpu.vector_load %arg5[%get3A_503, %get3A_504] {strides = array<i32>} : memref<16x1024xf32, #tpu.memory_space<vmem>>, vector<1x16xf32>,
        %get3A_506 = vector.shape_cast %get3A_505 : vector<1x16xf32> to vector<16xf32>
        %get3A_507 = arith.index_cast %scan3A_112 : i32 to index
        %get3A_508 = arith.constant 448 : index
        %get3A_509 = tpu.vector_load %arg7[%get3A_507, %get3A_508] {strides = array<i32>} : memref<16x1024xf32, #tpu.memory_space<vmem>>, vector<1x16xf32>,
        %get3A_510 = vector.shape_cast %get3A_509 : vector<1x16xf32> to vector<16xf32>
        %add3A_511 = arith.addf %get3A_506, %get3A_510 : vector<16xf32>
        %swap3A_512 = arith.index_cast %scan3A_112 : i32 to index
        %swap3A_513 = arith.constant 448 : index
        %swap3A_514 = tpu.vector_load %arg9[%swap3A_512, %swap3A_513] {strides = array<i32>} : memref<16x1024xf32, #tpu.memory_space<vmem>>, vector<1x16xf32>,
        %swap3A_515 = vector.shape_cast %swap3A_514 : vector<1x16xf32> to vector<16xf32>
        %swap3A_516 = vector.shape_cast %add3A_511 : vector<16xf32> to vector<1x16xf32>
        tpu.vector_store %arg9[%swap3A_512, %swap3A_513], %swap3A_516 {strides = array<i32>} : memref<16x1024xf32, #tpu.memory_space<vmem>>, vector<1x16xf32>,
        %get3A_517 = arith.index_cast %scan3A_112 : i32 to index
        %get3A_518 = arith.constant 464 : index
        %get3A_519 = tpu.vector_load %arg5[%get3A_517, %get3A_518] {strides = array<i32>} : memref<16x1024xf32, #tpu.memory_space<vmem>>, vector<1x16xf32>,
        %get3A_520 = vector.shape_cast %get3A_519 : vector<1x16xf32> to vector<16xf32>
        %get3A_521 = arith.index_cast %scan3A_112 : i32 to index
        %get3A_522 = arith.constant 464 : index
        %get3A_523 = tpu.vector_load %arg7[%get3A_521, %get3A_522] {strides = array<i32>} : memref<16x1024xf32, #tpu.memory_space<vmem>>, vector<1x16xf32>,
        %get3A_524 = vector.shape_cast %get3A_523 : vector<1x16xf32> to vector<16xf32>
        %add3A_525 = arith.addf %get3A_520, %get3A_524 : vector<16xf32>
        %swap3A_526 = arith.index_cast %scan3A_112 : i32 to index
        %swap3A_527 = arith.constant 464 : index
        %swap3A_528 = tpu.vector_load %arg9[%swap3A_526, %swap3A_527] {strides = array<i32>} : memref<16x1024xf32, #tpu.memory_space<vmem>>, vector<1x16xf32>,
        %swap3A_529 = vector.shape_cast %swap3A_528 : vector<1x16xf32> to vector<16xf32>
        %swap3A_530 = vector.shape_cast %add3A_525 : vector<16xf32> to vector<1x16xf32>
        tpu.vector_store %arg9[%swap3A_526, %swap3A_527], %swap3A_530 {strides = array<i32>} : memref<16x1024xf32, #tpu.memory_space<vmem>>, vector<1x16xf32>,
        %get3A_531 = arith.index_cast %scan3A_112 : i32 to index
        %get3A_532 = arith.constant 480 : index
        %get3A_533 = tpu.vector_load %arg5[%get3A_531, %get3A_532] {strides = array<i32>} : memref<16x1024xf32, #tpu.memory_space<vmem>>, vector<1x16xf32>,
        %get3A_534 = vector.shape_cast %get3A_533 : vector<1x16xf32> to vector<16xf32>
        %get3A_535 = arith.index_cast %scan3A_112 : i32 to index
        %get3A_536 = arith.constant 480 : index
        %get3A_537 = tpu.vector_load %arg7[%get3A_535, %get3A_536] {strides = array<i32>} : memref<16x1024xf32, #tpu.memory_space<vmem>>, vector<1x16xf32>,
        %get3A_538 = vector.shape_cast %get3A_537 : vector<1x16xf32> to vector<16xf32>
        %add3A_539 = arith.addf %get3A_534, %get3A_538 : vector<16xf32>
        %swap3A_540 = arith.index_cast %scan3A_112 : i32 to index
        %swap3A_541 = arith.constant 480 : index
        %swap3A_542 = tpu.vector_load %arg9[%swap3A_540, %swap3A_541] {strides = array<i32>} : memref<16x1024xf32, #tpu.memory_space<vmem>>, vector<1x16xf32>,
        %swap3A_543 = vector.shape_cast %swap3A_542 : vector<1x16xf32> to vector<16xf32>
        %swap3A_544 = vector.shape_cast %add3A_539 : vector<16xf32> to vector<1x16xf32>
        tpu.vector_store %arg9[%swap3A_540, %swap3A_541], %swap3A_544 {strides = array<i32>} : memref<16x1024xf32, #tpu.memory_space<vmem>>, vector<1x16xf32>,
        %get3A_545 = arith.index_cast %scan3A_112 : i32 to index
        %get3A_546 = arith.constant 496 : index
        %get3A_547 = tpu.vector_load %arg5[%get3A_545, %get3A_546] {strides = array<i32>} : memref<16x1024xf32, #tpu.memory_space<vmem>>, vector<1x16xf32>,
        %get3A_548 = vector.shape_cast %get3A_547 : vector<1x16xf32> to vector<16xf32>
        %get3A_549 = arith.index_cast %scan3A_112 : i32 to index
        %get3A_550 = arith.constant 496 : index
        %get3A_551 = tpu.vector_load %arg7[%get3A_549, %get3A_550] {strides = array<i32>} : memref<16x1024xf32, #tpu.memory_space<vmem>>, vector<1x16xf32>,
        %get3A_552 = vector.shape_cast %get3A_551 : vector<1x16xf32> to vector<16xf32>
        %add3A_553 = arith.addf %get3A_548, %get3A_552 : vector<16xf32>
        %swap3A_554 = arith.index_cast %scan3A_112 : i32 to index
        %swap3A_555 = arith.constant 496 : index
        %swap3A_556 = tpu.vector_load %arg9[%swap3A_554, %swap3A_555] {strides = array<i32>} : memref<16x1024xf32, #tpu.memory_space<vmem>>, vector<1x16xf32>,
        %swap3A_557 = vector.shape_cast %swap3A_556 : vector<1x16xf32> to vector<16xf32>
        %swap3A_558 = vector.shape_cast %add3A_553 : vector<16xf32> to vector<1x16xf32>
        tpu.vector_store %arg9[%swap3A_554, %swap3A_555], %swap3A_558 {strides = array<i32>} : memref<16x1024xf32, #tpu.memory_space<vmem>>, vector<1x16xf32>,
        %get3A_559 = arith.index_cast %scan3A_112 : i32 to index
        %get3A_560 = arith.constant 512 : index
        %get3A_561 = tpu.vector_load %arg5[%get3A_559, %get3A_560] {strides = array<i32>} : memref<16x1024xf32, #tpu.memory_space<vmem>>, vector<1x16xf32>,
        %get3A_562 = vector.shape_cast %get3A_561 : vector<1x16xf32> to vector<16xf32>
        %get3A_563 = arith.index_cast %scan3A_112 : i32 to index
        %get3A_564 = arith.constant 512 : index
        %get3A_565 = tpu.vector_load %arg7[%get3A_563, %get3A_564] {strides = array<i32>} : memref<16x1024xf32, #tpu.memory_space<vmem>>, vector<1x16xf32>,
        %get3A_566 = vector.shape_cast %get3A_565 : vector<1x16xf32> to vector<16xf32>
        %add3A_567 = arith.addf %get3A_562, %get3A_566 : vector<16xf32>
        %swap3A_568 = arith.index_cast %scan3A_112 : i32 to index
        %swap3A_569 = arith.constant 512 : index
        %swap3A_570 = tpu.vector_load %arg9[%swap3A_568, %swap3A_569] {strides = array<i32>} : memref<16x1024xf32, #tpu.memory_space<vmem>>, vector<1x16xf32>,
        %swap3A_571 = vector.shape_cast %swap3A_570 : vector<1x16xf32> to vector<16xf32>
        %swap3A_572 = vector.shape_cast %add3A_567 : vector<16xf32> to vector<1x16xf32>
        tpu.vector_store %arg9[%swap3A_568, %swap3A_569], %swap3A_572 {strides = array<i32>} : memref<16x1024xf32, #tpu.memory_space<vmem>>, vector<1x16xf32>,
        %get3A_573 = arith.index_cast %scan3A_112 : i32 to index
        %get3A_574 = arith.constant 528 : index
        %get3A_575 = tpu.vector_load %arg5[%get3A_573, %get3A_574] {strides = array<i32>} : memref<16x1024xf32, #tpu.memory_space<vmem>>, vector<1x16xf32>,
        %get3A_576 = vector.shape_cast %get3A_575 : vector<1x16xf32> to vector<16xf32>
        %get3A_577 = arith.index_cast %scan3A_112 : i32 to index
        %get3A_578 = arith.constant 528 : index
        %get3A_579 = tpu.vector_load %arg7[%get3A_577, %get3A_578] {strides = array<i32>} : memref<16x1024xf32, #tpu.memory_space<vmem>>, vector<1x16xf32>,
        %get3A_580 = vector.shape_cast %get3A_579 : vector<1x16xf32> to vector<16xf32>
        %add3A_581 = arith.addf %get3A_576, %get3A_580 : vector<16xf32>
        %swap3A_582 = arith.index_cast %scan3A_112 : i32 to index
        %swap3A_583 = arith.constant 528 : index
        %swap3A_584 = tpu.vector_load %arg9[%swap3A_582, %swap3A_583] {strides = array<i32>} : memref<16x1024xf32, #tpu.memory_space<vmem>>, vector<1x16xf32>,
        %swap3A_585 = vector.shape_cast %swap3A_584 : vector<1x16xf32> to vector<16xf32>
        %swap3A_586 = vector.shape_cast %add3A_581 : vector<16xf32> to vector<1x16xf32>
        tpu.vector_store %arg9[%swap3A_582, %swap3A_583], %swap3A_586 {strides = array<i32>} : memref<16x1024xf32, #tpu.memory_space<vmem>>, vector<1x16xf32>,
        %get3A_587 = arith.index_cast %scan3A_112 : i32 to index
        %get3A_588 = arith.constant 544 : index
        %get3A_589 = tpu.vector_load %arg5[%get3A_587, %get3A_588] {strides = array<i32>} : memref<16x1024xf32, #tpu.memory_space<vmem>>, vector<1x16xf32>,
        %get3A_590 = vector.shape_cast %get3A_589 : vector<1x16xf32> to vector<16xf32>
        %get3A_591 = arith.index_cast %scan3A_112 : i32 to index
        %get3A_592 = arith.constant 544 : index
        %get3A_593 = tpu.vector_load %arg7[%get3A_591, %get3A_592] {strides = array<i32>} : memref<16x1024xf32, #tpu.memory_space<vmem>>, vector<1x16xf32>,
        %get3A_594 = vector.shape_cast %get3A_593 : vector<1x16xf32> to vector<16xf32>
        %add3A_595 = arith.addf %get3A_590, %get3A_594 : vector<16xf32>
        %swap3A_596 = arith.index_cast %scan3A_112 : i32 to index
        %swap3A_597 = arith.constant 544 : index
        %swap3A_598 = tpu.vector_load %arg9[%swap3A_596, %swap3A_597] {strides = array<i32>} : memref<16x1024xf32, #tpu.memory_space<vmem>>, vector<1x16xf32>,
        %swap3A_599 = vector.shape_cast %swap3A_598 : vector<1x16xf32> to vector<16xf32>
        %swap3A_600 = vector.shape_cast %add3A_595 : vector<16xf32> to vector<1x16xf32>
        tpu.vector_store %arg9[%swap3A_596, %swap3A_597], %swap3A_600 {strides = array<i32>} : memref<16x1024xf32, #tpu.memory_space<vmem>>, vector<1x16xf32>,
        %get3A_601 = arith.index_cast %scan3A_112 : i32 to index
        %get3A_602 = arith.constant 560 : index
        %get3A_603 = tpu.vector_load %arg5[%get3A_601, %get3A_602] {strides = array<i32>} : memref<16x1024xf32, #tpu.memory_space<vmem>>, vector<1x16xf32>,
        %get3A_604 = vector.shape_cast %get3A_603 : vector<1x16xf32> to vector<16xf32>
        %get3A_605 = arith.index_cast %scan3A_112 : i32 to index
        %get3A_606 = arith.constant 560 : index
        %get3A_607 = tpu.vector_load %arg7[%get3A_605, %get3A_606] {strides = array<i32>} : memref<16x1024xf32, #tpu.memory_space<vmem>>, vector<1x16xf32>,
        %get3A_608 = vector.shape_cast %get3A_607 : vector<1x16xf32> to vector<16xf32>
        %add3A_609 = arith.addf %get3A_604, %get3A_608 : vector<16xf32>
        %swap3A_610 = arith.index_cast %scan3A_112 : i32 to index
        %swap3A_611 = arith.constant 560 : index
        %swap3A_612 = tpu.vector_load %arg9[%swap3A_610, %swap3A_611] {strides = array<i32>} : memref<16x1024xf32, #tpu.memory_space<vmem>>, vector<1x16xf32>,
        %swap3A_613 = vector.shape_cast %swap3A_612 : vector<1x16xf32> to vector<16xf32>
        %swap3A_614 = vector.shape_cast %add3A_609 : vector<16xf32> to vector<1x16xf32>
        tpu.vector_store %arg9[%swap3A_610, %swap3A_611], %swap3A_614 {strides = array<i32>} : memref<16x1024xf32, #tpu.memory_space<vmem>>, vector<1x16xf32>,
        %get3A_615 = arith.index_cast %scan3A_112 : i32 to index
        %get3A_616 = arith.constant 576 : index
        %get3A_617 = tpu.vector_load %arg5[%get3A_615, %get3A_616] {strides = array<i32>} : memref<16x1024xf32, #tpu.memory_space<vmem>>, vector<1x16xf32>,
        %get3A_618 = vector.shape_cast %get3A_617 : vector<1x16xf32> to vector<16xf32>
        %get3A_619 = arith.index_cast %scan3A_112 : i32 to index
        %get3A_620 = arith.constant 576 : index
        %get3A_621 = tpu.vector_load %arg7[%get3A_619, %get3A_620] {strides = array<i32>} : memref<16x1024xf32, #tpu.memory_space<vmem>>, vector<1x16xf32>,
        %get3A_622 = vector.shape_cast %get3A_621 : vector<1x16xf32> to vector<16xf32>
        %add3A_623 = arith.addf %get3A_618, %get3A_622 : vector<16xf32>
        %swap3A_624 = arith.index_cast %scan3A_112 : i32 to index
        %swap3A_625 = arith.constant 576 : index
        %swap3A_626 = tpu.vector_load %arg9[%swap3A_624, %swap3A_625] {strides = array<i32>} : memref<16x1024xf32, #tpu.memory_space<vmem>>, vector<1x16xf32>,
        %swap3A_627 = vector.shape_cast %swap3A_626 : vector<1x16xf32> to vector<16xf32>
        %swap3A_628 = vector.shape_cast %add3A_623 : vector<16xf32> to vector<1x16xf32>
        tpu.vector_store %arg9[%swap3A_624, %swap3A_625], %swap3A_628 {strides = array<i32>} : memref<16x1024xf32, #tpu.memory_space<vmem>>, vector<1x16xf32>,
        %get3A_629 = arith.index_cast %scan3A_112 : i32 to index
        %get3A_630 = arith.constant 592 : index
        %get3A_631 = tpu.vector_load %arg5[%get3A_629, %get3A_630] {strides = array<i32>} : memref<16x1024xf32, #tpu.memory_space<vmem>>, vector<1x16xf32>,
        %get3A_632 = vector.shape_cast %get3A_631 : vector<1x16xf32> to vector<16xf32>
        %get3A_633 = arith.index_cast %scan3A_112 : i32 to index
        %get3A_634 = arith.constant 592 : index
        %get3A_635 = tpu.vector_load %arg7[%get3A_633, %get3A_634] {strides = array<i32>} : memref<16x1024xf32, #tpu.memory_space<vmem>>, vector<1x16xf32>,
        %get3A_636 = vector.shape_cast %get3A_635 : vector<1x16xf32> to vector<16xf32>
        %add3A_637 = arith.addf %get3A_632, %get3A_636 : vector<16xf32>
        %swap3A_638 = arith.index_cast %scan3A_112 : i32 to index
        %swap3A_639 = arith.constant 592 : index
        %swap3A_640 = tpu.vector_load %arg9[%swap3A_638, %swap3A_639] {strides = array<i32>} : memref<16x1024xf32, #tpu.memory_space<vmem>>, vector<1x16xf32>,
        %swap3A_641 = vector.shape_cast %swap3A_640 : vector<1x16xf32> to vector<16xf32>
        %swap3A_642 = vector.shape_cast %add3A_637 : vector<16xf32> to vector<1x16xf32>
        tpu.vector_store %arg9[%swap3A_638, %swap3A_639], %swap3A_642 {strides = array<i32>} : memref<16x1024xf32, #tpu.memory_space<vmem>>, vector<1x16xf32>,
        %get3A_643 = arith.index_cast %scan3A_112 : i32 to index
        %get3A_644 = arith.constant 608 : index
        %get3A_645 = tpu.vector_load %arg5[%get3A_643, %get3A_644] {strides = array<i32>} : memref<16x1024xf32, #tpu.memory_space<vmem>>, vector<1x16xf32>,
        %get3A_646 = vector.shape_cast %get3A_645 : vector<1x16xf32> to vector<16xf32>
        %get3A_647 = arith.index_cast %scan3A_112 : i32 to index
        %get3A_648 = arith.constant 608 : index
        %get3A_649 = tpu.vector_load %arg7[%get3A_647, %get3A_648] {strides = array<i32>} : memref<16x1024xf32, #tpu.memory_space<vmem>>, vector<1x16xf32>,
        %get3A_650 = vector.shape_cast %get3A_649 : vector<1x16xf32> to vector<16xf32>
        %add3A_651 = arith.addf %get3A_646, %get3A_650 : vector<16xf32>
        %swap3A_652 = arith.index_cast %scan3A_112 : i32 to index
        %swap3A_653 = arith.constant 608 : index
        %swap3A_654 = tpu.vector_load %arg9[%swap3A_652, %swap3A_653] {strides = array<i32>} : memref<16x1024xf32, #tpu.memory_space<vmem>>, vector<1x16xf32>,
        %swap3A_655 = vector.shape_cast %swap3A_654 : vector<1x16xf32> to vector<16xf32>
        %swap3A_656 = vector.shape_cast %add3A_651 : vector<16xf32> to vector<1x16xf32>
        tpu.vector_store %arg9[%swap3A_652, %swap3A_653], %swap3A_656 {strides = array<i32>} : memref<16x1024xf32, #tpu.memory_space<vmem>>, vector<1x16xf32>,
        %get3A_657 = arith.index_cast %scan3A_112 : i32 to index
        %get3A_658 = arith.constant 624 : index
        %get3A_659 = tpu.vector_load %arg5[%get3A_657, %get3A_658] {strides = array<i32>} : memref<16x1024xf32, #tpu.memory_space<vmem>>, vector<1x16xf32>,
        %get3A_660 = vector.shape_cast %get3A_659 : vector<1x16xf32> to vector<16xf32>
        %get3A_661 = arith.index_cast %scan3A_112 : i32 to index
        %get3A_662 = arith.constant 624 : index
        %get3A_663 = tpu.vector_load %arg7[%get3A_661, %get3A_662] {strides = array<i32>} : memref<16x1024xf32, #tpu.memory_space<vmem>>, vector<1x16xf32>,
        %get3A_664 = vector.shape_cast %get3A_663 : vector<1x16xf32> to vector<16xf32>
        %add3A_665 = arith.addf %get3A_660, %get3A_664 : vector<16xf32>
        %swap3A_666 = arith.index_cast %scan3A_112 : i32 to index
        %swap3A_667 = arith.constant 624 : index
        %swap3A_668 = tpu.vector_load %arg9[%swap3A_666, %swap3A_667] {strides = array<i32>} : memref<16x1024xf32, #tpu.memory_space<vmem>>, vector<1x16xf32>,
        %swap3A_669 = vector.shape_cast %swap3A_668 : vector<1x16xf32> to vector<16xf32>
        %swap3A_670 = vector.shape_cast %add3A_665 : vector<16xf32> to vector<1x16xf32>
        tpu.vector_store %arg9[%swap3A_666, %swap3A_667], %swap3A_670 {strides = array<i32>} : memref<16x1024xf32, #tpu.memory_space<vmem>>, vector<1x16xf32>,
        %get3A_671 = arith.index_cast %scan3A_112 : i32 to index
        %get3A_672 = arith.constant 640 : index
        %get3A_673 = tpu.vector_load %arg5[%get3A_671, %get3A_672] {strides = array<i32>} : memref<16x1024xf32, #tpu.memory_space<vmem>>, vector<1x16xf32>,
        %get3A_674 = vector.shape_cast %get3A_673 : vector<1x16xf32> to vector<16xf32>
        %get3A_675 = arith.index_cast %scan3A_112 : i32 to index
        %get3A_676 = arith.constant 640 : index
        %get3A_677 = tpu.vector_load %arg7[%get3A_675, %get3A_676] {strides = array<i32>} : memref<16x1024xf32, #tpu.memory_space<vmem>>, vector<1x16xf32>,
        %get3A_678 = vector.shape_cast %get3A_677 : vector<1x16xf32> to vector<16xf32>
        %add3A_679 = arith.addf %get3A_674, %get3A_678 : vector<16xf32>
        %swap3A_680 = arith.index_cast %scan3A_112 : i32 to index
        %swap3A_681 = arith.constant 640 : index
        %swap3A_682 = tpu.vector_load %arg9[%swap3A_680, %swap3A_681] {strides = array<i32>} : memref<16x1024xf32, #tpu.memory_space<vmem>>, vector<1x16xf32>,
        %swap3A_683 = vector.shape_cast %swap3A_682 : vector<1x16xf32> to vector<16xf32>
        %swap3A_684 = vector.shape_cast %add3A_679 : vector<16xf32> to vector<1x16xf32>
        tpu.vector_store %arg9[%swap3A_680, %swap3A_681], %swap3A_684 {strides = array<i32>} : memref<16x1024xf32, #tpu.memory_space<vmem>>, vector<1x16xf32>,
        %get3A_685 = arith.index_cast %scan3A_112 : i32 to index
        %get3A_686 = arith.constant 656 : index
        %get3A_687 = tpu.vector_load %arg5[%get3A_685, %get3A_686] {strides = array<i32>} : memref<16x1024xf32, #tpu.memory_space<vmem>>, vector<1x16xf32>,
        %get3A_688 = vector.shape_cast %get3A_687 : vector<1x16xf32> to vector<16xf32>
        %get3A_689 = arith.index_cast %scan3A_112 : i32 to index
        %get3A_690 = arith.constant 656 : index
        %get3A_691 = tpu.vector_load %arg7[%get3A_689, %get3A_690] {strides = array<i32>} : memref<16x1024xf32, #tpu.memory_space<vmem>>, vector<1x16xf32>,
        %get3A_692 = vector.shape_cast %get3A_691 : vector<1x16xf32> to vector<16xf32>
        %add3A_693 = arith.addf %get3A_688, %get3A_692 : vector<16xf32>
        %swap3A_694 = arith.index_cast %scan3A_112 : i32 to index
        %swap3A_695 = arith.constant 656 : index
        %swap3A_696 = tpu.vector_load %arg9[%swap3A_694, %swap3A_695] {strides = array<i32>} : memref<16x1024xf32, #tpu.memory_space<vmem>>, vector<1x16xf32>,
        %swap3A_697 = vector.shape_cast %swap3A_696 : vector<1x16xf32> to vector<16xf32>
        %swap3A_698 = vector.shape_cast %add3A_693 : vector<16xf32> to vector<1x16xf32>
        tpu.vector_store %arg9[%swap3A_694, %swap3A_695], %swap3A_698 {strides = array<i32>} : memref<16x1024xf32, #tpu.memory_space<vmem>>, vector<1x16xf32>,
        %get3A_699 = arith.index_cast %scan3A_112 : i32 to index
        %get3A_700 = arith.constant 672 : index
        %get3A_701 = tpu.vector_load %arg5[%get3A_699, %get3A_700] {strides = array<i32>} : memref<16x1024xf32, #tpu.memory_space<vmem>>, vector<1x16xf32>,
        %get3A_702 = vector.shape_cast %get3A_701 : vector<1x16xf32> to vector<16xf32>
        %get3A_703 = arith.index_cast %scan3A_112 : i32 to index
        %get3A_704 = arith.constant 672 : index
        %get3A_705 = tpu.vector_load %arg7[%get3A_703, %get3A_704] {strides = array<i32>} : memref<16x1024xf32, #tpu.memory_space<vmem>>, vector<1x16xf32>,
        %get3A_706 = vector.shape_cast %get3A_705 : vector<1x16xf32> to vector<16xf32>
        %add3A_707 = arith.addf %get3A_702, %get3A_706 : vector<16xf32>
        %swap3A_708 = arith.index_cast %scan3A_112 : i32 to index
        %swap3A_709 = arith.constant 672 : index
        %swap3A_710 = tpu.vector_load %arg9[%swap3A_708, %swap3A_709] {strides = array<i32>} : memref<16x1024xf32, #tpu.memory_space<vmem>>, vector<1x16xf32>,
        %swap3A_711 = vector.shape_cast %swap3A_710 : vector<1x16xf32> to vector<16xf32>
        %swap3A_712 = vector.shape_cast %add3A_707 : vector<16xf32> to vector<1x16xf32>
        tpu.vector_store %arg9[%swap3A_708, %swap3A_709], %swap3A_712 {strides = array<i32>} : memref<16x1024xf32, #tpu.memory_space<vmem>>, vector<1x16xf32>,
        %get3A_713 = arith.index_cast %scan3A_112 : i32 to index
        %get3A_714 = arith.constant 688 : index
        %get3A_715 = tpu.vector_load %arg5[%get3A_713, %get3A_714] {strides = array<i32>} : memref<16x1024xf32, #tpu.memory_space<vmem>>, vector<1x16xf32>,
        %get3A_716 = vector.shape_cast %get3A_715 : vector<1x16xf32> to vector<16xf32>
        %get3A_717 = arith.index_cast %scan3A_112 : i32 to index
        %get3A_718 = arith.constant 688 : index
        %get3A_719 = tpu.vector_load %arg7[%get3A_717, %get3A_718] {strides = array<i32>} : memref<16x1024xf32, #tpu.memory_space<vmem>>, vector<1x16xf32>,
        %get3A_720 = vector.shape_cast %get3A_719 : vector<1x16xf32> to vector<16xf32>
        %add3A_721 = arith.addf %get3A_716, %get3A_720 : vector<16xf32>
        %swap3A_722 = arith.index_cast %scan3A_112 : i32 to index
        %swap3A_723 = arith.constant 688 : index
        %swap3A_724 = tpu.vector_load %arg9[%swap3A_722, %swap3A_723] {strides = array<i32>} : memref<16x1024xf32, #tpu.memory_space<vmem>>, vector<1x16xf32>,
        %swap3A_725 = vector.shape_cast %swap3A_724 : vector<1x16xf32> to vector<16xf32>
        %swap3A_726 = vector.shape_cast %add3A_721 : vector<16xf32> to vector<1x16xf32>
        tpu.vector_store %arg9[%swap3A_722, %swap3A_723], %swap3A_726 {strides = array<i32>} : memref<16x1024xf32, #tpu.memory_space<vmem>>, vector<1x16xf32>,
        %get3A_727 = arith.index_cast %scan3A_112 : i32 to index
        %get3A_728 = arith.constant 704 : index
        %get3A_729 = tpu.vector_load %arg5[%get3A_727, %get3A_728] {strides = array<i32>} : memref<16x1024xf32, #tpu.memory_space<vmem>>, vector<1x16xf32>,
        %get3A_730 = vector.shape_cast %get3A_729 : vector<1x16xf32> to vector<16xf32>
        %get3A_731 = arith.index_cast %scan3A_112 : i32 to index
        %get3A_732 = arith.constant 704 : index
        %get3A_733 = tpu.vector_load %arg7[%get3A_731, %get3A_732] {strides = array<i32>} : memref<16x1024xf32, #tpu.memory_space<vmem>>, vector<1x16xf32>,
        %get3A_734 = vector.shape_cast %get3A_733 : vector<1x16xf32> to vector<16xf32>
        %add3A_735 = arith.addf %get3A_730, %get3A_734 : vector<16xf32>
        %swap3A_736 = arith.index_cast %scan3A_112 : i32 to index
        %swap3A_737 = arith.constant 704 : index
        %swap3A_738 = tpu.vector_load %arg9[%swap3A_736, %swap3A_737] {strides = array<i32>} : memref<16x1024xf32, #tpu.memory_space<vmem>>, vector<1x16xf32>,
        %swap3A_739 = vector.shape_cast %swap3A_738 : vector<1x16xf32> to vector<16xf32>
        %swap3A_740 = vector.shape_cast %add3A_735 : vector<16xf32> to vector<1x16xf32>
        tpu.vector_store %arg9[%swap3A_736, %swap3A_737], %swap3A_740 {strides = array<i32>} : memref<16x1024xf32, #tpu.memory_space<vmem>>, vector<1x16xf32>,
        %get3A_741 = arith.index_cast %scan3A_112 : i32 to index
        %get3A_742 = arith.constant 720 : index
        %get3A_743 = tpu.vector_load %arg5[%get3A_741, %get3A_742] {strides = array<i32>} : memref<16x1024xf32, #tpu.memory_space<vmem>>, vector<1x16xf32>,
        %get3A_744 = vector.shape_cast %get3A_743 : vector<1x16xf32> to vector<16xf32>
        %get3A_745 = arith.index_cast %scan3A_112 : i32 to index
        %get3A_746 = arith.constant 720 : index
        %get3A_747 = tpu.vector_load %arg7[%get3A_745, %get3A_746] {strides = array<i32>} : memref<16x1024xf32, #tpu.memory_space<vmem>>, vector<1x16xf32>,
        %get3A_748 = vector.shape_cast %get3A_747 : vector<1x16xf32> to vector<16xf32>
        %add3A_749 = arith.addf %get3A_744, %get3A_748 : vector<16xf32>
        %swap3A_750 = arith.index_cast %scan3A_112 : i32 to index
        %swap3A_751 = arith.constant 720 : index
        %swap3A_752 = tpu.vector_load %arg9[%swap3A_750, %swap3A_751] {strides = array<i32>} : memref<16x1024xf32, #tpu.memory_space<vmem>>, vector<1x16xf32>,
        %swap3A_753 = vector.shape_cast %swap3A_752 : vector<1x16xf32> to vector<16xf32>
        %swap3A_754 = vector.shape_cast %add3A_749 : vector<16xf32> to vector<1x16xf32>
        tpu.vector_store %arg9[%swap3A_750, %swap3A_751], %swap3A_754 {strides = array<i32>} : memref<16x1024xf32, #tpu.memory_space<vmem>>, vector<1x16xf32>,
        %get3A_755 = arith.index_cast %scan3A_112 : i32 to index
        %get3A_756 = arith.constant 736 : index
        %get3A_757 = tpu.vector_load %arg5[%get3A_755, %get3A_756] {strides = array<i32>} : memref<16x1024xf32, #tpu.memory_space<vmem>>, vector<1x16xf32>,
        %get3A_758 = vector.shape_cast %get3A_757 : vector<1x16xf32> to vector<16xf32>
        %get3A_759 = arith.index_cast %scan3A_112 : i32 to index
        %get3A_760 = arith.constant 736 : index
        %get3A_761 = tpu.vector_load %arg7[%get3A_759, %get3A_760] {strides = array<i32>} : memref<16x1024xf32, #tpu.memory_space<vmem>>, vector<1x16xf32>,
        %get3A_762 = vector.shape_cast %get3A_761 : vector<1x16xf32> to vector<16xf32>
        %add3A_763 = arith.addf %get3A_758, %get3A_762 : vector<16xf32>
        %swap3A_764 = arith.index_cast %scan3A_112 : i32 to index
        %swap3A_765 = arith.constant 736 : index
        %swap3A_766 = tpu.vector_load %arg9[%swap3A_764, %swap3A_765] {strides = array<i32>} : memref<16x1024xf32, #tpu.memory_space<vmem>>, vector<1x16xf32>,
        %swap3A_767 = vector.shape_cast %swap3A_766 : vector<1x16xf32> to vector<16xf32>
        %swap3A_768 = vector.shape_cast %add3A_763 : vector<16xf32> to vector<1x16xf32>
        tpu.vector_store %arg9[%swap3A_764, %swap3A_765], %swap3A_768 {strides = array<i32>} : memref<16x1024xf32, #tpu.memory_space<vmem>>, vector<1x16xf32>,
        %get3A_769 = arith.index_cast %scan3A_112 : i32 to index
        %get3A_770 = arith.constant 752 : index
        %get3A_771 = tpu.vector_load %arg5[%get3A_769, %get3A_770] {strides = array<i32>} : memref<16x1024xf32, #tpu.memory_space<vmem>>, vector<1x16xf32>,
        %get3A_772 = vector.shape_cast %get3A_771 : vector<1x16xf32> to vector<16xf32>
        %get3A_773 = arith.index_cast %scan3A_112 : i32 to index
        %get3A_774 = arith.constant 752 : index
        %get3A_775 = tpu.vector_load %arg7[%get3A_773, %get3A_774] {strides = array<i32>} : memref<16x1024xf32, #tpu.memory_space<vmem>>, vector<1x16xf32>,
        %get3A_776 = vector.shape_cast %get3A_775 : vector<1x16xf32> to vector<16xf32>
        %add3A_777 = arith.addf %get3A_772, %get3A_776 : vector<16xf32>
        %swap3A_778 = arith.index_cast %scan3A_112 : i32 to index
        %swap3A_779 = arith.constant 752 : index
        %swap3A_780 = tpu.vector_load %arg9[%swap3A_778, %swap3A_779] {strides = array<i32>} : memref<16x1024xf32, #tpu.memory_space<vmem>>, vector<1x16xf32>,
        %swap3A_781 = vector.shape_cast %swap3A_780 : vector<1x16xf32> to vector<16xf32>
        %swap3A_782 = vector.shape_cast %add3A_777 : vector<16xf32> to vector<1x16xf32>
        tpu.vector_store %arg9[%swap3A_778, %swap3A_779], %swap3A_782 {strides = array<i32>} : memref<16x1024xf32, #tpu.memory_space<vmem>>, vector<1x16xf32>,
        %get3A_783 = arith.index_cast %scan3A_112 : i32 to index
        %get3A_784 = arith.constant 768 : index
        %get3A_785 = tpu.vector_load %arg5[%get3A_783, %get3A_784] {strides = array<i32>} : memref<16x1024xf32, #tpu.memory_space<vmem>>, vector<1x16xf32>,
        %get3A_786 = vector.shape_cast %get3A_785 : vector<1x16xf32> to vector<16xf32>
        %get3A_787 = arith.index_cast %scan3A_112 : i32 to index
        %get3A_788 = arith.constant 768 : index
        %get3A_789 = tpu.vector_load %arg7[%get3A_787, %get3A_788] {strides = array<i32>} : memref<16x1024xf32, #tpu.memory_space<vmem>>, vector<1x16xf32>,
        %get3A_790 = vector.shape_cast %get3A_789 : vector<1x16xf32> to vector<16xf32>
        %add3A_791 = arith.addf %get3A_786, %get3A_790 : vector<16xf32>
        %swap3A_792 = arith.index_cast %scan3A_112 : i32 to index
        %swap3A_793 = arith.constant 768 : index
        %swap3A_794 = tpu.vector_load %arg9[%swap3A_792, %swap3A_793] {strides = array<i32>} : memref<16x1024xf32, #tpu.memory_space<vmem>>, vector<1x16xf32>,
        %swap3A_795 = vector.shape_cast %swap3A_794 : vector<1x16xf32> to vector<16xf32>
        %swap3A_796 = vector.shape_cast %add3A_791 : vector<16xf32> to vector<1x16xf32>
        tpu.vector_store %arg9[%swap3A_792, %swap3A_793], %swap3A_796 {strides = array<i32>} : memref<16x1024xf32, #tpu.memory_space<vmem>>, vector<1x16xf32>,
        %get3A_797 = arith.index_cast %scan3A_112 : i32 to index
        %get3A_798 = arith.constant 784 : index
        %get3A_799 = tpu.vector_load %arg5[%get3A_797, %get3A_798] {strides = array<i32>} : memref<16x1024xf32, #tpu.memory_space<vmem>>, vector<1x16xf32>,
        %get3A_800 = vector.shape_cast %get3A_799 : vector<1x16xf32> to vector<16xf32>
        %get3A_801 = arith.index_cast %scan3A_112 : i32 to index
        %get3A_802 = arith.constant 784 : index
        %get3A_803 = tpu.vector_load %arg7[%get3A_801, %get3A_802] {strides = array<i32>} : memref<16x1024xf32, #tpu.memory_space<vmem>>, vector<1x16xf32>,
        %get3A_804 = vector.shape_cast %get3A_803 : vector<1x16xf32> to vector<16xf32>
        %add3A_805 = arith.addf %get3A_800, %get3A_804 : vector<16xf32>
        %swap3A_806 = arith.index_cast %scan3A_112 : i32 to index
        %swap3A_807 = arith.constant 784 : index
        %swap3A_808 = tpu.vector_load %arg9[%swap3A_806, %swap3A_807] {strides = array<i32>} : memref<16x1024xf32, #tpu.memory_space<vmem>>, vector<1x16xf32>,
        %swap3A_809 = vector.shape_cast %swap3A_808 : vector<1x16xf32> to vector<16xf32>
        %swap3A_810 = vector.shape_cast %add3A_805 : vector<16xf32> to vector<1x16xf32>
        tpu.vector_store %arg9[%swap3A_806, %swap3A_807], %swap3A_810 {strides = array<i32>} : memref<16x1024xf32, #tpu.memory_space<vmem>>, vector<1x16xf32>,
        %get3A_811 = arith.index_cast %scan3A_112 : i32 to index
        %get3A_812 = arith.constant 800 : index
        %get3A_813 = tpu.vector_load %arg5[%get3A_811, %get3A_812] {strides = array<i32>} : memref<16x1024xf32, #tpu.memory_space<vmem>>, vector<1x16xf32>,
        %get3A_814 = vector.shape_cast %get3A_813 : vector<1x16xf32> to vector<16xf32>
        %get3A_815 = arith.index_cast %scan3A_112 : i32 to index
        %get3A_816 = arith.constant 800 : index
        %get3A_817 = tpu.vector_load %arg7[%get3A_815, %get3A_816] {strides = array<i32>} : memref<16x1024xf32, #tpu.memory_space<vmem>>, vector<1x16xf32>,
        %get3A_818 = vector.shape_cast %get3A_817 : vector<1x16xf32> to vector<16xf32>
        %add3A_819 = arith.addf %get3A_814, %get3A_818 : vector<16xf32>
        %swap3A_820 = arith.index_cast %scan3A_112 : i32 to index
        %swap3A_821 = arith.constant 800 : index
        %swap3A_822 = tpu.vector_load %arg9[%swap3A_820, %swap3A_821] {strides = array<i32>} : memref<16x1024xf32, #tpu.memory_space<vmem>>, vector<1x16xf32>,
        %swap3A_823 = vector.shape_cast %swap3A_822 : vector<1x16xf32> to vector<16xf32>
        %swap3A_824 = vector.shape_cast %add3A_819 : vector<16xf32> to vector<1x16xf32>
        tpu.vector_store %arg9[%swap3A_820, %swap3A_821], %swap3A_824 {strides = array<i32>} : memref<16x1024xf32, #tpu.memory_space<vmem>>, vector<1x16xf32>,
        %get3A_825 = arith.index_cast %scan3A_112 : i32 to index
        %get3A_826 = arith.constant 816 : index
        %get3A_827 = tpu.vector_load %arg5[%get3A_825, %get3A_826] {strides = array<i32>} : memref<16x1024xf32, #tpu.memory_space<vmem>>, vector<1x16xf32>,
        %get3A_828 = vector.shape_cast %get3A_827 : vector<1x16xf32> to vector<16xf32>
        %get3A_829 = arith.index_cast %scan3A_112 : i32 to index
        %get3A_830 = arith.constant 816 : index
        %get3A_831 = tpu.vector_load %arg7[%get3A_829, %get3A_830] {strides = array<i32>} : memref<16x1024xf32, #tpu.memory_space<vmem>>, vector<1x16xf32>,
        %get3A_832 = vector.shape_cast %get3A_831 : vector<1x16xf32> to vector<16xf32>
        %add3A_833 = arith.addf %get3A_828, %get3A_832 : vector<16xf32>
        %swap3A_834 = arith.index_cast %scan3A_112 : i32 to index
        %swap3A_835 = arith.constant 816 : index
        %swap3A_836 = tpu.vector_load %arg9[%swap3A_834, %swap3A_835] {strides = array<i32>} : memref<16x1024xf32, #tpu.memory_space<vmem>>, vector<1x16xf32>,
        %swap3A_837 = vector.shape_cast %swap3A_836 : vector<1x16xf32> to vector<16xf32>
        %swap3A_838 = vector.shape_cast %add3A_833 : vector<16xf32> to vector<1x16xf32>
        tpu.vector_store %arg9[%swap3A_834, %swap3A_835], %swap3A_838 {strides = array<i32>} : memref<16x1024xf32, #tpu.memory_space<vmem>>, vector<1x16xf32>,
        %get3A_839 = arith.index_cast %scan3A_112 : i32 to index
        %get3A_840 = arith.constant 832 : index
        %get3A_841 = tpu.vector_load %arg5[%get3A_839, %get3A_840] {strides = array<i32>} : memref<16x1024xf32, #tpu.memory_space<vmem>>, vector<1x16xf32>,
        %get3A_842 = vector.shape_cast %get3A_841 : vector<1x16xf32> to vector<16xf32>
        %get3A_843 = arith.index_cast %scan3A_112 : i32 to index
        %get3A_844 = arith.constant 832 : index
        %get3A_845 = tpu.vector_load %arg7[%get3A_843, %get3A_844] {strides = array<i32>} : memref<16x1024xf32, #tpu.memory_space<vmem>>, vector<1x16xf32>,
        %get3A_846 = vector.shape_cast %get3A_845 : vector<1x16xf32> to vector<16xf32>
        %add3A_847 = arith.addf %get3A_842, %get3A_846 : vector<16xf32>
        %swap3A_848 = arith.index_cast %scan3A_112 : i32 to index
        %swap3A_849 = arith.constant 832 : index
        %swap3A_850 = tpu.vector_load %arg9[%swap3A_848, %swap3A_849] {strides = array<i32>} : memref<16x1024xf32, #tpu.memory_space<vmem>>, vector<1x16xf32>,
        %swap3A_851 = vector.shape_cast %swap3A_850 : vector<1x16xf32> to vector<16xf32>
        %swap3A_852 = vector.shape_cast %add3A_847 : vector<16xf32> to vector<1x16xf32>
        tpu.vector_store %arg9[%swap3A_848, %swap3A_849], %swap3A_852 {strides = array<i32>} : memref<16x1024xf32, #tpu.memory_space<vmem>>, vector<1x16xf32>,
        %get3A_853 = arith.index_cast %scan3A_112 : i32 to index
        %get3A_854 = arith.constant 848 : index
        %get3A_855 = tpu.vector_load %arg5[%get3A_853, %get3A_854] {strides = array<i32>} : memref<16x1024xf32, #tpu.memory_space<vmem>>, vector<1x16xf32>,
        %get3A_856 = vector.shape_cast %get3A_855 : vector<1x16xf32> to vector<16xf32>
        %get3A_857 = arith.index_cast %scan3A_112 : i32 to index
        %get3A_858 = arith.constant 848 : index
        %get3A_859 = tpu.vector_load %arg7[%get3A_857, %get3A_858] {strides = array<i32>} : memref<16x1024xf32, #tpu.memory_space<vmem>>, vector<1x16xf32>,
        %get3A_860 = vector.shape_cast %get3A_859 : vector<1x16xf32> to vector<16xf32>
        %add3A_861 = arith.addf %get3A_856, %get3A_860 : vector<16xf32>
        %swap3A_862 = arith.index_cast %scan3A_112 : i32 to index
        %swap3A_863 = arith.constant 848 : index
        %swap3A_864 = tpu.vector_load %arg9[%swap3A_862, %swap3A_863] {strides = array<i32>} : memref<16x1024xf32, #tpu.memory_space<vmem>>, vector<1x16xf32>,
        %swap3A_865 = vector.shape_cast %swap3A_864 : vector<1x16xf32> to vector<16xf32>
        %swap3A_866 = vector.shape_cast %add3A_861 : vector<16xf32> to vector<1x16xf32>
        tpu.vector_store %arg9[%swap3A_862, %swap3A_863], %swap3A_866 {strides = array<i32>} : memref<16x1024xf32, #tpu.memory_space<vmem>>, vector<1x16xf32>,
        %get3A_867 = arith.index_cast %scan3A_112 : i32 to index
        %get3A_868 = arith.constant 864 : index
        %get3A_869 = tpu.vector_load %arg5[%get3A_867, %get3A_868] {strides = array<i32>} : memref<16x1024xf32, #tpu.memory_space<vmem>>, vector<1x16xf32>,
        %get3A_870 = vector.shape_cast %get3A_869 : vector<1x16xf32> to vector<16xf32>
        %get3A_871 = arith.index_cast %scan3A_112 : i32 to index
        %get3A_872 = arith.constant 864 : index
        %get3A_873 = tpu.vector_load %arg7[%get3A_871, %get3A_872] {strides = array<i32>} : memref<16x1024xf32, #tpu.memory_space<vmem>>, vector<1x16xf32>,
        %get3A_874 = vector.shape_cast %get3A_873 : vector<1x16xf32> to vector<16xf32>
        %add3A_875 = arith.addf %get3A_870, %get3A_874 : vector<16xf32>
        %swap3A_876 = arith.index_cast %scan3A_112 : i32 to index
        %swap3A_877 = arith.constant 864 : index
        %swap3A_878 = tpu.vector_load %arg9[%swap3A_876, %swap3A_877] {strides = array<i32>} : memref<16x1024xf32, #tpu.memory_space<vmem>>, vector<1x16xf32>,
        %swap3A_879 = vector.shape_cast %swap3A_878 : vector<1x16xf32> to vector<16xf32>
        %swap3A_880 = vector.shape_cast %add3A_875 : vector<16xf32> to vector<1x16xf32>
        tpu.vector_store %arg9[%swap3A_876, %swap3A_877], %swap3A_880 {strides = array<i32>} : memref<16x1024xf32, #tpu.memory_space<vmem>>, vector<1x16xf32>,
        %get3A_881 = arith.index_cast %scan3A_112 : i32 to index
        %get3A_882 = arith.constant 880 : index
        %get3A_883 = tpu.vector_load %arg5[%get3A_881, %get3A_882] {strides = array<i32>} : memref<16x1024xf32, #tpu.memory_space<vmem>>, vector<1x16xf32>,
        %get3A_884 = vector.shape_cast %get3A_883 : vector<1x16xf32> to vector<16xf32>
        %get3A_885 = arith.index_cast %scan3A_112 : i32 to index
        %get3A_886 = arith.constant 880 : index
        %get3A_887 = tpu.vector_load %arg7[%get3A_885, %get3A_886] {strides = array<i32>} : memref<16x1024xf32, #tpu.memory_space<vmem>>, vector<1x16xf32>,
        %get3A_888 = vector.shape_cast %get3A_887 : vector<1x16xf32> to vector<16xf32>
        %add3A_889 = arith.addf %get3A_884, %get3A_888 : vector<16xf32>
        %swap3A_890 = arith.index_cast %scan3A_112 : i32 to index
        %swap3A_891 = arith.constant 880 : index
        %swap3A_892 = tpu.vector_load %arg9[%swap3A_890, %swap3A_891] {strides = array<i32>} : memref<16x1024xf32, #tpu.memory_space<vmem>>, vector<1x16xf32>,
        %swap3A_893 = vector.shape_cast %swap3A_892 : vector<1x16xf32> to vector<16xf32>
        %swap3A_894 = vector.shape_cast %add3A_889 : vector<16xf32> to vector<1x16xf32>
        tpu.vector_store %arg9[%swap3A_890, %swap3A_891], %swap3A_894 {strides = array<i32>} : memref<16x1024xf32, #tpu.memory_space<vmem>>, vector<1x16xf32>,
        %get3A_895 = arith.index_cast %scan3A_112 : i32 to index
        %get3A_896 = arith.constant 896 : index
        %get3A_897 = tpu.vector_load %arg5[%get3A_895, %get3A_896] {strides = array<i32>} : memref<16x1024xf32, #tpu.memory_space<vmem>>, vector<1x16xf32>,
        %get3A_898 = vector.shape_cast %get3A_897 : vector<1x16xf32> to vector<16xf32>
        %get3A_899 = arith.index_cast %scan3A_112 : i32 to index
        %get3A_900 = arith.constant 896 : index
        %get3A_901 = tpu.vector_load %arg7[%get3A_899, %get3A_900] {strides = array<i32>} : memref<16x1024xf32, #tpu.memory_space<vmem>>, vector<1x16xf32>,
        %get3A_902 = vector.shape_cast %get3A_901 : vector<1x16xf32> to vector<16xf32>
        %add3A_903 = arith.addf %get3A_898, %get3A_902 : vector<16xf32>
        %swap3A_904 = arith.index_cast %scan3A_112 : i32 to index
        %swap3A_905 = arith.constant 896 : index
        %swap3A_906 = tpu.vector_load %arg9[%swap3A_904, %swap3A_905] {strides = array<i32>} : memref<16x1024xf32, #tpu.memory_space<vmem>>, vector<1x16xf32>,
        %swap3A_907 = vector.shape_cast %swap3A_906 : vector<1x16xf32> to vector<16xf32>
        %swap3A_908 = vector.shape_cast %add3A_903 : vector<16xf32> to vector<1x16xf32>
        tpu.vector_store %arg9[%swap3A_904, %swap3A_905], %swap3A_908 {strides = array<i32>} : memref<16x1024xf32, #tpu.memory_space<vmem>>, vector<1x16xf32>,
        %get3A_909 = arith.index_cast %scan3A_112 : i32 to index
        %get3A_910 = arith.constant 912 : index
        %get3A_911 = tpu.vector_load %arg5[%get3A_909, %get3A_910] {strides = array<i32>} : memref<16x1024xf32, #tpu.memory_space<vmem>>, vector<1x16xf32>,
        %get3A_912 = vector.shape_cast %get3A_911 : vector<1x16xf32> to vector<16xf32>
        %get3A_913 = arith.index_cast %scan3A_112 : i32 to index
        %get3A_914 = arith.constant 912 : index
        %get3A_915 = tpu.vector_load %arg7[%get3A_913, %get3A_914] {strides = array<i32>} : memref<16x1024xf32, #tpu.memory_space<vmem>>, vector<1x16xf32>,
        %get3A_916 = vector.shape_cast %get3A_915 : vector<1x16xf32> to vector<16xf32>
        %add3A_917 = arith.addf %get3A_912, %get3A_916 : vector<16xf32>
        %swap3A_918 = arith.index_cast %scan3A_112 : i32 to index
        %swap3A_919 = arith.constant 912 : index
        %swap3A_920 = tpu.vector_load %arg9[%swap3A_918, %swap3A_919] {strides = array<i32>} : memref<16x1024xf32, #tpu.memory_space<vmem>>, vector<1x16xf32>,
        %swap3A_921 = vector.shape_cast %swap3A_920 : vector<1x16xf32> to vector<16xf32>
        %swap3A_922 = vector.shape_cast %add3A_917 : vector<16xf32> to vector<1x16xf32>
        tpu.vector_store %arg9[%swap3A_918, %swap3A_919], %swap3A_922 {strides = array<i32>} : memref<16x1024xf32, #tpu.memory_space<vmem>>, vector<1x16xf32>,
        %get3A_923 = arith.index_cast %scan3A_112 : i32 to index
        %get3A_924 = arith.constant 928 : index
        %get3A_925 = tpu.vector_load %arg5[%get3A_923, %get3A_924] {strides = array<i32>} : memref<16x1024xf32, #tpu.memory_space<vmem>>, vector<1x16xf32>,
        %get3A_926 = vector.shape_cast %get3A_925 : vector<1x16xf32> to vector<16xf32>
        %get3A_927 = arith.index_cast %scan3A_112 : i32 to index
        %get3A_928 = arith.constant 928 : index
        %get3A_929 = tpu.vector_load %arg7[%get3A_927, %get3A_928] {strides = array<i32>} : memref<16x1024xf32, #tpu.memory_space<vmem>>, vector<1x16xf32>,
        %get3A_930 = vector.shape_cast %get3A_929 : vector<1x16xf32> to vector<16xf32>
        %add3A_931 = arith.addf %get3A_926, %get3A_930 : vector<16xf32>
        %swap3A_932 = arith.index_cast %scan3A_112 : i32 to index
        %swap3A_933 = arith.constant 928 : index
        %swap3A_934 = tpu.vector_load %arg9[%swap3A_932, %swap3A_933] {strides = array<i32>} : memref<16x1024xf32, #tpu.memory_space<vmem>>, vector<1x16xf32>,
        %swap3A_935 = vector.shape_cast %swap3A_934 : vector<1x16xf32> to vector<16xf32>
        %swap3A_936 = vector.shape_cast %add3A_931 : vector<16xf32> to vector<1x16xf32>
        tpu.vector_store %arg9[%swap3A_932, %swap3A_933], %swap3A_936 {strides = array<i32>} : memref<16x1024xf32, #tpu.memory_space<vmem>>, vector<1x16xf32>,
        %get3A_937 = arith.index_cast %scan3A_112 : i32 to index
        %get3A_938 = arith.constant 944 : index
        %get3A_939 = tpu.vector_load %arg5[%get3A_937, %get3A_938] {strides = array<i32>} : memref<16x1024xf32, #tpu.memory_space<vmem>>, vector<1x16xf32>,
        %get3A_940 = vector.shape_cast %get3A_939 : vector<1x16xf32> to vector<16xf32>
        %get3A_941 = arith.index_cast %scan3A_112 : i32 to index
        %get3A_942 = arith.constant 944 : index
        %get3A_943 = tpu.vector_load %arg7[%get3A_941, %get3A_942] {strides = array<i32>} : memref<16x1024xf32, #tpu.memory_space<vmem>>, vector<1x16xf32>,
        %get3A_944 = vector.shape_cast %get3A_943 : vector<1x16xf32> to vector<16xf32>
        %add3A_945 = arith.addf %get3A_940, %get3A_944 : vector<16xf32>
        %swap3A_946 = arith.index_cast %scan3A_112 : i32 to index
        %swap3A_947 = arith.constant 944 : index
        %swap3A_948 = tpu.vector_load %arg9[%swap3A_946, %swap3A_947] {strides = array<i32>} : memref<16x1024xf32, #tpu.memory_space<vmem>>, vector<1x16xf32>,
        %swap3A_949 = vector.shape_cast %swap3A_948 : vector<1x16xf32> to vector<16xf32>
        %swap3A_950 = vector.shape_cast %add3A_945 : vector<16xf32> to vector<1x16xf32>
        tpu.vector_store %arg9[%swap3A_946, %swap3A_947], %swap3A_950 {strides = array<i32>} : memref<16x1024xf32, #tpu.memory_space<vmem>>, vector<1x16xf32>,
        %get3A_951 = arith.index_cast %scan3A_112 : i32 to index
        %get3A_952 = arith.constant 960 : index
        %get3A_953 = tpu.vector_load %arg5[%get3A_951, %get3A_952] {strides = array<i32>} : memref<16x1024xf32, #tpu.memory_space<vmem>>, vector<1x16xf32>,
        %get3A_954 = vector.shape_cast %get3A_953 : vector<1x16xf32> to vector<16xf32>
        %get3A_955 = arith.index_cast %scan3A_112 : i32 to index
        %get3A_956 = arith.constant 960 : index
        %get3A_957 = tpu.vector_load %arg7[%get3A_955, %get3A_956] {strides = array<i32>} : memref<16x1024xf32, #tpu.memory_space<vmem>>, vector<1x16xf32>,
        %get3A_958 = vector.shape_cast %get3A_957 : vector<1x16xf32> to vector<16xf32>
        %add3A_959 = arith.addf %get3A_954, %get3A_958 : vector<16xf32>
        %swap3A_960 = arith.index_cast %scan3A_112 : i32 to index
        %swap3A_961 = arith.constant 960 : index
        %swap3A_962 = tpu.vector_load %arg9[%swap3A_960, %swap3A_961] {strides = array<i32>} : memref<16x1024xf32, #tpu.memory_space<vmem>>, vector<1x16xf32>,
        %swap3A_963 = vector.shape_cast %swap3A_962 : vector<1x16xf32> to vector<16xf32>
        %swap3A_964 = vector.shape_cast %add3A_959 : vector<16xf32> to vector<1x16xf32>
        tpu.vector_store %arg9[%swap3A_960, %swap3A_961], %swap3A_964 {strides = array<i32>} : memref<16x1024xf32, #tpu.memory_space<vmem>>, vector<1x16xf32>,
        %get3A_965 = arith.index_cast %scan3A_112 : i32 to index
        %get3A_966 = arith.constant 976 : index
        %get3A_967 = tpu.vector_load %arg5[%get3A_965, %get3A_966] {strides = array<i32>} : memref<16x1024xf32, #tpu.memory_space<vmem>>, vector<1x16xf32>,
        %get3A_968 = vector.shape_cast %get3A_967 : vector<1x16xf32> to vector<16xf32>
        %get3A_969 = arith.index_cast %scan3A_112 : i32 to index
        %get3A_970 = arith.constant 976 : index
        %get3A_971 = tpu.vector_load %arg7[%get3A_969, %get3A_970] {strides = array<i32>} : memref<16x1024xf32, #tpu.memory_space<vmem>>, vector<1x16xf32>,
        %get3A_972 = vector.shape_cast %get3A_971 : vector<1x16xf32> to vector<16xf32>
        %add3A_973 = arith.addf %get3A_968, %get3A_972 : vector<16xf32>
        %swap3A_974 = arith.index_cast %scan3A_112 : i32 to index
        %swap3A_975 = arith.constant 976 : index
        %swap3A_976 = tpu.vector_load %arg9[%swap3A_974, %swap3A_975] {strides = array<i32>} : memref<16x1024xf32, #tpu.memory_space<vmem>>, vector<1x16xf32>,
        %swap3A_977 = vector.shape_cast %swap3A_976 : vector<1x16xf32> to vector<16xf32>
        %swap3A_978 = vector.shape_cast %add3A_973 : vector<16xf32> to vector<1x16xf32>
        tpu.vector_store %arg9[%swap3A_974, %swap3A_975], %swap3A_978 {strides = array<i32>} : memref<16x1024xf32, #tpu.memory_space<vmem>>, vector<1x16xf32>,
        %get3A_979 = arith.index_cast %scan3A_112 : i32 to index
        %get3A_980 = arith.constant 992 : index
        %get3A_981 = tpu.vector_load %arg5[%get3A_979, %get3A_980] {strides = array<i32>} : memref<16x1024xf32, #tpu.memory_space<vmem>>, vector<1x16xf32>,
        %get3A_982 = vector.shape_cast %get3A_981 : vector<1x16xf32> to vector<16xf32>
        %get3A_983 = arith.index_cast %scan3A_112 : i32 to index
        %get3A_984 = arith.constant 992 : index
        %get3A_985 = tpu.vector_load %arg7[%get3A_983, %get3A_984] {strides = array<i32>} : memref<16x1024xf32, #tpu.memory_space<vmem>>, vector<1x16xf32>,
        %get3A_986 = vector.shape_cast %get3A_985 : vector<1x16xf32> to vector<16xf32>
        %add3A_987 = arith.addf %get3A_982, %get3A_986 : vector<16xf32>
        %swap3A_988 = arith.index_cast %scan3A_112 : i32 to index
        %swap3A_989 = arith.constant 992 : index
        %swap3A_990 = tpu.vector_load %arg9[%swap3A_988, %swap3A_989] {strides = array<i32>} : memref<16x1024xf32, #tpu.memory_space<vmem>>, vector<1x16xf32>,
        %swap3A_991 = vector.shape_cast %swap3A_990 : vector<1x16xf32> to vector<16xf32>
        %swap3A_992 = vector.shape_cast %add3A_987 : vector<16xf32> to vector<1x16xf32>
        tpu.vector_store %arg9[%swap3A_988, %swap3A_989], %swap3A_992 {strides = array<i32>} : memref<16x1024xf32, #tpu.memory_space<vmem>>, vector<1x16xf32>,
        %get3A_993 = arith.index_cast %scan3A_112 : i32 to index
        %get3A_994 = arith.constant 1008 : index
        %get3A_995 = tpu.vector_load %arg5[%get3A_993, %get3A_994] {strides = array<i32>} : memref<16x1024xf32, #tpu.memory_space<vmem>>, vector<1x16xf32>,
        %get3A_996 = vector.shape_cast %get3A_995 : vector<1x16xf32> to vector<16xf32>
        %get3A_997 = arith.index_cast %scan3A_112 : i32 to index
        %get3A_998 = arith.constant 1008 : index
        %get3A_999 = tpu.vector_load %arg7[%get3A_997, %get3A_998] {strides = array<i32>} : memref<16x1024xf32, #tpu.memory_space<vmem>>, vector<1x16xf32>,
        %get3A_1000 = vector.shape_cast %get3A_999 : vector<1x16xf32> to vector<16xf32>
        %add3A_1001 = arith.addf %get3A_996, %get3A_1000 : vector<16xf32>
        %swap3A_1002 = arith.index_cast %scan3A_112 : i32 to index
        %swap3A_1003 = arith.constant 1008 : index
        %swap3A_1004 = tpu.vector_load %arg9[%swap3A_1002, %swap3A_1003] {strides = array<i32>} : memref<16x1024xf32, #tpu.memory_space<vmem>>, vector<1x16xf32>,
        %swap3A_1005 = vector.shape_cast %swap3A_1004 : vector<1x16xf32> to vector<16xf32>
        %swap3A_1006 = vector.shape_cast %add3A_1001 : vector<16xf32> to vector<1x16xf32>
        tpu.vector_store %arg9[%swap3A_1002, %swap3A_1003], %swap3A_1006 {strides = array<i32>} : memref<16x1024xf32, #tpu.memory_space<vmem>>, vector<1x16xf32>,
      }
      %scan3A_61 = arith.constant 16 : i32
      %mul3A_62 = arith.constant 16 : i32
      %mul3A_63 = arith.muli %add3A_34, %mul3A_62 : i32
      %add3A_64 = arith.addi %mul3A_2, %mul3A_63 : i32
      %dma_start3A_65 = arith.constant 0 : i32
      %dma_start3A_66 = tpu.memref_slice %arg4[%add3A_64, %dma_start3A_65] : memref<8192x1024xf32, #tpu.memory_space<hbm>> -> memref<16x1024xf32, #tpu.memory_space<hbm>>
      %dma_start3A_67 = arith.constant 0 : i32
      %dma_start3A_68 = tpu.memref_slice %arg4[%add3A_64, %dma_start3A_67] : memref<8192x1024xf32, #tpu.memory_space<hbm>> -> memref<16x1024xf32, #tpu.memory_space<hbm>>
      tpu.enqueue_dma source(%arg9 : memref<16x1024xf32, #tpu.memory_space<vmem>>) target(%dma_start3A_68 : memref<16x1024xf32, #tpu.memory_space<hbm>>) target_semaphore(%arg15 : memref<!tpu.dma_semaphore, #tpu.memory_space<semaphore_mem>>)
      %mul3A_69 = arith.constant 2 : i32
      %mul3A_70 = arith.muli %mul3A_69, %scan3A_30 : i32
      %add3A_71 = arith.constant 1 : i32
      %add3A_72 = arith.addi %mul3A_70, %add3A_71 : i32
      %add3A_73 = arith.constant 2 : i32
      %add3A_74 = arith.addi %add3A_72, %add3A_73 : i32
      %sub3A_75 = arith.constant 1 : i32
      %sub3A_76 = arith.subi %add3A_74, %sub3A_75 : i32
      %lt3A_77 = arith.constant 16 : i32
      %lt3A_78 = arith.cmpi slt, %sub3A_76, %lt3A_77 : i32
      %convert_element_type3A_79 = arith.extui %lt3A_78 : i1 to i32
      %cond3A_80 = arith.constant 0 : i32
      %cond3A_81 = arith.cmpi ne, %convert_element_type3A_79, %cond3A_80 : i32
      scf.if %cond3A_81 {
        %add3A_112 = arith.constant 2 : i32
        %add3A_113 = arith.addi %add3A_72, %add3A_112 : i32
        %sub3A_114 = arith.constant 1 : i32
        %sub3A_115 = arith.subi %add3A_113, %sub3A_114 : i32
        %mul3A_116 = arith.constant 16 : i32
        %mul3A_117 = arith.muli %sub3A_115, %mul3A_116 : i32
        %add3A_118 = arith.addi %mul3A_2, %mul3A_117 : i32
        %dma_start3A_119 = arith.constant 0 : i32
        %dma_start3A_120 = tpu.memref_slice %arg2[%add3A_118, %dma_start3A_119] : memref<8192x1024xf32, #tpu.memory_space<hbm>> -> memref<16x1024xf32, #tpu.memory_space<hbm>>
        %dma_start3A_121 = arith.constant 0 : i32
        %dma_start3A_122 = tpu.memref_slice %arg2[%add3A_118, %dma_start3A_121] : memref<8192x1024xf32, #tpu.memory_space<hbm>> -> memref<16x1024xf32, #tpu.memory_space<hbm>>
        tpu.enqueue_dma source(%dma_start3A_122 : memref<16x1024xf32, #tpu.memory_space<hbm>>) target(%arg5 : memref<16x1024xf32, #tpu.memory_space<vmem>>) target_semaphore(%arg11 : memref<!tpu.dma_semaphore, #tpu.memory_space<semaphore_mem>>)
        %mul3A_123 = arith.constant 16 : i32
        %mul3A_124 = arith.muli %sub3A_115, %mul3A_123 : i32
        %add3A_125 = arith.addi %mul3A_2, %mul3A_124 : i32
        %dma_start3A_126 = arith.constant 0 : i32
        %dma_start3A_127 = tpu.memref_slice %arg3[%add3A_125, %dma_start3A_126] : memref<8192x1024xf32, #tpu.memory_space<hbm>> -> memref<16x1024xf32, #tpu.memory_space<hbm>>
        %dma_start3A_128 = arith.constant 0 : i32
        %dma_start3A_129 = tpu.memref_slice %arg3[%add3A_125, %dma_start3A_128] : memref<8192x1024xf32, #tpu.memory_space<hbm>> -> memref<16x1024xf32, #tpu.memory_space<hbm>>
        tpu.enqueue_dma source(%dma_start3A_129 : memref<16x1024xf32, #tpu.memory_space<hbm>>) target(%arg7 : memref<16x1024xf32, #tpu.memory_space<vmem>>) target_semaphore(%arg13 : memref<!tpu.dma_semaphore, #tpu.memory_space<semaphore_mem>>)
      } else {
      }
      %add3A_82 = arith.constant 0 : i32
      %add3A_83 = arith.addi %mul3A_2, %add3A_82 : i32
      %dma_wait3A_84 = arith.constant 0 : i32
      %dma_wait3A_85 = tpu.memref_slice %arg2[%add3A_83, %dma_wait3A_84] : memref<8192x1024xf32, #tpu.memory_space<hbm>> -> memref<16x1024xf32, #tpu.memory_space<hbm>>
      %dma_wait3A_86 = arith.constant 0 : i32
      %dma_wait3A_87 = tpu.memref_slice %arg2[%add3A_83, %dma_wait3A_86] : memref<8192x1024xf32, #tpu.memory_space<hbm>> -> memref<16x1024xf32, #tpu.memory_space<hbm>>
      tpu.wait_dma2 semaphore(%arg12 : memref<!tpu.dma_semaphore, #tpu.memory_space<semaphore_mem>>) src(%dma_wait3A_87 : memref<16x1024xf32, #tpu.memory_space<hbm>>) dst(%arg6 : memref<16x1024xf32, #tpu.memory_space<vmem>>)
      %add3A_88 = arith.constant 0 : i32
      %add3A_89 = arith.addi %mul3A_2, %add3A_88 : i32
      %dma_wait3A_90 = arith.constant 0 : i32
      %dma_wait3A_91 = tpu.memref_slice %arg3[%add3A_89, %dma_wait3A_90] : memref<8192x1024xf32, #tpu.memory_space<hbm>> -> memref<16x1024xf32, #tpu.memory_space<hbm>>
      %dma_wait3A_92 = arith.constant 0 : i32
      %dma_wait3A_93 = tpu.memref_slice %arg3[%add3A_89, %dma_wait3A_92] : memref<8192x1024xf32, #tpu.memory_space<hbm>> -> memref<16x1024xf32, #tpu.memory_space<hbm>>
      tpu.wait_dma2 semaphore(%arg14 : memref<!tpu.dma_semaphore, #tpu.memory_space<semaphore_mem>>) src(%dma_wait3A_93 : memref<16x1024xf32, #tpu.memory_space<hbm>>) dst(%arg8 : memref<16x1024xf32, #tpu.memory_space<vmem>>)
      %ge3A_94 = arith.constant 2 : i32
      %ge3A_95 = arith.cmpi sge, %add3A_72, %ge3A_94 : i32
      %convert_element_type3A_96 = arith.extui %ge3A_95 : i1 to i32
      %cond3A_97 = arith.constant 0 : i32
      %cond3A_98 = arith.cmpi ne, %convert_element_type3A_96, %cond3A_97 : i32
      scf.if %cond3A_98 {
        %add3A_112 = arith.constant 0 : i32
        %add3A_113 = arith.addi %mul3A_2, %add3A_112 : i32
        %dma_wait3A_114 = arith.constant 0 : i32
        %dma_wait3A_115 = tpu.memref_slice %arg4[%add3A_113, %dma_wait3A_114] : memref<8192x1024xf32, #tpu.memory_space<hbm>> -> memref<16x1024xf32, #tpu.memory_space<hbm>>
        %dma_wait3A_116 = arith.constant 0 : i32
        %dma_wait3A_117 = tpu.memref_slice %arg4[%add3A_113, %dma_wait3A_116] : memref<8192x1024xf32, #tpu.memory_space<hbm>> -> memref<16x1024xf32, #tpu.memory_space<hbm>>
        tpu.wait_dma2 semaphore(%arg16 : memref<!tpu.dma_semaphore, #tpu.memory_space<semaphore_mem>>) src(%arg10 : memref<16x1024xf32, #tpu.memory_space<vmem>>) dst(%dma_wait3A_117 : memref<16x1024xf32, #tpu.memory_space<hbm>>)
      } else {
      }
      %scan3A_99 = arith.constant 0 : i32
      %scan3A_100 = arith.constant 0 : i32
      %scan3A_101 = arith.constant 16 : i32
      %scan3A_102 = arith.addi %scan3A_100, %scan3A_101 : i32
      %scan3A_103 = arith.constant 1 : i32
      scf.for %scan3A_112 = %scan3A_100 to %scan3A_102 step %scan3A_103  : i32 {
        %get3A = arith.index_cast %scan3A_112 : i32 to index
        %get3A_113 = arith.constant 0 : index
        %get3A_114 = tpu.vector_load %arg6[%get3A, %get3A_113] {strides = array<i32>} : memref<16x1024xf32, #tpu.memory_space<vmem>>, vector<1x16xf32>,
        %get3A_115 = vector.shape_cast %get3A_114 : vector<1x16xf32> to vector<16xf32>
        %get3A_116 = arith.index_cast %scan3A_112 : i32 to index
        %get3A_117 = arith.constant 0 : index
        %get3A_118 = tpu.vector_load %arg8[%get3A_116, %get3A_117] {strides = array<i32>} : memref<16x1024xf32, #tpu.memory_space<vmem>>, vector<1x16xf32>,
        %get3A_119 = vector.shape_cast %get3A_118 : vector<1x16xf32> to vector<16xf32>
        %add3A_120 = arith.addf %get3A_115, %get3A_119 : vector<16xf32>
        %swap3A = arith.index_cast %scan3A_112 : i32 to index
        %swap3A_121 = arith.constant 0 : index
        %swap3A_122 = tpu.vector_load %arg10[%swap3A, %swap3A_121] {strides = array<i32>} : memref<16x1024xf32, #tpu.memory_space<vmem>>, vector<1x16xf32>,
        %swap3A_123 = vector.shape_cast %swap3A_122 : vector<1x16xf32> to vector<16xf32>
        %swap3A_124 = vector.shape_cast %add3A_120 : vector<16xf32> to vector<1x16xf32>
        tpu.vector_store %arg10[%swap3A, %swap3A_121], %swap3A_124 {strides = array<i32>} : memref<16x1024xf32, #tpu.memory_space<vmem>>, vector<1x16xf32>,
        %get3A_125 = arith.index_cast %scan3A_112 : i32 to index
        %get3A_126 = arith.constant 16 : index
        %get3A_127 = tpu.vector_load %arg6[%get3A_125, %get3A_126] {strides = array<i32>} : memref<16x1024xf32, #tpu.memory_space<vmem>>, vector<1x16xf32>,
        %get3A_128 = vector.shape_cast %get3A_127 : vector<1x16xf32> to vector<16xf32>
        %get3A_129 = arith.index_cast %scan3A_112 : i32 to index
        %get3A_130 = arith.constant 16 : index
        %get3A_131 = tpu.vector_load %arg8[%get3A_129, %get3A_130] {strides = array<i32>} : memref<16x1024xf32, #tpu.memory_space<vmem>>, vector<1x16xf32>,
        %get3A_132 = vector.shape_cast %get3A_131 : vector<1x16xf32> to vector<16xf32>
        %add3A_133 = arith.addf %get3A_128, %get3A_132 : vector<16xf32>
        %swap3A_134 = arith.index_cast %scan3A_112 : i32 to index
        %swap3A_135 = arith.constant 16 : index
        %swap3A_136 = tpu.vector_load %arg10[%swap3A_134, %swap3A_135] {strides = array<i32>} : memref<16x1024xf32, #tpu.memory_space<vmem>>, vector<1x16xf32>,
        %swap3A_137 = vector.shape_cast %swap3A_136 : vector<1x16xf32> to vector<16xf32>
        %swap3A_138 = vector.shape_cast %add3A_133 : vector<16xf32> to vector<1x16xf32>
        tpu.vector_store %arg10[%swap3A_134, %swap3A_135], %swap3A_138 {strides = array<i32>} : memref<16x1024xf32, #tpu.memory_space<vmem>>, vector<1x16xf32>,
        %get3A_139 = arith.index_cast %scan3A_112 : i32 to index
        %get3A_140 = arith.constant 32 : index
        %get3A_141 = tpu.vector_load %arg6[%get3A_139, %get3A_140] {strides = array<i32>} : memref<16x1024xf32, #tpu.memory_space<vmem>>, vector<1x16xf32>,
        %get3A_142 = vector.shape_cast %get3A_141 : vector<1x16xf32> to vector<16xf32>
        %get3A_143 = arith.index_cast %scan3A_112 : i32 to index
        %get3A_144 = arith.constant 32 : index
        %get3A_145 = tpu.vector_load %arg8[%get3A_143, %get3A_144] {strides = array<i32>} : memref<16x1024xf32, #tpu.memory_space<vmem>>, vector<1x16xf32>,
        %get3A_146 = vector.shape_cast %get3A_145 : vector<1x16xf32> to vector<16xf32>
        %add3A_147 = arith.addf %get3A_142, %get3A_146 : vector<16xf32>
        %swap3A_148 = arith.index_cast %scan3A_112 : i32 to index
        %swap3A_149 = arith.constant 32 : index
        %swap3A_150 = tpu.vector_load %arg10[%swap3A_148, %swap3A_149] {strides = array<i32>} : memref<16x1024xf32, #tpu.memory_space<vmem>>, vector<1x16xf32>,
        %swap3A_151 = vector.shape_cast %swap3A_150 : vector<1x16xf32> to vector<16xf32>
        %swap3A_152 = vector.shape_cast %add3A_147 : vector<16xf32> to vector<1x16xf32>
        tpu.vector_store %arg10[%swap3A_148, %swap3A_149], %swap3A_152 {strides = array<i32>} : memref<16x1024xf32, #tpu.memory_space<vmem>>, vector<1x16xf32>,
        %get3A_153 = arith.index_cast %scan3A_112 : i32 to index
        %get3A_154 = arith.constant 48 : index
        %get3A_155 = tpu.vector_load %arg6[%get3A_153, %get3A_154] {strides = array<i32>} : memref<16x1024xf32, #tpu.memory_space<vmem>>, vector<1x16xf32>,
        %get3A_156 = vector.shape_cast %get3A_155 : vector<1x16xf32> to vector<16xf32>
        %get3A_157 = arith.index_cast %scan3A_112 : i32 to index
        %get3A_158 = arith.constant 48 : index
        %get3A_159 = tpu.vector_load %arg8[%get3A_157, %get3A_158] {strides = array<i32>} : memref<16x1024xf32, #tpu.memory_space<vmem>>, vector<1x16xf32>,
        %get3A_160 = vector.shape_cast %get3A_159 : vector<1x16xf32> to vector<16xf32>
        %add3A_161 = arith.addf %get3A_156, %get3A_160 : vector<16xf32>
        %swap3A_162 = arith.index_cast %scan3A_112 : i32 to index
        %swap3A_163 = arith.constant 48 : index
        %swap3A_164 = tpu.vector_load %arg10[%swap3A_162, %swap3A_163] {strides = array<i32>} : memref<16x1024xf32, #tpu.memory_space<vmem>>, vector<1x16xf32>,
        %swap3A_165 = vector.shape_cast %swap3A_164 : vector<1x16xf32> to vector<16xf32>
        %swap3A_166 = vector.shape_cast %add3A_161 : vector<16xf32> to vector<1x16xf32>
        tpu.vector_store %arg10[%swap3A_162, %swap3A_163], %swap3A_166 {strides = array<i32>} : memref<16x1024xf32, #tpu.memory_space<vmem>>, vector<1x16xf32>,
        %get3A_167 = arith.index_cast %scan3A_112 : i32 to index
        %get3A_168 = arith.constant 64 : index
        %get3A_169 = tpu.vector_load %arg6[%get3A_167, %get3A_168] {strides = array<i32>} : memref<16x1024xf32, #tpu.memory_space<vmem>>, vector<1x16xf32>,
        %get3A_170 = vector.shape_cast %get3A_169 : vector<1x16xf32> to vector<16xf32>
        %get3A_171 = arith.index_cast %scan3A_112 : i32 to index
        %get3A_172 = arith.constant 64 : index
        %get3A_173 = tpu.vector_load %arg8[%get3A_171, %get3A_172] {strides = array<i32>} : memref<16x1024xf32, #tpu.memory_space<vmem>>, vector<1x16xf32>,
        %get3A_174 = vector.shape_cast %get3A_173 : vector<1x16xf32> to vector<16xf32>
        %add3A_175 = arith.addf %get3A_170, %get3A_174 : vector<16xf32>
        %swap3A_176 = arith.index_cast %scan3A_112 : i32 to index
        %swap3A_177 = arith.constant 64 : index
        %swap3A_178 = tpu.vector_load %arg10[%swap3A_176, %swap3A_177] {strides = array<i32>} : memref<16x1024xf32, #tpu.memory_space<vmem>>, vector<1x16xf32>,
        %swap3A_179 = vector.shape_cast %swap3A_178 : vector<1x16xf32> to vector<16xf32>
        %swap3A_180 = vector.shape_cast %add3A_175 : vector<16xf32> to vector<1x16xf32>
        tpu.vector_store %arg10[%swap3A_176, %swap3A_177], %swap3A_180 {strides = array<i32>} : memref<16x1024xf32, #tpu.memory_space<vmem>>, vector<1x16xf32>,
        %get3A_181 = arith.index_cast %scan3A_112 : i32 to index
        %get3A_182 = arith.constant 80 : index
        %get3A_183 = tpu.vector_load %arg6[%get3A_181, %get3A_182] {strides = array<i32>} : memref<16x1024xf32, #tpu.memory_space<vmem>>, vector<1x16xf32>,
        %get3A_184 = vector.shape_cast %get3A_183 : vector<1x16xf32> to vector<16xf32>
        %get3A_185 = arith.index_cast %scan3A_112 : i32 to index
        %get3A_186 = arith.constant 80 : index
        %get3A_187 = tpu.vector_load %arg8[%get3A_185, %get3A_186] {strides = array<i32>} : memref<16x1024xf32, #tpu.memory_space<vmem>>, vector<1x16xf32>,
        %get3A_188 = vector.shape_cast %get3A_187 : vector<1x16xf32> to vector<16xf32>
        %add3A_189 = arith.addf %get3A_184, %get3A_188 : vector<16xf32>
        %swap3A_190 = arith.index_cast %scan3A_112 : i32 to index
        %swap3A_191 = arith.constant 80 : index
        %swap3A_192 = tpu.vector_load %arg10[%swap3A_190, %swap3A_191] {strides = array<i32>} : memref<16x1024xf32, #tpu.memory_space<vmem>>, vector<1x16xf32>,
        %swap3A_193 = vector.shape_cast %swap3A_192 : vector<1x16xf32> to vector<16xf32>
        %swap3A_194 = vector.shape_cast %add3A_189 : vector<16xf32> to vector<1x16xf32>
        tpu.vector_store %arg10[%swap3A_190, %swap3A_191], %swap3A_194 {strides = array<i32>} : memref<16x1024xf32, #tpu.memory_space<vmem>>, vector<1x16xf32>,
        %get3A_195 = arith.index_cast %scan3A_112 : i32 to index
        %get3A_196 = arith.constant 96 : index
        %get3A_197 = tpu.vector_load %arg6[%get3A_195, %get3A_196] {strides = array<i32>} : memref<16x1024xf32, #tpu.memory_space<vmem>>, vector<1x16xf32>,
        %get3A_198 = vector.shape_cast %get3A_197 : vector<1x16xf32> to vector<16xf32>
        %get3A_199 = arith.index_cast %scan3A_112 : i32 to index
        %get3A_200 = arith.constant 96 : index
        %get3A_201 = tpu.vector_load %arg8[%get3A_199, %get3A_200] {strides = array<i32>} : memref<16x1024xf32, #tpu.memory_space<vmem>>, vector<1x16xf32>,
        %get3A_202 = vector.shape_cast %get3A_201 : vector<1x16xf32> to vector<16xf32>
        %add3A_203 = arith.addf %get3A_198, %get3A_202 : vector<16xf32>
        %swap3A_204 = arith.index_cast %scan3A_112 : i32 to index
        %swap3A_205 = arith.constant 96 : index
        %swap3A_206 = tpu.vector_load %arg10[%swap3A_204, %swap3A_205] {strides = array<i32>} : memref<16x1024xf32, #tpu.memory_space<vmem>>, vector<1x16xf32>,
        %swap3A_207 = vector.shape_cast %swap3A_206 : vector<1x16xf32> to vector<16xf32>
        %swap3A_208 = vector.shape_cast %add3A_203 : vector<16xf32> to vector<1x16xf32>
        tpu.vector_store %arg10[%swap3A_204, %swap3A_205], %swap3A_208 {strides = array<i32>} : memref<16x1024xf32, #tpu.memory_space<vmem>>, vector<1x16xf32>,
        %get3A_209 = arith.index_cast %scan3A_112 : i32 to index
        %get3A_210 = arith.constant 112 : index
        %get3A_211 = tpu.vector_load %arg6[%get3A_209, %get3A_210] {strides = array<i32>} : memref<16x1024xf32, #tpu.memory_space<vmem>>, vector<1x16xf32>,
        %get3A_212 = vector.shape_cast %get3A_211 : vector<1x16xf32> to vector<16xf32>
        %get3A_213 = arith.index_cast %scan3A_112 : i32 to index
        %get3A_214 = arith.constant 112 : index
        %get3A_215 = tpu.vector_load %arg8[%get3A_213, %get3A_214] {strides = array<i32>} : memref<16x1024xf32, #tpu.memory_space<vmem>>, vector<1x16xf32>,
        %get3A_216 = vector.shape_cast %get3A_215 : vector<1x16xf32> to vector<16xf32>
        %add3A_217 = arith.addf %get3A_212, %get3A_216 : vector<16xf32>
        %swap3A_218 = arith.index_cast %scan3A_112 : i32 to index
        %swap3A_219 = arith.constant 112 : index
        %swap3A_220 = tpu.vector_load %arg10[%swap3A_218, %swap3A_219] {strides = array<i32>} : memref<16x1024xf32, #tpu.memory_space<vmem>>, vector<1x16xf32>,
        %swap3A_221 = vector.shape_cast %swap3A_220 : vector<1x16xf32> to vector<16xf32>
        %swap3A_222 = vector.shape_cast %add3A_217 : vector<16xf32> to vector<1x16xf32>
        tpu.vector_store %arg10[%swap3A_218, %swap3A_219], %swap3A_222 {strides = array<i32>} : memref<16x1024xf32, #tpu.memory_space<vmem>>, vector<1x16xf32>,
        %get3A_223 = arith.index_cast %scan3A_112 : i32 to index
        %get3A_224 = arith.constant 128 : index
        %get3A_225 = tpu.vector_load %arg6[%get3A_223, %get3A_224] {strides = array<i32>} : memref<16x1024xf32, #tpu.memory_space<vmem>>, vector<1x16xf32>,
        %get3A_226 = vector.shape_cast %get3A_225 : vector<1x16xf32> to vector<16xf32>
        %get3A_227 = arith.index_cast %scan3A_112 : i32 to index
        %get3A_228 = arith.constant 128 : index
        %get3A_229 = tpu.vector_load %arg8[%get3A_227, %get3A_228] {strides = array<i32>} : memref<16x1024xf32, #tpu.memory_space<vmem>>, vector<1x16xf32>,
        %get3A_230 = vector.shape_cast %get3A_229 : vector<1x16xf32> to vector<16xf32>
        %add3A_231 = arith.addf %get3A_226, %get3A_230 : vector<16xf32>
        %swap3A_232 = arith.index_cast %scan3A_112 : i32 to index
        %swap3A_233 = arith.constant 128 : index
        %swap3A_234 = tpu.vector_load %arg10[%swap3A_232, %swap3A_233] {strides = array<i32>} : memref<16x1024xf32, #tpu.memory_space<vmem>>, vector<1x16xf32>,
        %swap3A_235 = vector.shape_cast %swap3A_234 : vector<1x16xf32> to vector<16xf32>
        %swap3A_236 = vector.shape_cast %add3A_231 : vector<16xf32> to vector<1x16xf32>
        tpu.vector_store %arg10[%swap3A_232, %swap3A_233], %swap3A_236 {strides = array<i32>} : memref<16x1024xf32, #tpu.memory_space<vmem>>, vector<1x16xf32>,
        %get3A_237 = arith.index_cast %scan3A_112 : i32 to index
        %get3A_238 = arith.constant 144 : index
        %get3A_239 = tpu.vector_load %arg6[%get3A_237, %get3A_238] {strides = array<i32>} : memref<16x1024xf32, #tpu.memory_space<vmem>>, vector<1x16xf32>,
        %get3A_240 = vector.shape_cast %get3A_239 : vector<1x16xf32> to vector<16xf32>
        %get3A_241 = arith.index_cast %scan3A_112 : i32 to index
        %get3A_242 = arith.constant 144 : index
        %get3A_243 = tpu.vector_load %arg8[%get3A_241, %get3A_242] {strides = array<i32>} : memref<16x1024xf32, #tpu.memory_space<vmem>>, vector<1x16xf32>,
        %get3A_244 = vector.shape_cast %get3A_243 : vector<1x16xf32> to vector<16xf32>
        %add3A_245 = arith.addf %get3A_240, %get3A_244 : vector<16xf32>
        %swap3A_246 = arith.index_cast %scan3A_112 : i32 to index
        %swap3A_247 = arith.constant 144 : index
        %swap3A_248 = tpu.vector_load %arg10[%swap3A_246, %swap3A_247] {strides = array<i32>} : memref<16x1024xf32, #tpu.memory_space<vmem>>, vector<1x16xf32>,
        %swap3A_249 = vector.shape_cast %swap3A_248 : vector<1x16xf32> to vector<16xf32>
        %swap3A_250 = vector.shape_cast %add3A_245 : vector<16xf32> to vector<1x16xf32>
        tpu.vector_store %arg10[%swap3A_246, %swap3A_247], %swap3A_250 {strides = array<i32>} : memref<16x1024xf32, #tpu.memory_space<vmem>>, vector<1x16xf32>,
        %get3A_251 = arith.index_cast %scan3A_112 : i32 to index
        %get3A_252 = arith.constant 160 : index
        %get3A_253 = tpu.vector_load %arg6[%get3A_251, %get3A_252] {strides = array<i32>} : memref<16x1024xf32, #tpu.memory_space<vmem>>, vector<1x16xf32>,
        %get3A_254 = vector.shape_cast %get3A_253 : vector<1x16xf32> to vector<16xf32>
        %get3A_255 = arith.index_cast %scan3A_112 : i32 to index
        %get3A_256 = arith.constant 160 : index
        %get3A_257 = tpu.vector_load %arg8[%get3A_255, %get3A_256] {strides = array<i32>} : memref<16x1024xf32, #tpu.memory_space<vmem>>, vector<1x16xf32>,
        %get3A_258 = vector.shape_cast %get3A_257 : vector<1x16xf32> to vector<16xf32>
        %add3A_259 = arith.addf %get3A_254, %get3A_258 : vector<16xf32>
        %swap3A_260 = arith.index_cast %scan3A_112 : i32 to index
        %swap3A_261 = arith.constant 160 : index
        %swap3A_262 = tpu.vector_load %arg10[%swap3A_260, %swap3A_261] {strides = array<i32>} : memref<16x1024xf32, #tpu.memory_space<vmem>>, vector<1x16xf32>,
        %swap3A_263 = vector.shape_cast %swap3A_262 : vector<1x16xf32> to vector<16xf32>
        %swap3A_264 = vector.shape_cast %add3A_259 : vector<16xf32> to vector<1x16xf32>
        tpu.vector_store %arg10[%swap3A_260, %swap3A_261], %swap3A_264 {strides = array<i32>} : memref<16x1024xf32, #tpu.memory_space<vmem>>, vector<1x16xf32>,
        %get3A_265 = arith.index_cast %scan3A_112 : i32 to index
        %get3A_266 = arith.constant 176 : index
        %get3A_267 = tpu.vector_load %arg6[%get3A_265, %get3A_266] {strides = array<i32>} : memref<16x1024xf32, #tpu.memory_space<vmem>>, vector<1x16xf32>,
        %get3A_268 = vector.shape_cast %get3A_267 : vector<1x16xf32> to vector<16xf32>
        %get3A_269 = arith.index_cast %scan3A_112 : i32 to index
        %get3A_270 = arith.constant 176 : index
        %get3A_271 = tpu.vector_load %arg8[%get3A_269, %get3A_270] {strides = array<i32>} : memref<16x1024xf32, #tpu.memory_space<vmem>>, vector<1x16xf32>,
        %get3A_272 = vector.shape_cast %get3A_271 : vector<1x16xf32> to vector<16xf32>
        %add3A_273 = arith.addf %get3A_268, %get3A_272 : vector<16xf32>
        %swap3A_274 = arith.index_cast %scan3A_112 : i32 to index
        %swap3A_275 = arith.constant 176 : index
        %swap3A_276 = tpu.vector_load %arg10[%swap3A_274, %swap3A_275] {strides = array<i32>} : memref<16x1024xf32, #tpu.memory_space<vmem>>, vector<1x16xf32>,
        %swap3A_277 = vector.shape_cast %swap3A_276 : vector<1x16xf32> to vector<16xf32>
        %swap3A_278 = vector.shape_cast %add3A_273 : vector<16xf32> to vector<1x16xf32>
        tpu.vector_store %arg10[%swap3A_274, %swap3A_275], %swap3A_278 {strides = array<i32>} : memref<16x1024xf32, #tpu.memory_space<vmem>>, vector<1x16xf32>,
        %get3A_279 = arith.index_cast %scan3A_112 : i32 to index
        %get3A_280 = arith.constant 192 : index
        %get3A_281 = tpu.vector_load %arg6[%get3A_279, %get3A_280] {strides = array<i32>} : memref<16x1024xf32, #tpu.memory_space<vmem>>, vector<1x16xf32>,
        %get3A_282 = vector.shape_cast %get3A_281 : vector<1x16xf32> to vector<16xf32>
        %get3A_283 = arith.index_cast %scan3A_112 : i32 to index
        %get3A_284 = arith.constant 192 : index
        %get3A_285 = tpu.vector_load %arg8[%get3A_283, %get3A_284] {strides = array<i32>} : memref<16x1024xf32, #tpu.memory_space<vmem>>, vector<1x16xf32>,
        %get3A_286 = vector.shape_cast %get3A_285 : vector<1x16xf32> to vector<16xf32>
        %add3A_287 = arith.addf %get3A_282, %get3A_286 : vector<16xf32>
        %swap3A_288 = arith.index_cast %scan3A_112 : i32 to index
        %swap3A_289 = arith.constant 192 : index
        %swap3A_290 = tpu.vector_load %arg10[%swap3A_288, %swap3A_289] {strides = array<i32>} : memref<16x1024xf32, #tpu.memory_space<vmem>>, vector<1x16xf32>,
        %swap3A_291 = vector.shape_cast %swap3A_290 : vector<1x16xf32> to vector<16xf32>
        %swap3A_292 = vector.shape_cast %add3A_287 : vector<16xf32> to vector<1x16xf32>
        tpu.vector_store %arg10[%swap3A_288, %swap3A_289], %swap3A_292 {strides = array<i32>} : memref<16x1024xf32, #tpu.memory_space<vmem>>, vector<1x16xf32>,
        %get3A_293 = arith.index_cast %scan3A_112 : i32 to index
        %get3A_294 = arith.constant 208 : index
        %get3A_295 = tpu.vector_load %arg6[%get3A_293, %get3A_294] {strides = array<i32>} : memref<16x1024xf32, #tpu.memory_space<vmem>>, vector<1x16xf32>,
        %get3A_296 = vector.shape_cast %get3A_295 : vector<1x16xf32> to vector<16xf32>
        %get3A_297 = arith.index_cast %scan3A_112 : i32 to index
        %get3A_298 = arith.constant 208 : index
        %get3A_299 = tpu.vector_load %arg8[%get3A_297, %get3A_298] {strides = array<i32>} : memref<16x1024xf32, #tpu.memory_space<vmem>>, vector<1x16xf32>,
        %get3A_300 = vector.shape_cast %get3A_299 : vector<1x16xf32> to vector<16xf32>
        %add3A_301 = arith.addf %get3A_296, %get3A_300 : vector<16xf32>
        %swap3A_302 = arith.index_cast %scan3A_112 : i32 to index
        %swap3A_303 = arith.constant 208 : index
        %swap3A_304 = tpu.vector_load %arg10[%swap3A_302, %swap3A_303] {strides = array<i32>} : memref<16x1024xf32, #tpu.memory_space<vmem>>, vector<1x16xf32>,
        %swap3A_305 = vector.shape_cast %swap3A_304 : vector<1x16xf32> to vector<16xf32>
        %swap3A_306 = vector.shape_cast %add3A_301 : vector<16xf32> to vector<1x16xf32>
        tpu.vector_store %arg10[%swap3A_302, %swap3A_303], %swap3A_306 {strides = array<i32>} : memref<16x1024xf32, #tpu.memory_space<vmem>>, vector<1x16xf32>,
        %get3A_307 = arith.index_cast %scan3A_112 : i32 to index
        %get3A_308 = arith.constant 224 : index
        %get3A_309 = tpu.vector_load %arg6[%get3A_307, %get3A_308] {strides = array<i32>} : memref<16x1024xf32, #tpu.memory_space<vmem>>, vector<1x16xf32>,
        %get3A_310 = vector.shape_cast %get3A_309 : vector<1x16xf32> to vector<16xf32>
        %get3A_311 = arith.index_cast %scan3A_112 : i32 to index
        %get3A_312 = arith.constant 224 : index
        %get3A_313 = tpu.vector_load %arg8[%get3A_311, %get3A_312] {strides = array<i32>} : memref<16x1024xf32, #tpu.memory_space<vmem>>, vector<1x16xf32>,
        %get3A_314 = vector.shape_cast %get3A_313 : vector<1x16xf32> to vector<16xf32>
        %add3A_315 = arith.addf %get3A_310, %get3A_314 : vector<16xf32>
        %swap3A_316 = arith.index_cast %scan3A_112 : i32 to index
        %swap3A_317 = arith.constant 224 : index
        %swap3A_318 = tpu.vector_load %arg10[%swap3A_316, %swap3A_317] {strides = array<i32>} : memref<16x1024xf32, #tpu.memory_space<vmem>>, vector<1x16xf32>,
        %swap3A_319 = vector.shape_cast %swap3A_318 : vector<1x16xf32> to vector<16xf32>
        %swap3A_320 = vector.shape_cast %add3A_315 : vector<16xf32> to vector<1x16xf32>
        tpu.vector_store %arg10[%swap3A_316, %swap3A_317], %swap3A_320 {strides = array<i32>} : memref<16x1024xf32, #tpu.memory_space<vmem>>, vector<1x16xf32>,
        %get3A_321 = arith.index_cast %scan3A_112 : i32 to index
        %get3A_322 = arith.constant 240 : index
        %get3A_323 = tpu.vector_load %arg6[%get3A_321, %get3A_322] {strides = array<i32>} : memref<16x1024xf32, #tpu.memory_space<vmem>>, vector<1x16xf32>,
        %get3A_324 = vector.shape_cast %get3A_323 : vector<1x16xf32> to vector<16xf32>
        %get3A_325 = arith.index_cast %scan3A_112 : i32 to index
        %get3A_326 = arith.constant 240 : index
        %get3A_327 = tpu.vector_load %arg8[%get3A_325, %get3A_326] {strides = array<i32>} : memref<16x1024xf32, #tpu.memory_space<vmem>>, vector<1x16xf32>,
        %get3A_328 = vector.shape_cast %get3A_327 : vector<1x16xf32> to vector<16xf32>
        %add3A_329 = arith.addf %get3A_324, %get3A_328 : vector<16xf32>
        %swap3A_330 = arith.index_cast %scan3A_112 : i32 to index
        %swap3A_331 = arith.constant 240 : index
        %swap3A_332 = tpu.vector_load %arg10[%swap3A_330, %swap3A_331] {strides = array<i32>} : memref<16x1024xf32, #tpu.memory_space<vmem>>, vector<1x16xf32>,
        %swap3A_333 = vector.shape_cast %swap3A_332 : vector<1x16xf32> to vector<16xf32>
        %swap3A_334 = vector.shape_cast %add3A_329 : vector<16xf32> to vector<1x16xf32>
        tpu.vector_store %arg10[%swap3A_330, %swap3A_331], %swap3A_334 {strides = array<i32>} : memref<16x1024xf32, #tpu.memory_space<vmem>>, vector<1x16xf32>,
        %get3A_335 = arith.index_cast %scan3A_112 : i32 to index
        %get3A_336 = arith.constant 256 : index
        %get3A_337 = tpu.vector_load %arg6[%get3A_335, %get3A_336] {strides = array<i32>} : memref<16x1024xf32, #tpu.memory_space<vmem>>, vector<1x16xf32>,
        %get3A_338 = vector.shape_cast %get3A_337 : vector<1x16xf32> to vector<16xf32>
        %get3A_339 = arith.index_cast %scan3A_112 : i32 to index
        %get3A_340 = arith.constant 256 : index
        %get3A_341 = tpu.vector_load %arg8[%get3A_339, %get3A_340] {strides = array<i32>} : memref<16x1024xf32, #tpu.memory_space<vmem>>, vector<1x16xf32>,
        %get3A_342 = vector.shape_cast %get3A_341 : vector<1x16xf32> to vector<16xf32>
        %add3A_343 = arith.addf %get3A_338, %get3A_342 : vector<16xf32>
        %swap3A_344 = arith.index_cast %scan3A_112 : i32 to index
        %swap3A_345 = arith.constant 256 : index
        %swap3A_346 = tpu.vector_load %arg10[%swap3A_344, %swap3A_345] {strides = array<i32>} : memref<16x1024xf32, #tpu.memory_space<vmem>>, vector<1x16xf32>,
        %swap3A_347 = vector.shape_cast %swap3A_346 : vector<1x16xf32> to vector<16xf32>
        %swap3A_348 = vector.shape_cast %add3A_343 : vector<16xf32> to vector<1x16xf32>
        tpu.vector_store %arg10[%swap3A_344, %swap3A_345], %swap3A_348 {strides = array<i32>} : memref<16x1024xf32, #tpu.memory_space<vmem>>, vector<1x16xf32>,
        %get3A_349 = arith.index_cast %scan3A_112 : i32 to index
        %get3A_350 = arith.constant 272 : index
        %get3A_351 = tpu.vector_load %arg6[%get3A_349, %get3A_350] {strides = array<i32>} : memref<16x1024xf32, #tpu.memory_space<vmem>>, vector<1x16xf32>,
        %get3A_352 = vector.shape_cast %get3A_351 : vector<1x16xf32> to vector<16xf32>
        %get3A_353 = arith.index_cast %scan3A_112 : i32 to index
        %get3A_354 = arith.constant 272 : index
        %get3A_355 = tpu.vector_load %arg8[%get3A_353, %get3A_354] {strides = array<i32>} : memref<16x1024xf32, #tpu.memory_space<vmem>>, vector<1x16xf32>,
        %get3A_356 = vector.shape_cast %get3A_355 : vector<1x16xf32> to vector<16xf32>
        %add3A_357 = arith.addf %get3A_352, %get3A_356 : vector<16xf32>
        %swap3A_358 = arith.index_cast %scan3A_112 : i32 to index
        %swap3A_359 = arith.constant 272 : index
        %swap3A_360 = tpu.vector_load %arg10[%swap3A_358, %swap3A_359] {strides = array<i32>} : memref<16x1024xf32, #tpu.memory_space<vmem>>, vector<1x16xf32>,
        %swap3A_361 = vector.shape_cast %swap3A_360 : vector<1x16xf32> to vector<16xf32>
        %swap3A_362 = vector.shape_cast %add3A_357 : vector<16xf32> to vector<1x16xf32>
        tpu.vector_store %arg10[%swap3A_358, %swap3A_359], %swap3A_362 {strides = array<i32>} : memref<16x1024xf32, #tpu.memory_space<vmem>>, vector<1x16xf32>,
        %get3A_363 = arith.index_cast %scan3A_112 : i32 to index
        %get3A_364 = arith.constant 288 : index
        %get3A_365 = tpu.vector_load %arg6[%get3A_363, %get3A_364] {strides = array<i32>} : memref<16x1024xf32, #tpu.memory_space<vmem>>, vector<1x16xf32>,
        %get3A_366 = vector.shape_cast %get3A_365 : vector<1x16xf32> to vector<16xf32>
        %get3A_367 = arith.index_cast %scan3A_112 : i32 to index
        %get3A_368 = arith.constant 288 : index
        %get3A_369 = tpu.vector_load %arg8[%get3A_367, %get3A_368] {strides = array<i32>} : memref<16x1024xf32, #tpu.memory_space<vmem>>, vector<1x16xf32>,
        %get3A_370 = vector.shape_cast %get3A_369 : vector<1x16xf32> to vector<16xf32>
        %add3A_371 = arith.addf %get3A_366, %get3A_370 : vector<16xf32>
        %swap3A_372 = arith.index_cast %scan3A_112 : i32 to index
        %swap3A_373 = arith.constant 288 : index
        %swap3A_374 = tpu.vector_load %arg10[%swap3A_372, %swap3A_373] {strides = array<i32>} : memref<16x1024xf32, #tpu.memory_space<vmem>>, vector<1x16xf32>,
        %swap3A_375 = vector.shape_cast %swap3A_374 : vector<1x16xf32> to vector<16xf32>
        %swap3A_376 = vector.shape_cast %add3A_371 : vector<16xf32> to vector<1x16xf32>
        tpu.vector_store %arg10[%swap3A_372, %swap3A_373], %swap3A_376 {strides = array<i32>} : memref<16x1024xf32, #tpu.memory_space<vmem>>, vector<1x16xf32>,
        %get3A_377 = arith.index_cast %scan3A_112 : i32 to index
        %get3A_378 = arith.constant 304 : index
        %get3A_379 = tpu.vector_load %arg6[%get3A_377, %get3A_378] {strides = array<i32>} : memref<16x1024xf32, #tpu.memory_space<vmem>>, vector<1x16xf32>,
        %get3A_380 = vector.shape_cast %get3A_379 : vector<1x16xf32> to vector<16xf32>
        %get3A_381 = arith.index_cast %scan3A_112 : i32 to index
        %get3A_382 = arith.constant 304 : index
        %get3A_383 = tpu.vector_load %arg8[%get3A_381, %get3A_382] {strides = array<i32>} : memref<16x1024xf32, #tpu.memory_space<vmem>>, vector<1x16xf32>,
        %get3A_384 = vector.shape_cast %get3A_383 : vector<1x16xf32> to vector<16xf32>
        %add3A_385 = arith.addf %get3A_380, %get3A_384 : vector<16xf32>
        %swap3A_386 = arith.index_cast %scan3A_112 : i32 to index
        %swap3A_387 = arith.constant 304 : index
        %swap3A_388 = tpu.vector_load %arg10[%swap3A_386, %swap3A_387] {strides = array<i32>} : memref<16x1024xf32, #tpu.memory_space<vmem>>, vector<1x16xf32>,
        %swap3A_389 = vector.shape_cast %swap3A_388 : vector<1x16xf32> to vector<16xf32>
        %swap3A_390 = vector.shape_cast %add3A_385 : vector<16xf32> to vector<1x16xf32>
        tpu.vector_store %arg10[%swap3A_386, %swap3A_387], %swap3A_390 {strides = array<i32>} : memref<16x1024xf32, #tpu.memory_space<vmem>>, vector<1x16xf32>,
        %get3A_391 = arith.index_cast %scan3A_112 : i32 to index
        %get3A_392 = arith.constant 320 : index
        %get3A_393 = tpu.vector_load %arg6[%get3A_391, %get3A_392] {strides = array<i32>} : memref<16x1024xf32, #tpu.memory_space<vmem>>, vector<1x16xf32>,
        %get3A_394 = vector.shape_cast %get3A_393 : vector<1x16xf32> to vector<16xf32>
        %get3A_395 = arith.index_cast %scan3A_112 : i32 to index
        %get3A_396 = arith.constant 320 : index
        %get3A_397 = tpu.vector_load %arg8[%get3A_395, %get3A_396] {strides = array<i32>} : memref<16x1024xf32, #tpu.memory_space<vmem>>, vector<1x16xf32>,
        %get3A_398 = vector.shape_cast %get3A_397 : vector<1x16xf32> to vector<16xf32>
        %add3A_399 = arith.addf %get3A_394, %get3A_398 : vector<16xf32>
        %swap3A_400 = arith.index_cast %scan3A_112 : i32 to index
        %swap3A_401 = arith.constant 320 : index
        %swap3A_402 = tpu.vector_load %arg10[%swap3A_400, %swap3A_401] {strides = array<i32>} : memref<16x1024xf32, #tpu.memory_space<vmem>>, vector<1x16xf32>,
        %swap3A_403 = vector.shape_cast %swap3A_402 : vector<1x16xf32> to vector<16xf32>
        %swap3A_404 = vector.shape_cast %add3A_399 : vector<16xf32> to vector<1x16xf32>
        tpu.vector_store %arg10[%swap3A_400, %swap3A_401], %swap3A_404 {strides = array<i32>} : memref<16x1024xf32, #tpu.memory_space<vmem>>, vector<1x16xf32>,
        %get3A_405 = arith.index_cast %scan3A_112 : i32 to index
        %get3A_406 = arith.constant 336 : index
        %get3A_407 = tpu.vector_load %arg6[%get3A_405, %get3A_406] {strides = array<i32>} : memref<16x1024xf32, #tpu.memory_space<vmem>>, vector<1x16xf32>,
        %get3A_408 = vector.shape_cast %get3A_407 : vector<1x16xf32> to vector<16xf32>
        %get3A_409 = arith.index_cast %scan3A_112 : i32 to index
        %get3A_410 = arith.constant 336 : index
        %get3A_411 = tpu.vector_load %arg8[%get3A_409, %get3A_410] {strides = array<i32>} : memref<16x1024xf32, #tpu.memory_space<vmem>>, vector<1x16xf32>,
        %get3A_412 = vector.shape_cast %get3A_411 : vector<1x16xf32> to vector<16xf32>
        %add3A_413 = arith.addf %get3A_408, %get3A_412 : vector<16xf32>
        %swap3A_414 = arith.index_cast %scan3A_112 : i32 to index
        %swap3A_415 = arith.constant 336 : index
        %swap3A_416 = tpu.vector_load %arg10[%swap3A_414, %swap3A_415] {strides = array<i32>} : memref<16x1024xf32, #tpu.memory_space<vmem>>, vector<1x16xf32>,
        %swap3A_417 = vector.shape_cast %swap3A_416 : vector<1x16xf32> to vector<16xf32>
        %swap3A_418 = vector.shape_cast %add3A_413 : vector<16xf32> to vector<1x16xf32>
        tpu.vector_store %arg10[%swap3A_414, %swap3A_415], %swap3A_418 {strides = array<i32>} : memref<16x1024xf32, #tpu.memory_space<vmem>>, vector<1x16xf32>,
        %get3A_419 = arith.index_cast %scan3A_112 : i32 to index
        %get3A_420 = arith.constant 352 : index
        %get3A_421 = tpu.vector_load %arg6[%get3A_419, %get3A_420] {strides = array<i32>} : memref<16x1024xf32, #tpu.memory_space<vmem>>, vector<1x16xf32>,
        %get3A_422 = vector.shape_cast %get3A_421 : vector<1x16xf32> to vector<16xf32>
        %get3A_423 = arith.index_cast %scan3A_112 : i32 to index
        %get3A_424 = arith.constant 352 : index
        %get3A_425 = tpu.vector_load %arg8[%get3A_423, %get3A_424] {strides = array<i32>} : memref<16x1024xf32, #tpu.memory_space<vmem>>, vector<1x16xf32>,
        %get3A_426 = vector.shape_cast %get3A_425 : vector<1x16xf32> to vector<16xf32>
        %add3A_427 = arith.addf %get3A_422, %get3A_426 : vector<16xf32>
        %swap3A_428 = arith.index_cast %scan3A_112 : i32 to index
        %swap3A_429 = arith.constant 352 : index
        %swap3A_430 = tpu.vector_load %arg10[%swap3A_428, %swap3A_429] {strides = array<i32>} : memref<16x1024xf32, #tpu.memory_space<vmem>>, vector<1x16xf32>,
        %swap3A_431 = vector.shape_cast %swap3A_430 : vector<1x16xf32> to vector<16xf32>
        %swap3A_432 = vector.shape_cast %add3A_427 : vector<16xf32> to vector<1x16xf32>
        tpu.vector_store %arg10[%swap3A_428, %swap3A_429], %swap3A_432 {strides = array<i32>} : memref<16x1024xf32, #tpu.memory_space<vmem>>, vector<1x16xf32>,
        %get3A_433 = arith.index_cast %scan3A_112 : i32 to index
        %get3A_434 = arith.constant 368 : index
        %get3A_435 = tpu.vector_load %arg6[%get3A_433, %get3A_434] {strides = array<i32>} : memref<16x1024xf32, #tpu.memory_space<vmem>>, vector<1x16xf32>,
        %get3A_436 = vector.shape_cast %get3A_435 : vector<1x16xf32> to vector<16xf32>
        %get3A_437 = arith.index_cast %scan3A_112 : i32 to index
        %get3A_438 = arith.constant 368 : index
        %get3A_439 = tpu.vector_load %arg8[%get3A_437, %get3A_438] {strides = array<i32>} : memref<16x1024xf32, #tpu.memory_space<vmem>>, vector<1x16xf32>,
        %get3A_440 = vector.shape_cast %get3A_439 : vector<1x16xf32> to vector<16xf32>
        %add3A_441 = arith.addf %get3A_436, %get3A_440 : vector<16xf32>
        %swap3A_442 = arith.index_cast %scan3A_112 : i32 to index
        %swap3A_443 = arith.constant 368 : index
        %swap3A_444 = tpu.vector_load %arg10[%swap3A_442, %swap3A_443] {strides = array<i32>} : memref<16x1024xf32, #tpu.memory_space<vmem>>, vector<1x16xf32>,
        %swap3A_445 = vector.shape_cast %swap3A_444 : vector<1x16xf32> to vector<16xf32>
        %swap3A_446 = vector.shape_cast %add3A_441 : vector<16xf32> to vector<1x16xf32>
        tpu.vector_store %arg10[%swap3A_442, %swap3A_443], %swap3A_446 {strides = array<i32>} : memref<16x1024xf32, #tpu.memory_space<vmem>>, vector<1x16xf32>,
        %get3A_447 = arith.index_cast %scan3A_112 : i32 to index
        %get3A_448 = arith.constant 384 : index
        %get3A_449 = tpu.vector_load %arg6[%get3A_447, %get3A_448] {strides = array<i32>} : memref<16x1024xf32, #tpu.memory_space<vmem>>, vector<1x16xf32>,
        %get3A_450 = vector.shape_cast %get3A_449 : vector<1x16xf32> to vector<16xf32>
        %get3A_451 = arith.index_cast %scan3A_112 : i32 to index
        %get3A_452 = arith.constant 384 : index
        %get3A_453 = tpu.vector_load %arg8[%get3A_451, %get3A_452] {strides = array<i32>} : memref<16x1024xf32, #tpu.memory_space<vmem>>, vector<1x16xf32>,
        %get3A_454 = vector.shape_cast %get3A_453 : vector<1x16xf32> to vector<16xf32>
        %add3A_455 = arith.addf %get3A_450, %get3A_454 : vector<16xf32>
        %swap3A_456 = arith.index_cast %scan3A_112 : i32 to index
        %swap3A_457 = arith.constant 384 : index
        %swap3A_458 = tpu.vector_load %arg10[%swap3A_456, %swap3A_457] {strides = array<i32>} : memref<16x1024xf32, #tpu.memory_space<vmem>>, vector<1x16xf32>,
        %swap3A_459 = vector.shape_cast %swap3A_458 : vector<1x16xf32> to vector<16xf32>
        %swap3A_460 = vector.shape_cast %add3A_455 : vector<16xf32> to vector<1x16xf32>
        tpu.vector_store %arg10[%swap3A_456, %swap3A_457], %swap3A_460 {strides = array<i32>} : memref<16x1024xf32, #tpu.memory_space<vmem>>, vector<1x16xf32>,
        %get3A_461 = arith.index_cast %scan3A_112 : i32 to index
        %get3A_462 = arith.constant 400 : index
        %get3A_463 = tpu.vector_load %arg6[%get3A_461, %get3A_462] {strides = array<i32>} : memref<16x1024xf32, #tpu.memory_space<vmem>>, vector<1x16xf32>,
        %get3A_464 = vector.shape_cast %get3A_463 : vector<1x16xf32> to vector<16xf32>
        %get3A_465 = arith.index_cast %scan3A_112 : i32 to index
        %get3A_466 = arith.constant 400 : index
        %get3A_467 = tpu.vector_load %arg8[%get3A_465, %get3A_466] {strides = array<i32>} : memref<16x1024xf32, #tpu.memory_space<vmem>>, vector<1x16xf32>,
        %get3A_468 = vector.shape_cast %get3A_467 : vector<1x16xf32> to vector<16xf32>
        %add3A_469 = arith.addf %get3A_464, %get3A_468 : vector<16xf32>
        %swap3A_470 = arith.index_cast %scan3A_112 : i32 to index
        %swap3A_471 = arith.constant 400 : index
        %swap3A_472 = tpu.vector_load %arg10[%swap3A_470, %swap3A_471] {strides = array<i32>} : memref<16x1024xf32, #tpu.memory_space<vmem>>, vector<1x16xf32>,
        %swap3A_473 = vector.shape_cast %swap3A_472 : vector<1x16xf32> to vector<16xf32>
        %swap3A_474 = vector.shape_cast %add3A_469 : vector<16xf32> to vector<1x16xf32>
        tpu.vector_store %arg10[%swap3A_470, %swap3A_471], %swap3A_474 {strides = array<i32>} : memref<16x1024xf32, #tpu.memory_space<vmem>>, vector<1x16xf32>,
        %get3A_475 = arith.index_cast %scan3A_112 : i32 to index
        %get3A_476 = arith.constant 416 : index
        %get3A_477 = tpu.vector_load %arg6[%get3A_475, %get3A_476] {strides = array<i32>} : memref<16x1024xf32, #tpu.memory_space<vmem>>, vector<1x16xf32>,
        %get3A_478 = vector.shape_cast %get3A_477 : vector<1x16xf32> to vector<16xf32>
        %get3A_479 = arith.index_cast %scan3A_112 : i32 to index
        %get3A_480 = arith.constant 416 : index
        %get3A_481 = tpu.vector_load %arg8[%get3A_479, %get3A_480] {strides = array<i32>} : memref<16x1024xf32, #tpu.memory_space<vmem>>, vector<1x16xf32>,
        %get3A_482 = vector.shape_cast %get3A_481 : vector<1x16xf32> to vector<16xf32>
        %add3A_483 = arith.addf %get3A_478, %get3A_482 : vector<16xf32>
        %swap3A_484 = arith.index_cast %scan3A_112 : i32 to index
        %swap3A_485 = arith.constant 416 : index
        %swap3A_486 = tpu.vector_load %arg10[%swap3A_484, %swap3A_485] {strides = array<i32>} : memref<16x1024xf32, #tpu.memory_space<vmem>>, vector<1x16xf32>,
        %swap3A_487 = vector.shape_cast %swap3A_486 : vector<1x16xf32> to vector<16xf32>
        %swap3A_488 = vector.shape_cast %add3A_483 : vector<16xf32> to vector<1x16xf32>
        tpu.vector_store %arg10[%swap3A_484, %swap3A_485], %swap3A_488 {strides = array<i32>} : memref<16x1024xf32, #tpu.memory_space<vmem>>, vector<1x16xf32>,
        %get3A_489 = arith.index_cast %scan3A_112 : i32 to index
        %get3A_490 = arith.constant 432 : index
        %get3A_491 = tpu.vector_load %arg6[%get3A_489, %get3A_490] {strides = array<i32>} : memref<16x1024xf32, #tpu.memory_space<vmem>>, vector<1x16xf32>,
        %get3A_492 = vector.shape_cast %get3A_491 : vector<1x16xf32> to vector<16xf32>
        %get3A_493 = arith.index_cast %scan3A_112 : i32 to index
        %get3A_494 = arith.constant 432 : index
        %get3A_495 = tpu.vector_load %arg8[%get3A_493, %get3A_494] {strides = array<i32>} : memref<16x1024xf32, #tpu.memory_space<vmem>>, vector<1x16xf32>,
        %get3A_496 = vector.shape_cast %get3A_495 : vector<1x16xf32> to vector<16xf32>
        %add3A_497 = arith.addf %get3A_492, %get3A_496 : vector<16xf32>
        %swap3A_498 = arith.index_cast %scan3A_112 : i32 to index
        %swap3A_499 = arith.constant 432 : index
        %swap3A_500 = tpu.vector_load %arg10[%swap3A_498, %swap3A_499] {strides = array<i32>} : memref<16x1024xf32, #tpu.memory_space<vmem>>, vector<1x16xf32>,
        %swap3A_501 = vector.shape_cast %swap3A_500 : vector<1x16xf32> to vector<16xf32>
        %swap3A_502 = vector.shape_cast %add3A_497 : vector<16xf32> to vector<1x16xf32>
        tpu.vector_store %arg10[%swap3A_498, %swap3A_499], %swap3A_502 {strides = array<i32>} : memref<16x1024xf32, #tpu.memory_space<vmem>>, vector<1x16xf32>,
        %get3A_503 = arith.index_cast %scan3A_112 : i32 to index
        %get3A_504 = arith.constant 448 : index
        %get3A_505 = tpu.vector_load %arg6[%get3A_503, %get3A_504] {strides = array<i32>} : memref<16x1024xf32, #tpu.memory_space<vmem>>, vector<1x16xf32>,
        %get3A_506 = vector.shape_cast %get3A_505 : vector<1x16xf32> to vector<16xf32>
        %get3A_507 = arith.index_cast %scan3A_112 : i32 to index
        %get3A_508 = arith.constant 448 : index
        %get3A_509 = tpu.vector_load %arg8[%get3A_507, %get3A_508] {strides = array<i32>} : memref<16x1024xf32, #tpu.memory_space<vmem>>, vector<1x16xf32>,
        %get3A_510 = vector.shape_cast %get3A_509 : vector<1x16xf32> to vector<16xf32>
        %add3A_511 = arith.addf %get3A_506, %get3A_510 : vector<16xf32>
        %swap3A_512 = arith.index_cast %scan3A_112 : i32 to index
        %swap3A_513 = arith.constant 448 : index
        %swap3A_514 = tpu.vector_load %arg10[%swap3A_512, %swap3A_513] {strides = array<i32>} : memref<16x1024xf32, #tpu.memory_space<vmem>>, vector<1x16xf32>,
        %swap3A_515 = vector.shape_cast %swap3A_514 : vector<1x16xf32> to vector<16xf32>
        %swap3A_516 = vector.shape_cast %add3A_511 : vector<16xf32> to vector<1x16xf32>
        tpu.vector_store %arg10[%swap3A_512, %swap3A_513], %swap3A_516 {strides = array<i32>} : memref<16x1024xf32, #tpu.memory_space<vmem>>, vector<1x16xf32>,
        %get3A_517 = arith.index_cast %scan3A_112 : i32 to index
        %get3A_518 = arith.constant 464 : index
        %get3A_519 = tpu.vector_load %arg6[%get3A_517, %get3A_518] {strides = array<i32>} : memref<16x1024xf32, #tpu.memory_space<vmem>>, vector<1x16xf32>,
        %get3A_520 = vector.shape_cast %get3A_519 : vector<1x16xf32> to vector<16xf32>
        %get3A_521 = arith.index_cast %scan3A_112 : i32 to index
        %get3A_522 = arith.constant 464 : index
        %get3A_523 = tpu.vector_load %arg8[%get3A_521, %get3A_522] {strides = array<i32>} : memref<16x1024xf32, #tpu.memory_space<vmem>>, vector<1x16xf32>,
        %get3A_524 = vector.shape_cast %get3A_523 : vector<1x16xf32> to vector<16xf32>
        %add3A_525 = arith.addf %get3A_520, %get3A_524 : vector<16xf32>
        %swap3A_526 = arith.index_cast %scan3A_112 : i32 to index
        %swap3A_527 = arith.constant 464 : index
        %swap3A_528 = tpu.vector_load %arg10[%swap3A_526, %swap3A_527] {strides = array<i32>} : memref<16x1024xf32, #tpu.memory_space<vmem>>, vector<1x16xf32>,
        %swap3A_529 = vector.shape_cast %swap3A_528 : vector<1x16xf32> to vector<16xf32>
        %swap3A_530 = vector.shape_cast %add3A_525 : vector<16xf32> to vector<1x16xf32>
        tpu.vector_store %arg10[%swap3A_526, %swap3A_527], %swap3A_530 {strides = array<i32>} : memref<16x1024xf32, #tpu.memory_space<vmem>>, vector<1x16xf32>,
        %get3A_531 = arith.index_cast %scan3A_112 : i32 to index
        %get3A_532 = arith.constant 480 : index
        %get3A_533 = tpu.vector_load %arg6[%get3A_531, %get3A_532] {strides = array<i32>} : memref<16x1024xf32, #tpu.memory_space<vmem>>, vector<1x16xf32>,
        %get3A_534 = vector.shape_cast %get3A_533 : vector<1x16xf32> to vector<16xf32>
        %get3A_535 = arith.index_cast %scan3A_112 : i32 to index
        %get3A_536 = arith.constant 480 : index
        %get3A_537 = tpu.vector_load %arg8[%get3A_535, %get3A_536] {strides = array<i32>} : memref<16x1024xf32, #tpu.memory_space<vmem>>, vector<1x16xf32>,
        %get3A_538 = vector.shape_cast %get3A_537 : vector<1x16xf32> to vector<16xf32>
        %add3A_539 = arith.addf %get3A_534, %get3A_538 : vector<16xf32>
        %swap3A_540 = arith.index_cast %scan3A_112 : i32 to index
        %swap3A_541 = arith.constant 480 : index
        %swap3A_542 = tpu.vector_load %arg10[%swap3A_540, %swap3A_541] {strides = array<i32>} : memref<16x1024xf32, #tpu.memory_space<vmem>>, vector<1x16xf32>,
        %swap3A_543 = vector.shape_cast %swap3A_542 : vector<1x16xf32> to vector<16xf32>
        %swap3A_544 = vector.shape_cast %add3A_539 : vector<16xf32> to vector<1x16xf32>
        tpu.vector_store %arg10[%swap3A_540, %swap3A_541], %swap3A_544 {strides = array<i32>} : memref<16x1024xf32, #tpu.memory_space<vmem>>, vector<1x16xf32>,
        %get3A_545 = arith.index_cast %scan3A_112 : i32 to index
        %get3A_546 = arith.constant 496 : index
        %get3A_547 = tpu.vector_load %arg6[%get3A_545, %get3A_546] {strides = array<i32>} : memref<16x1024xf32, #tpu.memory_space<vmem>>, vector<1x16xf32>,
        %get3A_548 = vector.shape_cast %get3A_547 : vector<1x16xf32> to vector<16xf32>
        %get3A_549 = arith.index_cast %scan3A_112 : i32 to index
        %get3A_550 = arith.constant 496 : index
        %get3A_551 = tpu.vector_load %arg8[%get3A_549, %get3A_550] {strides = array<i32>} : memref<16x1024xf32, #tpu.memory_space<vmem>>, vector<1x16xf32>,
        %get3A_552 = vector.shape_cast %get3A_551 : vector<1x16xf32> to vector<16xf32>
        %add3A_553 = arith.addf %get3A_548, %get3A_552 : vector<16xf32>
        %swap3A_554 = arith.index_cast %scan3A_112 : i32 to index
        %swap3A_555 = arith.constant 496 : index
        %swap3A_556 = tpu.vector_load %arg10[%swap3A_554, %swap3A_555] {strides = array<i32>} : memref<16x1024xf32, #tpu.memory_space<vmem>>, vector<1x16xf32>,
        %swap3A_557 = vector.shape_cast %swap3A_556 : vector<1x16xf32> to vector<16xf32>
        %swap3A_558 = vector.shape_cast %add3A_553 : vector<16xf32> to vector<1x16xf32>
        tpu.vector_store %arg10[%swap3A_554, %swap3A_555], %swap3A_558 {strides = array<i32>} : memref<16x1024xf32, #tpu.memory_space<vmem>>, vector<1x16xf32>,
        %get3A_559 = arith.index_cast %scan3A_112 : i32 to index
        %get3A_560 = arith.constant 512 : index
        %get3A_561 = tpu.vector_load %arg6[%get3A_559, %get3A_560] {strides = array<i32>} : memref<16x1024xf32, #tpu.memory_space<vmem>>, vector<1x16xf32>,
        %get3A_562 = vector.shape_cast %get3A_561 : vector<1x16xf32> to vector<16xf32>
        %get3A_563 = arith.index_cast %scan3A_112 : i32 to index
        %get3A_564 = arith.constant 512 : index
        %get3A_565 = tpu.vector_load %arg8[%get3A_563, %get3A_564] {strides = array<i32>} : memref<16x1024xf32, #tpu.memory_space<vmem>>, vector<1x16xf32>,
        %get3A_566 = vector.shape_cast %get3A_565 : vector<1x16xf32> to vector<16xf32>
        %add3A_567 = arith.addf %get3A_562, %get3A_566 : vector<16xf32>
        %swap3A_568 = arith.index_cast %scan3A_112 : i32 to index
        %swap3A_569 = arith.constant 512 : index
        %swap3A_570 = tpu.vector_load %arg10[%swap3A_568, %swap3A_569] {strides = array<i32>} : memref<16x1024xf32, #tpu.memory_space<vmem>>, vector<1x16xf32>,
        %swap3A_571 = vector.shape_cast %swap3A_570 : vector<1x16xf32> to vector<16xf32>
        %swap3A_572 = vector.shape_cast %add3A_567 : vector<16xf32> to vector<1x16xf32>
        tpu.vector_store %arg10[%swap3A_568, %swap3A_569], %swap3A_572 {strides = array<i32>} : memref<16x1024xf32, #tpu.memory_space<vmem>>, vector<1x16xf32>,
        %get3A_573 = arith.index_cast %scan3A_112 : i32 to index
        %get3A_574 = arith.constant 528 : index
        %get3A_575 = tpu.vector_load %arg6[%get3A_573, %get3A_574] {strides = array<i32>} : memref<16x1024xf32, #tpu.memory_space<vmem>>, vector<1x16xf32>,
        %get3A_576 = vector.shape_cast %get3A_575 : vector<1x16xf32> to vector<16xf32>
        %get3A_577 = arith.index_cast %scan3A_112 : i32 to index
        %get3A_578 = arith.constant 528 : index
        %get3A_579 = tpu.vector_load %arg8[%get3A_577, %get3A_578] {strides = array<i32>} : memref<16x1024xf32, #tpu.memory_space<vmem>>, vector<1x16xf32>,
        %get3A_580 = vector.shape_cast %get3A_579 : vector<1x16xf32> to vector<16xf32>
        %add3A_581 = arith.addf %get3A_576, %get3A_580 : vector<16xf32>
        %swap3A_582 = arith.index_cast %scan3A_112 : i32 to index
        %swap3A_583 = arith.constant 528 : index
        %swap3A_584 = tpu.vector_load %arg10[%swap3A_582, %swap3A_583] {strides = array<i32>} : memref<16x1024xf32, #tpu.memory_space<vmem>>, vector<1x16xf32>,
        %swap3A_585 = vector.shape_cast %swap3A_584 : vector<1x16xf32> to vector<16xf32>
        %swap3A_586 = vector.shape_cast %add3A_581 : vector<16xf32> to vector<1x16xf32>
        tpu.vector_store %arg10[%swap3A_582, %swap3A_583], %swap3A_586 {strides = array<i32>} : memref<16x1024xf32, #tpu.memory_space<vmem>>, vector<1x16xf32>,
        %get3A_587 = arith.index_cast %scan3A_112 : i32 to index
        %get3A_588 = arith.constant 544 : index
        %get3A_589 = tpu.vector_load %arg6[%get3A_587, %get3A_588] {strides = array<i32>} : memref<16x1024xf32, #tpu.memory_space<vmem>>, vector<1x16xf32>,
        %get3A_590 = vector.shape_cast %get3A_589 : vector<1x16xf32> to vector<16xf32>
        %get3A_591 = arith.index_cast %scan3A_112 : i32 to index
        %get3A_592 = arith.constant 544 : index
        %get3A_593 = tpu.vector_load %arg8[%get3A_591, %get3A_592] {strides = array<i32>} : memref<16x1024xf32, #tpu.memory_space<vmem>>, vector<1x16xf32>,
        %get3A_594 = vector.shape_cast %get3A_593 : vector<1x16xf32> to vector<16xf32>
        %add3A_595 = arith.addf %get3A_590, %get3A_594 : vector<16xf32>
        %swap3A_596 = arith.index_cast %scan3A_112 : i32 to index
        %swap3A_597 = arith.constant 544 : index
        %swap3A_598 = tpu.vector_load %arg10[%swap3A_596, %swap3A_597] {strides = array<i32>} : memref<16x1024xf32, #tpu.memory_space<vmem>>, vector<1x16xf32>,
        %swap3A_599 = vector.shape_cast %swap3A_598 : vector<1x16xf32> to vector<16xf32>
        %swap3A_600 = vector.shape_cast %add3A_595 : vector<16xf32> to vector<1x16xf32>
        tpu.vector_store %arg10[%swap3A_596, %swap3A_597], %swap3A_600 {strides = array<i32>} : memref<16x1024xf32, #tpu.memory_space<vmem>>, vector<1x16xf32>,
        %get3A_601 = arith.index_cast %scan3A_112 : i32 to index
        %get3A_602 = arith.constant 560 : index
        %get3A_603 = tpu.vector_load %arg6[%get3A_601, %get3A_602] {strides = array<i32>} : memref<16x1024xf32, #tpu.memory_space<vmem>>, vector<1x16xf32>,
        %get3A_604 = vector.shape_cast %get3A_603 : vector<1x16xf32> to vector<16xf32>
        %get3A_605 = arith.index_cast %scan3A_112 : i32 to index
        %get3A_606 = arith.constant 560 : index
        %get3A_607 = tpu.vector_load %arg8[%get3A_605, %get3A_606] {strides = array<i32>} : memref<16x1024xf32, #tpu.memory_space<vmem>>, vector<1x16xf32>,
        %get3A_608 = vector.shape_cast %get3A_607 : vector<1x16xf32> to vector<16xf32>
        %add3A_609 = arith.addf %get3A_604, %get3A_608 : vector<16xf32>
        %swap3A_610 = arith.index_cast %scan3A_112 : i32 to index
        %swap3A_611 = arith.constant 560 : index
        %swap3A_612 = tpu.vector_load %arg10[%swap3A_610, %swap3A_611] {strides = array<i32>} : memref<16x1024xf32, #tpu.memory_space<vmem>>, vector<1x16xf32>,
        %swap3A_613 = vector.shape_cast %swap3A_612 : vector<1x16xf32> to vector<16xf32>
        %swap3A_614 = vector.shape_cast %add3A_609 : vector<16xf32> to vector<1x16xf32>
        tpu.vector_store %arg10[%swap3A_610, %swap3A_611], %swap3A_614 {strides = array<i32>} : memref<16x1024xf32, #tpu.memory_space<vmem>>, vector<1x16xf32>,
        %get3A_615 = arith.index_cast %scan3A_112 : i32 to index
        %get3A_616 = arith.constant 576 : index
        %get3A_617 = tpu.vector_load %arg6[%get3A_615, %get3A_616] {strides = array<i32>} : memref<16x1024xf32, #tpu.memory_space<vmem>>, vector<1x16xf32>,
        %get3A_618 = vector.shape_cast %get3A_617 : vector<1x16xf32> to vector<16xf32>
        %get3A_619 = arith.index_cast %scan3A_112 : i32 to index
        %get3A_620 = arith.constant 576 : index
        %get3A_621 = tpu.vector_load %arg8[%get3A_619, %get3A_620] {strides = array<i32>} : memref<16x1024xf32, #tpu.memory_space<vmem>>, vector<1x16xf32>,
        %get3A_622 = vector.shape_cast %get3A_621 : vector<1x16xf32> to vector<16xf32>
        %add3A_623 = arith.addf %get3A_618, %get3A_622 : vector<16xf32>
        %swap3A_624 = arith.index_cast %scan3A_112 : i32 to index
        %swap3A_625 = arith.constant 576 : index
        %swap3A_626 = tpu.vector_load %arg10[%swap3A_624, %swap3A_625] {strides = array<i32>} : memref<16x1024xf32, #tpu.memory_space<vmem>>, vector<1x16xf32>,
        %swap3A_627 = vector.shape_cast %swap3A_626 : vector<1x16xf32> to vector<16xf32>
        %swap3A_628 = vector.shape_cast %add3A_623 : vector<16xf32> to vector<1x16xf32>
        tpu.vector_store %arg10[%swap3A_624, %swap3A_625], %swap3A_628 {strides = array<i32>} : memref<16x1024xf32, #tpu.memory_space<vmem>>, vector<1x16xf32>,
        %get3A_629 = arith.index_cast %scan3A_112 : i32 to index
        %get3A_630 = arith.constant 592 : index
        %get3A_631 = tpu.vector_load %arg6[%get3A_629, %get3A_630] {strides = array<i32>} : memref<16x1024xf32, #tpu.memory_space<vmem>>, vector<1x16xf32>,
        %get3A_632 = vector.shape_cast %get3A_631 : vector<1x16xf32> to vector<16xf32>
        %get3A_633 = arith.index_cast %scan3A_112 : i32 to index
        %get3A_634 = arith.constant 592 : index
        %get3A_635 = tpu.vector_load %arg8[%get3A_633, %get3A_634] {strides = array<i32>} : memref<16x1024xf32, #tpu.memory_space<vmem>>, vector<1x16xf32>,
        %get3A_636 = vector.shape_cast %get3A_635 : vector<1x16xf32> to vector<16xf32>
        %add3A_637 = arith.addf %get3A_632, %get3A_636 : vector<16xf32>
        %swap3A_638 = arith.index_cast %scan3A_112 : i32 to index
        %swap3A_639 = arith.constant 592 : index
        %swap3A_640 = tpu.vector_load %arg10[%swap3A_638, %swap3A_639] {strides = array<i32>} : memref<16x1024xf32, #tpu.memory_space<vmem>>, vector<1x16xf32>,
        %swap3A_641 = vector.shape_cast %swap3A_640 : vector<1x16xf32> to vector<16xf32>
        %swap3A_642 = vector.shape_cast %add3A_637 : vector<16xf32> to vector<1x16xf32>
        tpu.vector_store %arg10[%swap3A_638, %swap3A_639], %swap3A_642 {strides = array<i32>} : memref<16x1024xf32, #tpu.memory_space<vmem>>, vector<1x16xf32>,
        %get3A_643 = arith.index_cast %scan3A_112 : i32 to index
        %get3A_644 = arith.constant 608 : index
        %get3A_645 = tpu.vector_load %arg6[%get3A_643, %get3A_644] {strides = array<i32>} : memref<16x1024xf32, #tpu.memory_space<vmem>>, vector<1x16xf32>,
        %get3A_646 = vector.shape_cast %get3A_645 : vector<1x16xf32> to vector<16xf32>
        %get3A_647 = arith.index_cast %scan3A_112 : i32 to index
        %get3A_648 = arith.constant 608 : index
        %get3A_649 = tpu.vector_load %arg8[%get3A_647, %get3A_648] {strides = array<i32>} : memref<16x1024xf32, #tpu.memory_space<vmem>>, vector<1x16xf32>,
        %get3A_650 = vector.shape_cast %get3A_649 : vector<1x16xf32> to vector<16xf32>
        %add3A_651 = arith.addf %get3A_646, %get3A_650 : vector<16xf32>
        %swap3A_652 = arith.index_cast %scan3A_112 : i32 to index
        %swap3A_653 = arith.constant 608 : index
        %swap3A_654 = tpu.vector_load %arg10[%swap3A_652, %swap3A_653] {strides = array<i32>} : memref<16x1024xf32, #tpu.memory_space<vmem>>, vector<1x16xf32>,
        %swap3A_655 = vector.shape_cast %swap3A_654 : vector<1x16xf32> to vector<16xf32>
        %swap3A_656 = vector.shape_cast %add3A_651 : vector<16xf32> to vector<1x16xf32>
        tpu.vector_store %arg10[%swap3A_652, %swap3A_653], %swap3A_656 {strides = array<i32>} : memref<16x1024xf32, #tpu.memory_space<vmem>>, vector<1x16xf32>,
        %get3A_657 = arith.index_cast %scan3A_112 : i32 to index
        %get3A_658 = arith.constant 624 : index
        %get3A_659 = tpu.vector_load %arg6[%get3A_657, %get3A_658] {strides = array<i32>} : memref<16x1024xf32, #tpu.memory_space<vmem>>, vector<1x16xf32>,
        %get3A_660 = vector.shape_cast %get3A_659 : vector<1x16xf32> to vector<16xf32>
        %get3A_661 = arith.index_cast %scan3A_112 : i32 to index
        %get3A_662 = arith.constant 624 : index
        %get3A_663 = tpu.vector_load %arg8[%get3A_661, %get3A_662] {strides = array<i32>} : memref<16x1024xf32, #tpu.memory_space<vmem>>, vector<1x16xf32>,
        %get3A_664 = vector.shape_cast %get3A_663 : vector<1x16xf32> to vector<16xf32>
        %add3A_665 = arith.addf %get3A_660, %get3A_664 : vector<16xf32>
        %swap3A_666 = arith.index_cast %scan3A_112 : i32 to index
        %swap3A_667 = arith.constant 624 : index
        %swap3A_668 = tpu.vector_load %arg10[%swap3A_666, %swap3A_667] {strides = array<i32>} : memref<16x1024xf32, #tpu.memory_space<vmem>>, vector<1x16xf32>,
        %swap3A_669 = vector.shape_cast %swap3A_668 : vector<1x16xf32> to vector<16xf32>
        %swap3A_670 = vector.shape_cast %add3A_665 : vector<16xf32> to vector<1x16xf32>
        tpu.vector_store %arg10[%swap3A_666, %swap3A_667], %swap3A_670 {strides = array<i32>} : memref<16x1024xf32, #tpu.memory_space<vmem>>, vector<1x16xf32>,
        %get3A_671 = arith.index_cast %scan3A_112 : i32 to index
        %get3A_672 = arith.constant 640 : index
        %get3A_673 = tpu.vector_load %arg6[%get3A_671, %get3A_672] {strides = array<i32>} : memref<16x1024xf32, #tpu.memory_space<vmem>>, vector<1x16xf32>,
        %get3A_674 = vector.shape_cast %get3A_673 : vector<1x16xf32> to vector<16xf32>
        %get3A_675 = arith.index_cast %scan3A_112 : i32 to index
        %get3A_676 = arith.constant 640 : index
        %get3A_677 = tpu.vector_load %arg8[%get3A_675, %get3A_676] {strides = array<i32>} : memref<16x1024xf32, #tpu.memory_space<vmem>>, vector<1x16xf32>,
        %get3A_678 = vector.shape_cast %get3A_677 : vector<1x16xf32> to vector<16xf32>
        %add3A_679 = arith.addf %get3A_674, %get3A_678 : vector<16xf32>
        %swap3A_680 = arith.index_cast %scan3A_112 : i32 to index
        %swap3A_681 = arith.constant 640 : index
        %swap3A_682 = tpu.vector_load %arg10[%swap3A_680, %swap3A_681] {strides = array<i32>} : memref<16x1024xf32, #tpu.memory_space<vmem>>, vector<1x16xf32>,
        %swap3A_683 = vector.shape_cast %swap3A_682 : vector<1x16xf32> to vector<16xf32>
        %swap3A_684 = vector.shape_cast %add3A_679 : vector<16xf32> to vector<1x16xf32>
        tpu.vector_store %arg10[%swap3A_680, %swap3A_681], %swap3A_684 {strides = array<i32>} : memref<16x1024xf32, #tpu.memory_space<vmem>>, vector<1x16xf32>,
        %get3A_685 = arith.index_cast %scan3A_112 : i32 to index
        %get3A_686 = arith.constant 656 : index
        %get3A_687 = tpu.vector_load %arg6[%get3A_685, %get3A_686] {strides = array<i32>} : memref<16x1024xf32, #tpu.memory_space<vmem>>, vector<1x16xf32>,
        %get3A_688 = vector.shape_cast %get3A_687 : vector<1x16xf32> to vector<16xf32>
        %get3A_689 = arith.index_cast %scan3A_112 : i32 to index
        %get3A_690 = arith.constant 656 : index
        %get3A_691 = tpu.vector_load %arg8[%get3A_689, %get3A_690] {strides = array<i32>} : memref<16x1024xf32, #tpu.memory_space<vmem>>, vector<1x16xf32>,
        %get3A_692 = vector.shape_cast %get3A_691 : vector<1x16xf32> to vector<16xf32>
        %add3A_693 = arith.addf %get3A_688, %get3A_692 : vector<16xf32>
        %swap3A_694 = arith.index_cast %scan3A_112 : i32 to index
        %swap3A_695 = arith.constant 656 : index
        %swap3A_696 = tpu.vector_load %arg10[%swap3A_694, %swap3A_695] {strides = array<i32>} : memref<16x1024xf32, #tpu.memory_space<vmem>>, vector<1x16xf32>,
        %swap3A_697 = vector.shape_cast %swap3A_696 : vector<1x16xf32> to vector<16xf32>
        %swap3A_698 = vector.shape_cast %add3A_693 : vector<16xf32> to vector<1x16xf32>
        tpu.vector_store %arg10[%swap3A_694, %swap3A_695], %swap3A_698 {strides = array<i32>} : memref<16x1024xf32, #tpu.memory_space<vmem>>, vector<1x16xf32>,
        %get3A_699 = arith.index_cast %scan3A_112 : i32 to index
        %get3A_700 = arith.constant 672 : index
        %get3A_701 = tpu.vector_load %arg6[%get3A_699, %get3A_700] {strides = array<i32>} : memref<16x1024xf32, #tpu.memory_space<vmem>>, vector<1x16xf32>,
        %get3A_702 = vector.shape_cast %get3A_701 : vector<1x16xf32> to vector<16xf32>
        %get3A_703 = arith.index_cast %scan3A_112 : i32 to index
        %get3A_704 = arith.constant 672 : index
        %get3A_705 = tpu.vector_load %arg8[%get3A_703, %get3A_704] {strides = array<i32>} : memref<16x1024xf32, #tpu.memory_space<vmem>>, vector<1x16xf32>,
        %get3A_706 = vector.shape_cast %get3A_705 : vector<1x16xf32> to vector<16xf32>
        %add3A_707 = arith.addf %get3A_702, %get3A_706 : vector<16xf32>
        %swap3A_708 = arith.index_cast %scan3A_112 : i32 to index
        %swap3A_709 = arith.constant 672 : index
        %swap3A_710 = tpu.vector_load %arg10[%swap3A_708, %swap3A_709] {strides = array<i32>} : memref<16x1024xf32, #tpu.memory_space<vmem>>, vector<1x16xf32>,
        %swap3A_711 = vector.shape_cast %swap3A_710 : vector<1x16xf32> to vector<16xf32>
        %swap3A_712 = vector.shape_cast %add3A_707 : vector<16xf32> to vector<1x16xf32>
        tpu.vector_store %arg10[%swap3A_708, %swap3A_709], %swap3A_712 {strides = array<i32>} : memref<16x1024xf32, #tpu.memory_space<vmem>>, vector<1x16xf32>,
        %get3A_713 = arith.index_cast %scan3A_112 : i32 to index
        %get3A_714 = arith.constant 688 : index
        %get3A_715 = tpu.vector_load %arg6[%get3A_713, %get3A_714] {strides = array<i32>} : memref<16x1024xf32, #tpu.memory_space<vmem>>, vector<1x16xf32>,
        %get3A_716 = vector.shape_cast %get3A_715 : vector<1x16xf32> to vector<16xf32>
        %get3A_717 = arith.index_cast %scan3A_112 : i32 to index
        %get3A_718 = arith.constant 688 : index
        %get3A_719 = tpu.vector_load %arg8[%get3A_717, %get3A_718] {strides = array<i32>} : memref<16x1024xf32, #tpu.memory_space<vmem>>, vector<1x16xf32>,
        %get3A_720 = vector.shape_cast %get3A_719 : vector<1x16xf32> to vector<16xf32>
        %add3A_721 = arith.addf %get3A_716, %get3A_720 : vector<16xf32>
        %swap3A_722 = arith.index_cast %scan3A_112 : i32 to index
        %swap3A_723 = arith.constant 688 : index
        %swap3A_724 = tpu.vector_load %arg10[%swap3A_722, %swap3A_723] {strides = array<i32>} : memref<16x1024xf32, #tpu.memory_space<vmem>>, vector<1x16xf32>,
        %swap3A_725 = vector.shape_cast %swap3A_724 : vector<1x16xf32> to vector<16xf32>
        %swap3A_726 = vector.shape_cast %add3A_721 : vector<16xf32> to vector<1x16xf32>
        tpu.vector_store %arg10[%swap3A_722, %swap3A_723], %swap3A_726 {strides = array<i32>} : memref<16x1024xf32, #tpu.memory_space<vmem>>, vector<1x16xf32>,
        %get3A_727 = arith.index_cast %scan3A_112 : i32 to index
        %get3A_728 = arith.constant 704 : index
        %get3A_729 = tpu.vector_load %arg6[%get3A_727, %get3A_728] {strides = array<i32>} : memref<16x1024xf32, #tpu.memory_space<vmem>>, vector<1x16xf32>,
        %get3A_730 = vector.shape_cast %get3A_729 : vector<1x16xf32> to vector<16xf32>
        %get3A_731 = arith.index_cast %scan3A_112 : i32 to index
        %get3A_732 = arith.constant 704 : index
        %get3A_733 = tpu.vector_load %arg8[%get3A_731, %get3A_732] {strides = array<i32>} : memref<16x1024xf32, #tpu.memory_space<vmem>>, vector<1x16xf32>,
        %get3A_734 = vector.shape_cast %get3A_733 : vector<1x16xf32> to vector<16xf32>
        %add3A_735 = arith.addf %get3A_730, %get3A_734 : vector<16xf32>
        %swap3A_736 = arith.index_cast %scan3A_112 : i32 to index
        %swap3A_737 = arith.constant 704 : index
        %swap3A_738 = tpu.vector_load %arg10[%swap3A_736, %swap3A_737] {strides = array<i32>} : memref<16x1024xf32, #tpu.memory_space<vmem>>, vector<1x16xf32>,
        %swap3A_739 = vector.shape_cast %swap3A_738 : vector<1x16xf32> to vector<16xf32>
        %swap3A_740 = vector.shape_cast %add3A_735 : vector<16xf32> to vector<1x16xf32>
        tpu.vector_store %arg10[%swap3A_736, %swap3A_737], %swap3A_740 {strides = array<i32>} : memref<16x1024xf32, #tpu.memory_space<vmem>>, vector<1x16xf32>,
        %get3A_741 = arith.index_cast %scan3A_112 : i32 to index
        %get3A_742 = arith.constant 720 : index
        %get3A_743 = tpu.vector_load %arg6[%get3A_741, %get3A_742] {strides = array<i32>} : memref<16x1024xf32, #tpu.memory_space<vmem>>, vector<1x16xf32>,
        %get3A_744 = vector.shape_cast %get3A_743 : vector<1x16xf32> to vector<16xf32>
        %get3A_745 = arith.index_cast %scan3A_112 : i32 to index
        %get3A_746 = arith.constant 720 : index
        %get3A_747 = tpu.vector_load %arg8[%get3A_745, %get3A_746] {strides = array<i32>} : memref<16x1024xf32, #tpu.memory_space<vmem>>, vector<1x16xf32>,
        %get3A_748 = vector.shape_cast %get3A_747 : vector<1x16xf32> to vector<16xf32>
        %add3A_749 = arith.addf %get3A_744, %get3A_748 : vector<16xf32>
        %swap3A_750 = arith.index_cast %scan3A_112 : i32 to index
        %swap3A_751 = arith.constant 720 : index
        %swap3A_752 = tpu.vector_load %arg10[%swap3A_750, %swap3A_751] {strides = array<i32>} : memref<16x1024xf32, #tpu.memory_space<vmem>>, vector<1x16xf32>,
        %swap3A_753 = vector.shape_cast %swap3A_752 : vector<1x16xf32> to vector<16xf32>
        %swap3A_754 = vector.shape_cast %add3A_749 : vector<16xf32> to vector<1x16xf32>
        tpu.vector_store %arg10[%swap3A_750, %swap3A_751], %swap3A_754 {strides = array<i32>} : memref<16x1024xf32, #tpu.memory_space<vmem>>, vector<1x16xf32>,
        %get3A_755 = arith.index_cast %scan3A_112 : i32 to index
        %get3A_756 = arith.constant 736 : index
        %get3A_757 = tpu.vector_load %arg6[%get3A_755, %get3A_756] {strides = array<i32>} : memref<16x1024xf32, #tpu.memory_space<vmem>>, vector<1x16xf32>,
        %get3A_758 = vector.shape_cast %get3A_757 : vector<1x16xf32> to vector<16xf32>
        %get3A_759 = arith.index_cast %scan3A_112 : i32 to index
        %get3A_760 = arith.constant 736 : index
        %get3A_761 = tpu.vector_load %arg8[%get3A_759, %get3A_760] {strides = array<i32>} : memref<16x1024xf32, #tpu.memory_space<vmem>>, vector<1x16xf32>,
        %get3A_762 = vector.shape_cast %get3A_761 : vector<1x16xf32> to vector<16xf32>
        %add3A_763 = arith.addf %get3A_758, %get3A_762 : vector<16xf32>
        %swap3A_764 = arith.index_cast %scan3A_112 : i32 to index
        %swap3A_765 = arith.constant 736 : index
        %swap3A_766 = tpu.vector_load %arg10[%swap3A_764, %swap3A_765] {strides = array<i32>} : memref<16x1024xf32, #tpu.memory_space<vmem>>, vector<1x16xf32>,
        %swap3A_767 = vector.shape_cast %swap3A_766 : vector<1x16xf32> to vector<16xf32>
        %swap3A_768 = vector.shape_cast %add3A_763 : vector<16xf32> to vector<1x16xf32>
        tpu.vector_store %arg10[%swap3A_764, %swap3A_765], %swap3A_768 {strides = array<i32>} : memref<16x1024xf32, #tpu.memory_space<vmem>>, vector<1x16xf32>,
        %get3A_769 = arith.index_cast %scan3A_112 : i32 to index
        %get3A_770 = arith.constant 752 : index
        %get3A_771 = tpu.vector_load %arg6[%get3A_769, %get3A_770] {strides = array<i32>} : memref<16x1024xf32, #tpu.memory_space<vmem>>, vector<1x16xf32>,
        %get3A_772 = vector.shape_cast %get3A_771 : vector<1x16xf32> to vector<16xf32>
        %get3A_773 = arith.index_cast %scan3A_112 : i32 to index
        %get3A_774 = arith.constant 752 : index
        %get3A_775 = tpu.vector_load %arg8[%get3A_773, %get3A_774] {strides = array<i32>} : memref<16x1024xf32, #tpu.memory_space<vmem>>, vector<1x16xf32>,
        %get3A_776 = vector.shape_cast %get3A_775 : vector<1x16xf32> to vector<16xf32>
        %add3A_777 = arith.addf %get3A_772, %get3A_776 : vector<16xf32>
        %swap3A_778 = arith.index_cast %scan3A_112 : i32 to index
        %swap3A_779 = arith.constant 752 : index
        %swap3A_780 = tpu.vector_load %arg10[%swap3A_778, %swap3A_779] {strides = array<i32>} : memref<16x1024xf32, #tpu.memory_space<vmem>>, vector<1x16xf32>,
        %swap3A_781 = vector.shape_cast %swap3A_780 : vector<1x16xf32> to vector<16xf32>
        %swap3A_782 = vector.shape_cast %add3A_777 : vector<16xf32> to vector<1x16xf32>
        tpu.vector_store %arg10[%swap3A_778, %swap3A_779], %swap3A_782 {strides = array<i32>} : memref<16x1024xf32, #tpu.memory_space<vmem>>, vector<1x16xf32>,
        %get3A_783 = arith.index_cast %scan3A_112 : i32 to index
        %get3A_784 = arith.constant 768 : index
        %get3A_785 = tpu.vector_load %arg6[%get3A_783, %get3A_784] {strides = array<i32>} : memref<16x1024xf32, #tpu.memory_space<vmem>>, vector<1x16xf32>,
        %get3A_786 = vector.shape_cast %get3A_785 : vector<1x16xf32> to vector<16xf32>
        %get3A_787 = arith.index_cast %scan3A_112 : i32 to index
        %get3A_788 = arith.constant 768 : index
        %get3A_789 = tpu.vector_load %arg8[%get3A_787, %get3A_788] {strides = array<i32>} : memref<16x1024xf32, #tpu.memory_space<vmem>>, vector<1x16xf32>,
        %get3A_790 = vector.shape_cast %get3A_789 : vector<1x16xf32> to vector<16xf32>
        %add3A_791 = arith.addf %get3A_786, %get3A_790 : vector<16xf32>
        %swap3A_792 = arith.index_cast %scan3A_112 : i32 to index
        %swap3A_793 = arith.constant 768 : index
        %swap3A_794 = tpu.vector_load %arg10[%swap3A_792, %swap3A_793] {strides = array<i32>} : memref<16x1024xf32, #tpu.memory_space<vmem>>, vector<1x16xf32>,
        %swap3A_795 = vector.shape_cast %swap3A_794 : vector<1x16xf32> to vector<16xf32>
        %swap3A_796 = vector.shape_cast %add3A_791 : vector<16xf32> to vector<1x16xf32>
        tpu.vector_store %arg10[%swap3A_792, %swap3A_793], %swap3A_796 {strides = array<i32>} : memref<16x1024xf32, #tpu.memory_space<vmem>>, vector<1x16xf32>,
        %get3A_797 = arith.index_cast %scan3A_112 : i32 to index
        %get3A_798 = arith.constant 784 : index
        %get3A_799 = tpu.vector_load %arg6[%get3A_797, %get3A_798] {strides = array<i32>} : memref<16x1024xf32, #tpu.memory_space<vmem>>, vector<1x16xf32>,
        %get3A_800 = vector.shape_cast %get3A_799 : vector<1x16xf32> to vector<16xf32>
        %get3A_801 = arith.index_cast %scan3A_112 : i32 to index
        %get3A_802 = arith.constant 784 : index
        %get3A_803 = tpu.vector_load %arg8[%get3A_801, %get3A_802] {strides = array<i32>} : memref<16x1024xf32, #tpu.memory_space<vmem>>, vector<1x16xf32>,
        %get3A_804 = vector.shape_cast %get3A_803 : vector<1x16xf32> to vector<16xf32>
        %add3A_805 = arith.addf %get3A_800, %get3A_804 : vector<16xf32>
        %swap3A_806 = arith.index_cast %scan3A_112 : i32 to index
        %swap3A_807 = arith.constant 784 : index
        %swap3A_808 = tpu.vector_load %arg10[%swap3A_806, %swap3A_807] {strides = array<i32>} : memref<16x1024xf32, #tpu.memory_space<vmem>>, vector<1x16xf32>,
        %swap3A_809 = vector.shape_cast %swap3A_808 : vector<1x16xf32> to vector<16xf32>
        %swap3A_810 = vector.shape_cast %add3A_805 : vector<16xf32> to vector<1x16xf32>
        tpu.vector_store %arg10[%swap3A_806, %swap3A_807], %swap3A_810 {strides = array<i32>} : memref<16x1024xf32, #tpu.memory_space<vmem>>, vector<1x16xf32>,
        %get3A_811 = arith.index_cast %scan3A_112 : i32 to index
        %get3A_812 = arith.constant 800 : index
        %get3A_813 = tpu.vector_load %arg6[%get3A_811, %get3A_812] {strides = array<i32>} : memref<16x1024xf32, #tpu.memory_space<vmem>>, vector<1x16xf32>,
        %get3A_814 = vector.shape_cast %get3A_813 : vector<1x16xf32> to vector<16xf32>
        %get3A_815 = arith.index_cast %scan3A_112 : i32 to index
        %get3A_816 = arith.constant 800 : index
        %get3A_817 = tpu.vector_load %arg8[%get3A_815, %get3A_816] {strides = array<i32>} : memref<16x1024xf32, #tpu.memory_space<vmem>>, vector<1x16xf32>,
        %get3A_818 = vector.shape_cast %get3A_817 : vector<1x16xf32> to vector<16xf32>
        %add3A_819 = arith.addf %get3A_814, %get3A_818 : vector<16xf32>
        %swap3A_820 = arith.index_cast %scan3A_112 : i32 to index
        %swap3A_821 = arith.constant 800 : index
        %swap3A_822 = tpu.vector_load %arg10[%swap3A_820, %swap3A_821] {strides = array<i32>} : memref<16x1024xf32, #tpu.memory_space<vmem>>, vector<1x16xf32>,
        %swap3A_823 = vector.shape_cast %swap3A_822 : vector<1x16xf32> to vector<16xf32>
        %swap3A_824 = vector.shape_cast %add3A_819 : vector<16xf32> to vector<1x16xf32>
        tpu.vector_store %arg10[%swap3A_820, %swap3A_821], %swap3A_824 {strides = array<i32>} : memref<16x1024xf32, #tpu.memory_space<vmem>>, vector<1x16xf32>,
        %get3A_825 = arith.index_cast %scan3A_112 : i32 to index
        %get3A_826 = arith.constant 816 : index
        %get3A_827 = tpu.vector_load %arg6[%get3A_825, %get3A_826] {strides = array<i32>} : memref<16x1024xf32, #tpu.memory_space<vmem>>, vector<1x16xf32>,
        %get3A_828 = vector.shape_cast %get3A_827 : vector<1x16xf32> to vector<16xf32>
        %get3A_829 = arith.index_cast %scan3A_112 : i32 to index
        %get3A_830 = arith.constant 816 : index
        %get3A_831 = tpu.vector_load %arg8[%get3A_829, %get3A_830] {strides = array<i32>} : memref<16x1024xf32, #tpu.memory_space<vmem>>, vector<1x16xf32>,
        %get3A_832 = vector.shape_cast %get3A_831 : vector<1x16xf32> to vector<16xf32>
        %add3A_833 = arith.addf %get3A_828, %get3A_832 : vector<16xf32>
        %swap3A_834 = arith.index_cast %scan3A_112 : i32 to index
        %swap3A_835 = arith.constant 816 : index
        %swap3A_836 = tpu.vector_load %arg10[%swap3A_834, %swap3A_835] {strides = array<i32>} : memref<16x1024xf32, #tpu.memory_space<vmem>>, vector<1x16xf32>,
        %swap3A_837 = vector.shape_cast %swap3A_836 : vector<1x16xf32> to vector<16xf32>
        %swap3A_838 = vector.shape_cast %add3A_833 : vector<16xf32> to vector<1x16xf32>
        tpu.vector_store %arg10[%swap3A_834, %swap3A_835], %swap3A_838 {strides = array<i32>} : memref<16x1024xf32, #tpu.memory_space<vmem>>, vector<1x16xf32>,
        %get3A_839 = arith.index_cast %scan3A_112 : i32 to index
        %get3A_840 = arith.constant 832 : index
        %get3A_841 = tpu.vector_load %arg6[%get3A_839, %get3A_840] {strides = array<i32>} : memref<16x1024xf32, #tpu.memory_space<vmem>>, vector<1x16xf32>,
        %get3A_842 = vector.shape_cast %get3A_841 : vector<1x16xf32> to vector<16xf32>
        %get3A_843 = arith.index_cast %scan3A_112 : i32 to index
        %get3A_844 = arith.constant 832 : index
        %get3A_845 = tpu.vector_load %arg8[%get3A_843, %get3A_844] {strides = array<i32>} : memref<16x1024xf32, #tpu.memory_space<vmem>>, vector<1x16xf32>,
        %get3A_846 = vector.shape_cast %get3A_845 : vector<1x16xf32> to vector<16xf32>
        %add3A_847 = arith.addf %get3A_842, %get3A_846 : vector<16xf32>
        %swap3A_848 = arith.index_cast %scan3A_112 : i32 to index
        %swap3A_849 = arith.constant 832 : index
        %swap3A_850 = tpu.vector_load %arg10[%swap3A_848, %swap3A_849] {strides = array<i32>} : memref<16x1024xf32, #tpu.memory_space<vmem>>, vector<1x16xf32>,
        %swap3A_851 = vector.shape_cast %swap3A_850 : vector<1x16xf32> to vector<16xf32>
        %swap3A_852 = vector.shape_cast %add3A_847 : vector<16xf32> to vector<1x16xf32>
        tpu.vector_store %arg10[%swap3A_848, %swap3A_849], %swap3A_852 {strides = array<i32>} : memref<16x1024xf32, #tpu.memory_space<vmem>>, vector<1x16xf32>,
        %get3A_853 = arith.index_cast %scan3A_112 : i32 to index
        %get3A_854 = arith.constant 848 : index
        %get3A_855 = tpu.vector_load %arg6[%get3A_853, %get3A_854] {strides = array<i32>} : memref<16x1024xf32, #tpu.memory_space<vmem>>, vector<1x16xf32>,
        %get3A_856 = vector.shape_cast %get3A_855 : vector<1x16xf32> to vector<16xf32>
        %get3A_857 = arith.index_cast %scan3A_112 : i32 to index
        %get3A_858 = arith.constant 848 : index
        %get3A_859 = tpu.vector_load %arg8[%get3A_857, %get3A_858] {strides = array<i32>} : memref<16x1024xf32, #tpu.memory_space<vmem>>, vector<1x16xf32>,
        %get3A_860 = vector.shape_cast %get3A_859 : vector<1x16xf32> to vector<16xf32>
        %add3A_861 = arith.addf %get3A_856, %get3A_860 : vector<16xf32>
        %swap3A_862 = arith.index_cast %scan3A_112 : i32 to index
        %swap3A_863 = arith.constant 848 : index
        %swap3A_864 = tpu.vector_load %arg10[%swap3A_862, %swap3A_863] {strides = array<i32>} : memref<16x1024xf32, #tpu.memory_space<vmem>>, vector<1x16xf32>,
        %swap3A_865 = vector.shape_cast %swap3A_864 : vector<1x16xf32> to vector<16xf32>
        %swap3A_866 = vector.shape_cast %add3A_861 : vector<16xf32> to vector<1x16xf32>
        tpu.vector_store %arg10[%swap3A_862, %swap3A_863], %swap3A_866 {strides = array<i32>} : memref<16x1024xf32, #tpu.memory_space<vmem>>, vector<1x16xf32>,
        %get3A_867 = arith.index_cast %scan3A_112 : i32 to index
        %get3A_868 = arith.constant 864 : index
        %get3A_869 = tpu.vector_load %arg6[%get3A_867, %get3A_868] {strides = array<i32>} : memref<16x1024xf32, #tpu.memory_space<vmem>>, vector<1x16xf32>,
        %get3A_870 = vector.shape_cast %get3A_869 : vector<1x16xf32> to vector<16xf32>
        %get3A_871 = arith.index_cast %scan3A_112 : i32 to index
        %get3A_872 = arith.constant 864 : index
        %get3A_873 = tpu.vector_load %arg8[%get3A_871, %get3A_872] {strides = array<i32>} : memref<16x1024xf32, #tpu.memory_space<vmem>>, vector<1x16xf32>,
        %get3A_874 = vector.shape_cast %get3A_873 : vector<1x16xf32> to vector<16xf32>
        %add3A_875 = arith.addf %get3A_870, %get3A_874 : vector<16xf32>
        %swap3A_876 = arith.index_cast %scan3A_112 : i32 to index
        %swap3A_877 = arith.constant 864 : index
        %swap3A_878 = tpu.vector_load %arg10[%swap3A_876, %swap3A_877] {strides = array<i32>} : memref<16x1024xf32, #tpu.memory_space<vmem>>, vector<1x16xf32>,
        %swap3A_879 = vector.shape_cast %swap3A_878 : vector<1x16xf32> to vector<16xf32>
        %swap3A_880 = vector.shape_cast %add3A_875 : vector<16xf32> to vector<1x16xf32>
        tpu.vector_store %arg10[%swap3A_876, %swap3A_877], %swap3A_880 {strides = array<i32>} : memref<16x1024xf32, #tpu.memory_space<vmem>>, vector<1x16xf32>,
        %get3A_881 = arith.index_cast %scan3A_112 : i32 to index
        %get3A_882 = arith.constant 880 : index
        %get3A_883 = tpu.vector_load %arg6[%get3A_881, %get3A_882] {strides = array<i32>} : memref<16x1024xf32, #tpu.memory_space<vmem>>, vector<1x16xf32>,
        %get3A_884 = vector.shape_cast %get3A_883 : vector<1x16xf32> to vector<16xf32>
        %get3A_885 = arith.index_cast %scan3A_112 : i32 to index
        %get3A_886 = arith.constant 880 : index
        %get3A_887 = tpu.vector_load %arg8[%get3A_885, %get3A_886] {strides = array<i32>} : memref<16x1024xf32, #tpu.memory_space<vmem>>, vector<1x16xf32>,
        %get3A_888 = vector.shape_cast %get3A_887 : vector<1x16xf32> to vector<16xf32>
        %add3A_889 = arith.addf %get3A_884, %get3A_888 : vector<16xf32>
        %swap3A_890 = arith.index_cast %scan3A_112 : i32 to index
        %swap3A_891 = arith.constant 880 : index
        %swap3A_892 = tpu.vector_load %arg10[%swap3A_890, %swap3A_891] {strides = array<i32>} : memref<16x1024xf32, #tpu.memory_space<vmem>>, vector<1x16xf32>,
        %swap3A_893 = vector.shape_cast %swap3A_892 : vector<1x16xf32> to vector<16xf32>
        %swap3A_894 = vector.shape_cast %add3A_889 : vector<16xf32> to vector<1x16xf32>
        tpu.vector_store %arg10[%swap3A_890, %swap3A_891], %swap3A_894 {strides = array<i32>} : memref<16x1024xf32, #tpu.memory_space<vmem>>, vector<1x16xf32>,
        %get3A_895 = arith.index_cast %scan3A_112 : i32 to index
        %get3A_896 = arith.constant 896 : index
        %get3A_897 = tpu.vector_load %arg6[%get3A_895, %get3A_896] {strides = array<i32>} : memref<16x1024xf32, #tpu.memory_space<vmem>>, vector<1x16xf32>,
        %get3A_898 = vector.shape_cast %get3A_897 : vector<1x16xf32> to vector<16xf32>
        %get3A_899 = arith.index_cast %scan3A_112 : i32 to index
        %get3A_900 = arith.constant 896 : index
        %get3A_901 = tpu.vector_load %arg8[%get3A_899, %get3A_900] {strides = array<i32>} : memref<16x1024xf32, #tpu.memory_space<vmem>>, vector<1x16xf32>,
        %get3A_902 = vector.shape_cast %get3A_901 : vector<1x16xf32> to vector<16xf32>
        %add3A_903 = arith.addf %get3A_898, %get3A_902 : vector<16xf32>
        %swap3A_904 = arith.index_cast %scan3A_112 : i32 to index
        %swap3A_905 = arith.constant 896 : index
        %swap3A_906 = tpu.vector_load %arg10[%swap3A_904, %swap3A_905] {strides = array<i32>} : memref<16x1024xf32, #tpu.memory_space<vmem>>, vector<1x16xf32>,
        %swap3A_907 = vector.shape_cast %swap3A_906 : vector<1x16xf32> to vector<16xf32>
        %swap3A_908 = vector.shape_cast %add3A_903 : vector<16xf32> to vector<1x16xf32>
        tpu.vector_store %arg10[%swap3A_904, %swap3A_905], %swap3A_908 {strides = array<i32>} : memref<16x1024xf32, #tpu.memory_space<vmem>>, vector<1x16xf32>,
        %get3A_909 = arith.index_cast %scan3A_112 : i32 to index
        %get3A_910 = arith.constant 912 : index
        %get3A_911 = tpu.vector_load %arg6[%get3A_909, %get3A_910] {strides = array<i32>} : memref<16x1024xf32, #tpu.memory_space<vmem>>, vector<1x16xf32>,
        %get3A_912 = vector.shape_cast %get3A_911 : vector<1x16xf32> to vector<16xf32>
        %get3A_913 = arith.index_cast %scan3A_112 : i32 to index
        %get3A_914 = arith.constant 912 : index
        %get3A_915 = tpu.vector_load %arg8[%get3A_913, %get3A_914] {strides = array<i32>} : memref<16x1024xf32, #tpu.memory_space<vmem>>, vector<1x16xf32>,
        %get3A_916 = vector.shape_cast %get3A_915 : vector<1x16xf32> to vector<16xf32>
        %add3A_917 = arith.addf %get3A_912, %get3A_916 : vector<16xf32>
        %swap3A_918 = arith.index_cast %scan3A_112 : i32 to index
        %swap3A_919 = arith.constant 912 : index
        %swap3A_920 = tpu.vector_load %arg10[%swap3A_918, %swap3A_919] {strides = array<i32>} : memref<16x1024xf32, #tpu.memory_space<vmem>>, vector<1x16xf32>,
        %swap3A_921 = vector.shape_cast %swap3A_920 : vector<1x16xf32> to vector<16xf32>
        %swap3A_922 = vector.shape_cast %add3A_917 : vector<16xf32> to vector<1x16xf32>
        tpu.vector_store %arg10[%swap3A_918, %swap3A_919], %swap3A_922 {strides = array<i32>} : memref<16x1024xf32, #tpu.memory_space<vmem>>, vector<1x16xf32>,
        %get3A_923 = arith.index_cast %scan3A_112 : i32 to index
        %get3A_924 = arith.constant 928 : index
        %get3A_925 = tpu.vector_load %arg6[%get3A_923, %get3A_924] {strides = array<i32>} : memref<16x1024xf32, #tpu.memory_space<vmem>>, vector<1x16xf32>,
        %get3A_926 = vector.shape_cast %get3A_925 : vector<1x16xf32> to vector<16xf32>
        %get3A_927 = arith.index_cast %scan3A_112 : i32 to index
        %get3A_928 = arith.constant 928 : index
        %get3A_929 = tpu.vector_load %arg8[%get3A_927, %get3A_928] {strides = array<i32>} : memref<16x1024xf32, #tpu.memory_space<vmem>>, vector<1x16xf32>,
        %get3A_930 = vector.shape_cast %get3A_929 : vector<1x16xf32> to vector<16xf32>
        %add3A_931 = arith.addf %get3A_926, %get3A_930 : vector<16xf32>
        %swap3A_932 = arith.index_cast %scan3A_112 : i32 to index
        %swap3A_933 = arith.constant 928 : index
        %swap3A_934 = tpu.vector_load %arg10[%swap3A_932, %swap3A_933] {strides = array<i32>} : memref<16x1024xf32, #tpu.memory_space<vmem>>, vector<1x16xf32>,
        %swap3A_935 = vector.shape_cast %swap3A_934 : vector<1x16xf32> to vector<16xf32>
        %swap3A_936 = vector.shape_cast %add3A_931 : vector<16xf32> to vector<1x16xf32>
        tpu.vector_store %arg10[%swap3A_932, %swap3A_933], %swap3A_936 {strides = array<i32>} : memref<16x1024xf32, #tpu.memory_space<vmem>>, vector<1x16xf32>,
        %get3A_937 = arith.index_cast %scan3A_112 : i32 to index
        %get3A_938 = arith.constant 944 : index
        %get3A_939 = tpu.vector_load %arg6[%get3A_937, %get3A_938] {strides = array<i32>} : memref<16x1024xf32, #tpu.memory_space<vmem>>, vector<1x16xf32>,
        %get3A_940 = vector.shape_cast %get3A_939 : vector<1x16xf32> to vector<16xf32>
        %get3A_941 = arith.index_cast %scan3A_112 : i32 to index
        %get3A_942 = arith.constant 944 : index
        %get3A_943 = tpu.vector_load %arg8[%get3A_941, %get3A_942] {strides = array<i32>} : memref<16x1024xf32, #tpu.memory_space<vmem>>, vector<1x16xf32>,
        %get3A_944 = vector.shape_cast %get3A_943 : vector<1x16xf32> to vector<16xf32>
        %add3A_945 = arith.addf %get3A_940, %get3A_944 : vector<16xf32>
        %swap3A_946 = arith.index_cast %scan3A_112 : i32 to index
        %swap3A_947 = arith.constant 944 : index
        %swap3A_948 = tpu.vector_load %arg10[%swap3A_946, %swap3A_947] {strides = array<i32>} : memref<16x1024xf32, #tpu.memory_space<vmem>>, vector<1x16xf32>,
        %swap3A_949 = vector.shape_cast %swap3A_948 : vector<1x16xf32> to vector<16xf32>
        %swap3A_950 = vector.shape_cast %add3A_945 : vector<16xf32> to vector<1x16xf32>
        tpu.vector_store %arg10[%swap3A_946, %swap3A_947], %swap3A_950 {strides = array<i32>} : memref<16x1024xf32, #tpu.memory_space<vmem>>, vector<1x16xf32>,
        %get3A_951 = arith.index_cast %scan3A_112 : i32 to index
        %get3A_952 = arith.constant 960 : index
        %get3A_953 = tpu.vector_load %arg6[%get3A_951, %get3A_952] {strides = array<i32>} : memref<16x1024xf32, #tpu.memory_space<vmem>>, vector<1x16xf32>,
        %get3A_954 = vector.shape_cast %get3A_953 : vector<1x16xf32> to vector<16xf32>
        %get3A_955 = arith.index_cast %scan3A_112 : i32 to index
        %get3A_956 = arith.constant 960 : index
        %get3A_957 = tpu.vector_load %arg8[%get3A_955, %get3A_956] {strides = array<i32>} : memref<16x1024xf32, #tpu.memory_space<vmem>>, vector<1x16xf32>,
        %get3A_958 = vector.shape_cast %get3A_957 : vector<1x16xf32> to vector<16xf32>
        %add3A_959 = arith.addf %get3A_954, %get3A_958 : vector<16xf32>
        %swap3A_960 = arith.index_cast %scan3A_112 : i32 to index
        %swap3A_961 = arith.constant 960 : index
        %swap3A_962 = tpu.vector_load %arg10[%swap3A_960, %swap3A_961] {strides = array<i32>} : memref<16x1024xf32, #tpu.memory_space<vmem>>, vector<1x16xf32>,
        %swap3A_963 = vector.shape_cast %swap3A_962 : vector<1x16xf32> to vector<16xf32>
        %swap3A_964 = vector.shape_cast %add3A_959 : vector<16xf32> to vector<1x16xf32>
        tpu.vector_store %arg10[%swap3A_960, %swap3A_961], %swap3A_964 {strides = array<i32>} : memref<16x1024xf32, #tpu.memory_space<vmem>>, vector<1x16xf32>,
        %get3A_965 = arith.index_cast %scan3A_112 : i32 to index
        %get3A_966 = arith.constant 976 : index
        %get3A_967 = tpu.vector_load %arg6[%get3A_965, %get3A_966] {strides = array<i32>} : memref<16x1024xf32, #tpu.memory_space<vmem>>, vector<1x16xf32>,
        %get3A_968 = vector.shape_cast %get3A_967 : vector<1x16xf32> to vector<16xf32>
        %get3A_969 = arith.index_cast %scan3A_112 : i32 to index
        %get3A_970 = arith.constant 976 : index
        %get3A_971 = tpu.vector_load %arg8[%get3A_969, %get3A_970] {strides = array<i32>} : memref<16x1024xf32, #tpu.memory_space<vmem>>, vector<1x16xf32>,
        %get3A_972 = vector.shape_cast %get3A_971 : vector<1x16xf32> to vector<16xf32>
        %add3A_973 = arith.addf %get3A_968, %get3A_972 : vector<16xf32>
        %swap3A_974 = arith.index_cast %scan3A_112 : i32 to index
        %swap3A_975 = arith.constant 976 : index
        %swap3A_976 = tpu.vector_load %arg10[%swap3A_974, %swap3A_975] {strides = array<i32>} : memref<16x1024xf32, #tpu.memory_space<vmem>>, vector<1x16xf32>,
        %swap3A_977 = vector.shape_cast %swap3A_976 : vector<1x16xf32> to vector<16xf32>
        %swap3A_978 = vector.shape_cast %add3A_973 : vector<16xf32> to vector<1x16xf32>
        tpu.vector_store %arg10[%swap3A_974, %swap3A_975], %swap3A_978 {strides = array<i32>} : memref<16x1024xf32, #tpu.memory_space<vmem>>, vector<1x16xf32>,
        %get3A_979 = arith.index_cast %scan3A_112 : i32 to index
        %get3A_980 = arith.constant 992 : index
        %get3A_981 = tpu.vector_load %arg6[%get3A_979, %get3A_980] {strides = array<i32>} : memref<16x1024xf32, #tpu.memory_space<vmem>>, vector<1x16xf32>,
        %get3A_982 = vector.shape_cast %get3A_981 : vector<1x16xf32> to vector<16xf32>
        %get3A_983 = arith.index_cast %scan3A_112 : i32 to index
        %get3A_984 = arith.constant 992 : index
        %get3A_985 = tpu.vector_load %arg8[%get3A_983, %get3A_984] {strides = array<i32>} : memref<16x1024xf32, #tpu.memory_space<vmem>>, vector<1x16xf32>,
        %get3A_986 = vector.shape_cast %get3A_985 : vector<1x16xf32> to vector<16xf32>
        %add3A_987 = arith.addf %get3A_982, %get3A_986 : vector<16xf32>
        %swap3A_988 = arith.index_cast %scan3A_112 : i32 to index
        %swap3A_989 = arith.constant 992 : index
        %swap3A_990 = tpu.vector_load %arg10[%swap3A_988, %swap3A_989] {strides = array<i32>} : memref<16x1024xf32, #tpu.memory_space<vmem>>, vector<1x16xf32>,
        %swap3A_991 = vector.shape_cast %swap3A_990 : vector<1x16xf32> to vector<16xf32>
        %swap3A_992 = vector.shape_cast %add3A_987 : vector<16xf32> to vector<1x16xf32>
        tpu.vector_store %arg10[%swap3A_988, %swap3A_989], %swap3A_992 {strides = array<i32>} : memref<16x1024xf32, #tpu.memory_space<vmem>>, vector<1x16xf32>,
        %get3A_993 = arith.index_cast %scan3A_112 : i32 to index
        %get3A_994 = arith.constant 1008 : index
        %get3A_995 = tpu.vector_load %arg6[%get3A_993, %get3A_994] {strides = array<i32>} : memref<16x1024xf32, #tpu.memory_space<vmem>>, vector<1x16xf32>,
        %get3A_996 = vector.shape_cast %get3A_995 : vector<1x16xf32> to vector<16xf32>
        %get3A_997 = arith.index_cast %scan3A_112 : i32 to index
        %get3A_998 = arith.constant 1008 : index
        %get3A_999 = tpu.vector_load %arg8[%get3A_997, %get3A_998] {strides = array<i32>} : memref<16x1024xf32, #tpu.memory_space<vmem>>, vector<1x16xf32>,
        %get3A_1000 = vector.shape_cast %get3A_999 : vector<1x16xf32> to vector<16xf32>
        %add3A_1001 = arith.addf %get3A_996, %get3A_1000 : vector<16xf32>
        %swap3A_1002 = arith.index_cast %scan3A_112 : i32 to index
        %swap3A_1003 = arith.constant 1008 : index
        %swap3A_1004 = tpu.vector_load %arg10[%swap3A_1002, %swap3A_1003] {strides = array<i32>} : memref<16x1024xf32, #tpu.memory_space<vmem>>, vector<1x16xf32>,
        %swap3A_1005 = vector.shape_cast %swap3A_1004 : vector<1x16xf32> to vector<16xf32>
        %swap3A_1006 = vector.shape_cast %add3A_1001 : vector<16xf32> to vector<1x16xf32>
        tpu.vector_store %arg10[%swap3A_1002, %swap3A_1003], %swap3A_1006 {strides = array<i32>} : memref<16x1024xf32, #tpu.memory_space<vmem>>, vector<1x16xf32>,
      }
      %scan3A_104 = arith.constant 16 : i32
      %mul3A_105 = arith.constant 16 : i32
      %mul3A_106 = arith.muli %add3A_72, %mul3A_105 : i32
      %add3A_107 = arith.addi %mul3A_2, %mul3A_106 : i32
      %dma_start3A_108 = arith.constant 0 : i32
      %dma_start3A_109 = tpu.memref_slice %arg4[%add3A_107, %dma_start3A_108] : memref<8192x1024xf32, #tpu.memory_space<hbm>> -> memref<16x1024xf32, #tpu.memory_space<hbm>>
      %dma_start3A_110 = arith.constant 0 : i32
      %dma_start3A_111 = tpu.memref_slice %arg4[%add3A_107, %dma_start3A_110] : memref<8192x1024xf32, #tpu.memory_space<hbm>> -> memref<16x1024xf32, #tpu.memory_space<hbm>>
      tpu.enqueue_dma source(%arg10 : memref<16x1024xf32, #tpu.memory_space<vmem>>) target(%dma_start3A_111 : memref<16x1024xf32, #tpu.memory_space<hbm>>) target_semaphore(%arg16 : memref<!tpu.dma_semaphore, #tpu.memory_space<semaphore_mem>>)
    }
    %scan3A_18 = arith.constant 8 : i32
    %add3A_19 = arith.constant 0 : i32
    %add3A_20 = arith.addi %mul3A_2, %add3A_19 : i32
    %dma_wait3A = arith.constant 0 : i32
    %dma_wait3A_21 = tpu.memref_slice %arg4[%add3A_20, %dma_wait3A] : memref<8192x1024xf32, #tpu.memory_space<hbm>> -> memref<16x1024xf32, #tpu.memory_space<hbm>>
    %dma_wait3A_22 = arith.constant 0 : i32
    %dma_wait3A_23 = tpu.memref_slice %arg4[%add3A_20, %dma_wait3A_22] : memref<8192x1024xf32, #tpu.memory_space<hbm>> -> memref<16x1024xf32, #tpu.memory_space<hbm>>
    tpu.wait_dma2 semaphore(%arg15 : memref<!tpu.dma_semaphore, #tpu.memory_space<semaphore_mem>>) src(%arg9 : memref<16x1024xf32, #tpu.memory_space<vmem>>) dst(%dma_wait3A_23 : memref<16x1024xf32, #tpu.memory_space<hbm>>)
    %add3A_24 = arith.constant 0 : i32
    %add3A_25 = arith.addi %mul3A_2, %add3A_24 : i32
    %dma_wait3A_26 = arith.constant 0 : i32
    %dma_wait3A_27 = tpu.memref_slice %arg4[%add3A_25, %dma_wait3A_26] : memref<8192x1024xf32, #tpu.memory_space<hbm>> -> memref<16x1024xf32, #tpu.memory_space<hbm>>
    %dma_wait3A_28 = arith.constant 0 : i32
    %dma_wait3A_29 = tpu.memref_slice %arg4[%add3A_25, %dma_wait3A_28] : memref<8192x1024xf32, #tpu.memory_space<hbm>> -> memref<16x1024xf32, #tpu.memory_space<hbm>>
    tpu.wait_dma2 semaphore(%arg16 : memref<!tpu.dma_semaphore, #tpu.memory_space<semaphore_mem>>) src(%arg10 : memref<16x1024xf32, #tpu.memory_space<vmem>>) dst(%dma_wait3A_29 : memref<16x1024xf32, #tpu.memory_space<hbm>>)
    return
  }
}

</mosaic_0001>

<sc_bundles>
// kernel: kernel.3.cloned.1.call-start
scs
__scs_entry_jumppad:
0x0: {  	(pc) =	sbr.rel $0x88, $3  }
0x1: {  	(tag) =	ssettag $0x0;
	lr =	simm.s32 $0x1  }
0x2: {  	[smem:$0x3F9F] =	sst lr;
	_ =	strace $0xD0000000  }
0x3: {  	_ = 	snop  }
0x4: {  	_ = 	snop  }
0x5: {  	_ = 	snop  }
0x6: {  	_ = 	snop  }
0x7: {  	_ = 	snop  }
__scs_overlays_trampoline_lowered:
0x8: {  	[smem:$0x3FAE] =	sst s0  }
0x9: {  	[smem:$0x3FAF] =	sst s1  }
0xa: {  	[smem:$0x3FB0] =	sst s2  }
0xb: {  	[smem:$0x3FB1] =	sst s3  }
0xc: {  	[smem:$0x3FB2] =	sst s4  }
0xd: {  	[smem:$0x3FB3] =	sst s5  }
0xe: {  	[smem:$0x3FB4] =	sst s6  }
0xf: {  	[smem:$0x3FB5] =	sst s7  }
0x10: {  	[smem:$0x3FB6] =	sst s8  }
0x11: {  	[smem:$0x3FB7] =	sst s9;
	s0 =	simm.s32 @!p0 $0x0  }
0x12: {  	s1 =	sld [smem:$0x3F9D];
	s0 =	simm.s32 @p0 $0x1  }
0x13: {  	[smem:$0x3FB8] =	sst s0;
	s0 =	simm.s32 @!p1 $0x0  }
0x14: {  	s2 =	sld [smem:$0x3F9C];
	s0 =	simm.s32 @p1 $0x1  }
0x15: {  	[smem:$0x3FB9] =	sst s0;
	s0 =	simm.s32 @!p2 $0x0  }
0x16: {  	s3 =	sld [smem:$0x3FDB];
	s0 =	simm.s32 @p2 $0x1  }
0x17: {  	s4 =	simm.s32 $0x1BF5;
	[smem:$0x3FBB] =	sst s0  }
0x18: {  	s0 =	sld [smem:$0x3F9E];
	_ =	swait.ge [sflag:s4], $0x0  }
0x19: {  	s7 =	sld [smem:$0x3F9F]  }
0x1a: {  	s8 =	sadd.s32 $0xFFFFE003, lr  }
0x1b: {  	s9 =	sadd.s32 $0xFFFFFEF7, lr;
	s5 =	simm.s32 $0xFFFFFFFF;
	p2 =	slt.u32 s8, $0xFFFFF086  }
0x1c: {  	p1 =	slt.u32 s9, $0xF7A;
	s5 =	simm.s32 @!p2 $0x0  }
0x1d: {  	s5 =	simm.s32 @p1 $0x1;
	p0 =	seq.s32 s7, s2  }
0x1e: {  	s7 =	smul.u32 @!p0 $0xF7A, s2;
	p2 =	seq.s32 @!p0 s5, $0x0  }
0x1f: {  	s9 =	smul.u32 $0xF7A, s1;
	s8 =	simm.s32 @!p0 $0x1BF5;
	p2 =	por !p2, p0  }
0x20: {  	[sflag:s8] =	ssyncset.s32 @!p0 $0xFFFFF086;
	s6 =	sadd.s32 @!p0 s3, s7;
	s7 =	simm.s32 @!p0 $0x108  }
0x21: {  	s3 =	sadd.s32 s3, s9;
	s6 =	sadd.s32 @!p0 $0x88, s6;
	s7 =	simm.s32 @p2 $0x1082  }
0x22: {  	[simem:s7], [sflag:s8] =	dma.local @!p0 [hbm:s6], $0xF7A  }
0x23: {  	s9 =	sor.u32 $0xD0000000, s2;
	s6 =	simm.s32 $0x108;
	_ =	swait.ge @!p0 [sflag:s8], $0x0  }
0x24: {  	s3 =	sadd.s32 $0x88, s3;
	s6 =	simm.s32 @!p1 $0x1082;
	[sflag:s4] =	ssyncset.s32 $0xFFFFF086  }
0x25: {  	[simem:s6], [sflag:s4] =	dma.local [hbm:s3], $0xF7A  }
0x26: {  	[smem:$0x3F9F] =	sst s1;
	(tag) =	ssettag s2;
	_ =	strace s9  }
0x27: {  	s1 =	sld [smem:$0x3FAF]  }
0x28: {  	s2 =	sld [smem:$0x3FB0]  }
0x29: {  	s4 =	sld [smem:$0x3FB2]  }
0x2a: {  	p0 =	seq.s32 s5, $0x0;
	s5 =	sld [smem:$0x3FB3]  }
0x2b: {  	s6 =	sld [smem:$0x3FB4]  }
0x2c: {  	s7 =	sld [smem:$0x3FB5]  }
0x2d: {  	s3 =	simm.s32 $0x108;
	s8 =	sld [smem:$0x3FB6]  }
0x2e: {  	s3 =	simm.s32 @!p0 $0x1082;
	s9 =	sld [smem:$0x3FB7]  }
0x2f: {  	lr =	sadd.s32 s0, s3;
	s0 =	sld [smem:$0x3FAE]  }
0x30: {  	s3 =	sld [smem:$0x3FB1]  }
0x31: {  	[smem:$0x3FBA] =	sst s10  }
0x32: {  	s10 =	sld [smem:$0x3FB8];
	_ =	sdelay $0x3  }
0x33: {  	p0 =	seq.s32 s10, $0x1;
	s10 =	sld [smem:$0x3FBA];
	_ =	sdelay $0x3  }
0x34: {  	[smem:$0x3FBA] =	sst s10  }
0x35: {  	s10 =	sld [smem:$0x3FB9];
	_ =	sdelay $0x3  }
0x36: {  	p1 =	seq.s32 s10, $0x1;
	s10 =	sld [smem:$0x3FBA];
	_ =	sdelay $0x3  }
0x37: {  	[smem:$0x3FBA] =	sst s10  }
0x38: {  	s10 =	sld [smem:$0x3FBB]  }
0x39: {  	_ = 	snop;
	(pc) =	sbr.ind lr, $3  }
0x3a: {  	_ = 	snop  }
0x3b: {  	_ = 	snop  }
0x3c: {  	p2 =	seq.s32 s10, $0x1;
	s10 =	sld [smem:$0x3FBA]  }
0x3d: {  	_ =	shalt  }
0x3e: {  	_ =	shalt  }
0x3f: {  	_ =	shalt  }
0x40: {  	_ =	shalt  }
0x41: {  	_ =	shalt  }
0x42: {  	_ =	shalt  }
0x43: {  	_ =	shalt  }
0x44: {  	_ =	shalt  }
0x45: {  	_ =	shalt  }
0x46: {  	_ =	shalt  }
0x47: {  	_ =	shalt  }
0x48: {  	_ =	shalt  }
0x49: {  	_ =	shalt  }
0x4a: {  	_ =	shalt  }
0x4b: {  	_ =	shalt  }
0x4c: {  	_ =	shalt  }
0x4d: {  	_ =	shalt  }
0x4e: {  	_ =	shalt  }
0x4f: {  	_ =	shalt  }
0x50: {  	_ =	shalt  }
0x51: {  	_ =	shalt  }
0x52: {  	_ =	shalt  }
0x53: {  	_ =	shalt  }
0x54: {  	_ =	shalt  }
0x55: {  	_ =	shalt  }
0x56: {  	_ =	shalt  }
0x57: {  	_ =	shalt  }
0x58: {  	_ =	shalt  }
0x59: {  	_ =	shalt  }
0x5a: {  	_ =	shalt  }
0x5b: {  	_ =	shalt  }
0x5c: {  	_ =	shalt  }
0x5d: {  	_ =	shalt  }
0x5e: {  	_ =	shalt  }
0x5f: {  	_ =	shalt  }
0x60: {  	_ =	shalt  }
0x61: {  	_ =	shalt  }
0x62: {  	_ =	shalt  }
0x63: {  	_ =	shalt  }
0x64: {  	_ =	shalt  }
0x65: {  	_ =	shalt  }
0x66: {  	_ =	shalt  }
0x67: {  	_ =	shalt  }
0x68: {  	_ =	shalt  }
0x69: {  	_ =	shalt  }
0x6a: {  	_ =	shalt  }
0x6b: {  	_ =	shalt  }
0x6c: {  	_ =	shalt  }
0x6d: {  	_ =	shalt  }
0x6e: {  	_ =	shalt  }
0x6f: {  	_ =	shalt  }
0x70: {  	_ =	shalt  }
0x71: {  	_ =	shalt  }
0x72: {  	_ =	shalt  }
0x73: {  	_ =	shalt  }
0x74: {  	_ =	shalt  }
0x75: {  	_ =	shalt  }
0x76: {  	_ =	shalt  }
0x77: {  	_ =	shalt  }
0x78: {  	_ =	shalt  }
0x79: {  	_ =	shalt  }
0x7a: {  	_ =	shalt  }
0x7b: {  	_ =	shalt  }
0x7c: {  	_ =	shalt  }
0x7d: {  	_ =	shalt  }
0x7e: {  	_ =	shalt  }
0x7f: {  	_ =	shalt  }
0x80: {  	_ =	shalt  }
0x81: {  	_ =	shalt  }
0x82: {  	_ =	shalt  }
0x83: {  	_ =	shalt  }
0x84: {  	_ =	shalt  }
0x85: {  	_ =	shalt  }
0x86: {  	_ =	shalt  }
0x87: {  	_ =	shalt  }
.Lfunc_end0:
.L_simem_size_0:
called_computation_lowered:
.L_overlay_start_0:
0x88: {  	s2 =	sld [smem:$0x3FD9]  }
0x89: {  	s3 =	sld [smem:$0x3FFE];
	_ =	sdelay $0x1  }
0x8a: {  	s1 =	srdreg.scid  }
0x8b: {  	s0 =	sand.u32 $0x1, s1  }
0x8c: {  	s18 =	sshll.u32 s0, $0xA;
	s2 =	sadd.s32 s3, s2  }
0x8d: {  	s2 =	sadd.s32 s2, s18  }
0x8e: {  	[smem:$0x3FC6] =	sst s2  }
0x8f: {  	_ = 	snop  }
0x90: {  	s2 =	sld [smem:$0x3FC9]  }
0x91: {  	s19 =	sld [smem:$0x3FC8]  }
0x92: {  	s4 =	sld [smem:$0x3FD0];
	(tm) =	ssettm $0x1  }
0x93: {  	s5 =	sld [smem:$0x3FFB];
	_ =	sdelay $0x3  }
0x94: {  	_ =	strace s5  }
0x95: {  	s5 =	sld [smem:$0x3FFC];
	_ =	sdelay $0x3  }
0x96: {  	_ =	strace s5  }
0x97: {  	s5 =	sld [smem:$0x3FFD];
	_ =	sdelay $0x3  }
0x98: {  	_ =	strace s5  }
0x99: {  	_ =	strace $0x8FFFFFFF  }
0x9a: {  	s20 =	sld [smem:$0x3FDB];
	_ =	sdelay $0x1  }
0x9b: {  	s6 =	simm.s32 $_scs_section_size  }
0x9c: {  	s7 =	simm.s32 $_size__tile_overlayer_lowered;
	s8 =	simm.s32 $_tile_overlayer_lowered  }
0x9d: {  	s23 =	simm.s32 $0x1BFF;
	s22 =	sshll.u32 s8, $0x1;
	s5 =	sadd.s32 s6, s20  }
0x9e: {  	s9 =	simm.s32 $0x0;
	s21 =	sshll.u32 s7, $0x1;
	s7 =	sadd.s32 s22, s5  }
0x9f: {  	[timem:s9], [sflag:s23] =	dma.local [hbm:s7], s21  }
0xa0: {  	_ =	swait.ge [sflag:s23], s21  }
0xa1: {  	s6 =	ssub.s32 $0x0, s21;
	[sflag:s23] =	ssyncset.done $0x0  }
0xa2: {  	[sflag:s23] =	ssyncadd.s32 s6;
	_ =	sdelay $0x1  }
0xa3: {  	s24 =	simm.s32 $0x1B8B  }
0xa4: {  	_ =	swait.ge [sflag:s24], $0x1  }
0xa5: {  	[sflag:s24] =	ssyncset.done $0x0  }
0xa6: {  	s25 =	simm.s32 $0x1B8E;
	[sflag:s24] =	ssyncadd.s32 $0xFFFFFFFF  }
0xa7: {  	s26 =	simm.s32 $execute0_lowered;
	[smem:$0x3FD2] =	sst s25  }
0xa8: {  	s6 =	sshll.u32 s26, $0x1;
	_ =	strace $0x80000046;
	[dreg:$0x1] =	wrdreg $0xFFFFFFFF  }
0xa9: {  	s28 =	simm.s32 $_size_execute0_lowered;
	s5 =	sadd.s32 s5, s6;
	[dreg:$0x0] =	wrdreg $0x0  }
0xaa: {  	s6 =	sshll.u32 s28, $0x1;
	[dreg:$0x2] =	wrdreg s5  }
0xab: {  	[dreg:$0x3] =	wrdreg s6  }
0xac: {  	[dreg:$0x4] =	wrdreg $0xC0  }
0xad: {  	_ =	task [dreg:s9], $0x5FFFF  }
0xae: {  	[dreg:$0x1] =	wrdreg $0xFFFFFFFF  }
0xaf: {  	[dreg:$0x0] =	wrdreg $0x60  }
0xb0: {  	[dreg:$0x2] =	wrdreg s2  }
0xb1: {  	[dreg:$0x3] =	wrdreg s19  }
0xb2: {  	[dreg:$0x4] =	wrdreg s4  }
0xb3: {  	[dreg:$0x5] =	wrdreg $0x9  }
0xb4: {  	_ =	task.clear_ibuf [dreg:s9], $0x6FFFF;
	_ =	strace $0x90000046  }
0xb5: {  	s29 =	simm.s32 $0x9;
	_ =	strace $0x80000048  }
0xb6: {  	_ =	swait.ge [sflag:s29], $0x1  }
0xb7: {  	[sflag:s29] =	ssyncadd.s32 $0xFFFFFFFF  }
0xb8: {  	_ =	strace $0x90000048  }
0xb9: {  	_ =	sfence  }
0xba: {  	s30 =	sld [smem:$0x0];
	_ =	sdelay $0x2  }
0xbb: {  	s31 =	sshll.u32 s1, $0xD;
	s1 =	sshrl.u32 s1, $0x2  }
0xbc: {  	s3 =	sand.u32 $0x4000, s31;
	s1 =	sadd.s32 s1, s30  }
0xbd: {  	s0 =	sor.u32 s3, s0;
	s1 =	sshll.u32 s1, $0x11  }
0xbe: {  	s0 =	sor.u32 s1, s0  }
0xbf: {  	s0 =	sadd.s32 $0x8F2B, s0  }
0xc0: {  	[sflag:s0] =	ssyncadd.remote.s32 $0x1  }
0xc1: {  	_ =	sfence.sel $0xFFFF  }
0xc2: {  	[dreg:$0x0] =	wrdreg $0xFFFFFFFF;
	(pc) =	sbr.abs _section_cstart, $3  }
0xc3: {  	[dreg:$0x1] =	wrdreg $0xFFFFFFFF  }
0xc4: {  	_ =	task.clear_ibuf [dreg:s9], $0x2FFFF;
	_ =	strace $0x9FFFFFFF  }
0xc5: {  	(tm) =	ssettm $0x7FFFFFFF  }
tec
execute0_lowered:
.L_overlay_start_1:
0x0: {  	(tag) =	ssettag $0x1  }
0x1: {  	s1 =	rddreg [dreg:$0x0]  }
0x2: {  	s2 =	rddreg [dreg:$0x1]  }
0x3: {  	s3 =	rddreg [dreg:$0x2]  }
0x4: {  	s0 =	srdreg.scid;
	s5 =	simm.s32 $0x0;
	s4 =	stileid.u32  }
0x5: {  	s12 =	simm.s32 $0x8000;
	s13 =	simm.s32 $0x4000;
	s14 =	simm.s32 $0xC000  }
0x6: {  	s15 =	simm.s32 $0x1;
	s16 =	simm.s32 $0x3;
	s17 =	simm.s32 $0x10000  }
0x7: {  	s18 =	simm.s32 $0x2;
	s19 =	simm.s32 $0x4;
	s20 =	simm.s32 $0x14000  }
0x8: {  	s21 =	simm.s32 $0x5;
	s22 =	simm.s32 $0x6;
	s0 =	sand.u32 $0x1, s0  }
0x9: {  	s23 =	simm.s32 $0x0;
	[smem:$0x7FF] =	sst s5;
	s6 =	ssub.s32 $0x2, s0  }
0xa: {  	s8 =	sshll.u32 s4, $0xF;
	s0 =	sshll.u32 s0, $0x13;
	s7 =	sshrl.u32 s6, $0x1  }
0xb: {  	_ =	strace $0x80000047;
	s0 =	sor.u32 s8, s0;
	s11 =	ssub.s32 s6, s7  }
0xc: {  	s6 =	sadd.s32 s1, s0;
	s7 =	sadd.s32 s2, s0;
	s8 =	sor.u32 $0x800, s0  }
0xd: {  	s9 =	sadd.s32 s3, s0;
	s10 =	sor.u32 $0x1000, s0;
	s11 =	smax.u32 s11, $0x1  }
.LBB2_1:
0xe: {  	[tilespmem:s5], [sflag:$0x1] =	stream.linear.gather [hbm4b:s6+s5], $0x4000, $0x38;
	[tilespmem:$0x18000] =	vst v63  }
0xf: {  	s24 =	simm.s32 $0x0  }
0x10: {  	[tilespmem:s12], [sflag:$0x3] =	stream.linear.gather [hbm4b:s7+s5], $0x4000, $0x38;
	[tilespmem:$0x18000] =	vst v63  }
.LBB2_2:
0x11: {  	s26 =	sshll.u32 s24, $0xC  }
0x12: {  	s25 =	sadd.s32 s8, s26  }
0x13: {  	s0 =	sadd.s32 s1, s25  }
0x14: {  	[tilespmem:s13], [sflag:$0x2] =	stream.linear.gather [hbm4b:s0+s5], $0x4000, $0x38;
	[tilespmem:$0x18000] =	vst v63  }
0x15: {  	s4 =	sadd.s32 s2, s25  }
0x16: {  	[tilespmem:s14], [sflag:$0x4] =	stream.linear.gather [hbm4b:s4+s5], $0x4000, $0x38;
	[tilespmem:$0x18000] =	vst v63  }
0x17: {  	_ =	swait.ge [sflag:s15], $0x4000  }
0x18: {  	[sflag:s15] =	ssyncset.done $0x0  }
0x19: {  	[sflag:s15] =	ssyncadd.s32 $0xFFFFC000  }
0x1a: {  	_ =	swait.ge [sflag:s16], $0x4000  }
0x1b: {  	p0 =	seq.s32 s24, $0x0;
	[sflag:s16] =	ssyncset.done $0x0  }
0x1c: {  	s0 =	simm.s32 @!p0 $0x5;
	[sflag:s16] =	ssyncadd.s32 $0xFFFFC000  }
0x1d: {  	_ =	swait.ge @!p0 [sflag:s0], $0x4000  }
0x1e: {  	s28 =	simm.s32 $0x0;
	s29 =	simm.s32 $0xFFFFC000;
	[sflag:s0] =	ssyncset.done @!p0 $0x0  }
0x1f: {  	s30 =	simm.s32 $0x0;
	s31 =	simm.s32 $0x0;
	[sflag:s0] =	ssyncadd.s32 @!p0 $0xFFFFC000  }
.LBB2_3:
0x20: {  	s0 =	sadd.s32 $0x4000, s29  }
0x21: {  	s4 =	sand.u32 $0x380, s31;
	s0 =	sand.u32 $0x2000, s0  }
0x22: {  	s0 =	sor.u32 s4, s0  }
0x23: {  	v0 =	vld [tilespmem:s0+$0x0]  }
0x24: {  	v1 =	vld [tilespmem:s0+$0x8000]  }
0x25: {  	v2 =	vld [tilespmem:s0+$0x10]  }
0x26: {  	v3 =	vld [tilespmem:s0+$0x8010]  }
0x27: {  	v4 =	vld [tilespmem:s0+$0x20]  }
0x28: {  	v5 =	vld [tilespmem:s0+$0x8020]  }
0x29: {  	v6 =	vld [tilespmem:s0+$0x30]  }
0x2a: {  	v7 =	vld [tilespmem:s0+$0x8030]  }
0x2b: {  	v8 =	vld [tilespmem:s0+$0x40]  }
0x2c: {  	v9 =	vld [tilespmem:s0+$0x8040]  }
0x2d: {  	v10 =	vld [tilespmem:s0+$0x50]  }
0x2e: {  	v11 =	vld [tilespmem:s0+$0x8050]  }
0x2f: {  	v12 =	vld [tilespmem:s0+$0x60]  }
0x30: {  	v13 =	vld [tilespmem:s0+$0x8060]  }
0x31: {  	v14 =	vld [tilespmem:s0+$0x70]  }
0x32: {  	v15 =	vld [tilespmem:s0+$0x8070]  }
0x33: {  	v16 =	vld [tilespmem:s0+$0x400]  }
0x34: {  	v17 =	vld [tilespmem:s0+$0x8400]  }
0x35: {  	v18 =	vld [tilespmem:s0+$0x410]  }
0x36: {  	v19 =	vld [tilespmem:s0+$0x8410]  }
0x37: {  	v20 =	vld [tilespmem:s0+$0x420]  }
0x38: {  	v21 =	vld [tilespmem:s0+$0x8420]  }
0x39: {  	v22 =	vld [tilespmem:s0+$0x430]  }
0x3a: {  	v23 =	vld [tilespmem:s0+$0x8430]  }
0x3b: {  	v24 =	vld [tilespmem:s0+$0x440]  }
0x3c: {  	v25 =	vld [tilespmem:s0+$0x8440]  }
0x3d: {  	v26 =	vld [tilespmem:s0+$0x450]  }
0x3e: {  	v27 =	vld [tilespmem:s0+$0x8450]  }
0x3f: {  	v28 =	vld [tilespmem:s0+$0x460]  }
0x40: {  	v29 =	vld [tilespmem:s0+$0x8460]  }
0x41: {  	v30 =	vld [tilespmem:s0+$0x470]  }
0x42: {  	v31 =	vld [tilespmem:s0+$0x8470]  }
0x43: {  	v32 =	vld [tilespmem:s0+$0x800]  }
0x44: {  	v33 =	vld [tilespmem:s0+$0x8800]  }
0x45: {  	v34 =	vld [tilespmem:s0+$0x810]  }
0x46: {  	v35 =	vld [tilespmem:s0+$0x8810]  }
0x47: {  	v36 =	vld [tilespmem:s0+$0x820]  }
0x48: {  	v37 =	vld [tilespmem:s0+$0x8820]  }
0x49: {  	v38 =	vld [tilespmem:s0+$0x830]  }
0x4a: {  	v39 =	vld [tilespmem:s0+$0x8830]  }
0x4b: {  	v40 =	vld [tilespmem:s0+$0x840]  }
0x4c: {  	v41 =	vld [tilespmem:s0+$0x8840]  }
0x4d: {  	v42 =	vld [tilespmem:s0+$0x850]  }
0x4e: {  	v43 =	vld [tilespmem:s0+$0x8850]  }
0x4f: {  	v44 =	vld [tilespmem:s0+$0x860]  }
0x50: {  	v45 =	vld [tilespmem:s0+$0x8860]  }
0x51: {  	v46 =	vld [tilespmem:s0+$0x870]  }
0x52: {  	v47 =	vld [tilespmem:s0+$0x8870]  }
0x53: {  	v48 =	vld [tilespmem:s0+$0xC00]  }
0x54: {  	v49 =	vld [tilespmem:s0+$0x8C00]  }
0x55: {  	v50 =	vld [tilespmem:s0+$0xC10]  }
0x56: {  	v51 =	vld [tilespmem:s0+$0x8C10]  }
0x57: {  	v52 =	vld [tilespmem:s0+$0xC20]  }
0x58: {  	v53 =	vld [tilespmem:s0+$0x8C20]  }
0x59: {  	v54 =	vld [tilespmem:s0+$0xC30]  }
0x5a: {  	v55 =	vld [tilespmem:s0+$0x8C30]  }
0x5b: {  	v56 =	vld [tilespmem:s0+$0xC40]  }
0x5c: {  	v57 =	vld [tilespmem:s0+$0x8C40]  }
0x5d: {  	v58 =	vld [tilespmem:s0+$0xC50]  }
0x5e: {  	v59 =	vld [tilespmem:s0+$0x8C50]  }
0x5f: {  	v60 =	vld [tilespmem:s0+$0xC60]  }
0x60: {  	v0 =	vadd.f32 v1, v0;
	v1 =	vld [tilespmem:s0+$0x8C60]  }
0x61: {  	v2 =	vadd.f32 v3, v2;
	v3 =	vld [tilespmem:s0+$0xC70]  }
0x62: {  	v63 =	vadd.f32 v5, v4;
	v4 =	vld [tilespmem:s0+$0x8C70];
	[tilespmem:s0+$0x10000] =	vst v0  }
0x63: {  	v61 =	vadd.f32 v7, v6;
	v5 =	vld [tilespmem:s0+$0x1000];
	[tilespmem:s0+$0x10010] =	vst v2  }
0x64: {  	v62 =	vadd.f32 v9, v8;
	v6 =	vld [tilespmem:s0+$0x9000];
	[tilespmem:s0+$0x10020] =	vst v63  }
0x65: {  	v7 =	vld [tilespmem:s0+$0x1010];
	v13 =	vadd.f32 v13, v12;
	[tilespmem:s0+$0x10030] =	vst v61  }
0x66: {  	v8 =	vld [tilespmem:s0+$0x9010];
	v15 =	vadd.f32 v15, v14;
	[tilespmem:s0+$0x10040] =	vst v62  }
0x67: {  	v9 =	vld [tilespmem:s0+$0x1020];
	v17 =	vadd.f32 v17, v16;
	[tilespmem:s0+$0x10060] =	vst v13  }
0x68: {  	v19 =	vadd.f32 v19, v18;
	v12 =	vld [tilespmem:s0+$0x9030];
	[tilespmem:s0+$0x10070] =	vst v15  }
0x69: {  	v21 =	vadd.f32 v21, v20;
	v14 =	vld [tilespmem:s0+$0x9040];
	[tilespmem:s0+$0x10400] =	vst v17  }
0x6a: {  	v23 =	vadd.f32 v23, v22;
	v16 =	vld [tilespmem:s0+$0x9050];
	[tilespmem:s0+$0x10410] =	vst v19  }
0x6b: {  	v25 =	vadd.f32 v25, v24;
	v20 =	vld [tilespmem:s0+$0x9070];
	[tilespmem:s0+$0x10420] =	vst v21  }
0x6c: {  	v27 =	vadd.f32 v27, v26;
	v22 =	vld [tilespmem:s0+$0x9400];
	[tilespmem:s0+$0x10430] =	vst v23  }
0x6d: {  	v29 =	vadd.f32 v29, v28;
	v24 =	vld [tilespmem:s0+$0x9410];
	[tilespmem:s0+$0x10440] =	vst v25  }
0x6e: {  	v28 =	vadd.f32 v37, v36;
	v37 =	vld [tilespmem:s0+$0x1430];
	[tilespmem:s0+$0x10450] =	vst v27  }
0x6f: {  	v36 =	vadd.f32 v51, v50;
	v51 =	vld [tilespmem:s0+$0x9460];
	[tilespmem:s0+$0x10460] =	vst v29  }
0x70: {  	v63 =	vadd.f32 v11, v10;
	v10 =	vld [tilespmem:s0+$0x9020];
	[tilespmem:s0+$0x10820] =	vst v28  }
0x71: {  	v11 =	vld [tilespmem:s0+$0x1030];
	v61 =	vadd.f32 v31, v30;
	[tilespmem:s0+$0x10C10] =	vst v36  }
0x72: {  	v13 =	vld [tilespmem:s0+$0x1040];
	v62 =	vadd.f32 v33, v32;
	[tilespmem:s0+$0x10050] =	vst v63  }
0x73: {  	v15 =	vld [tilespmem:s0+$0x1050];
	v27 =	vadd.f32 v35, v34;
	[tilespmem:s0+$0x10470] =	vst v61  }
0x74: {  	v17 =	vld [tilespmem:s0+$0x1060];
	v29 =	vadd.f32 v39, v38;
	[tilespmem:s0+$0x10800] =	vst v62  }
0x75: {  	v19 =	vld [tilespmem:s0+$0x1070];
	v30 =	vadd.f32 v41, v40;
	[tilespmem:s0+$0x10810] =	vst v27  }
0x76: {  	v21 =	vld [tilespmem:s0+$0x1400];
	v31 =	vadd.f32 v43, v42;
	[tilespmem:s0+$0x10830] =	vst v29  }
0x77: {  	v23 =	vld [tilespmem:s0+$0x1410];
	v32 =	vadd.f32 v45, v44;
	[tilespmem:s0+$0x10840] =	vst v30  }
0x78: {  	v33 =	vadd.f32 v47, v46;
	v25 =	vld [tilespmem:s0+$0x1420];
	[tilespmem:s0+$0x10850] =	vst v31  }
0x79: {  	v34 =	vadd.f32 v49, v48;
	v35 =	vld [tilespmem:s0+$0x9420];
	[tilespmem:s0+$0x10860] =	vst v32  }
0x7a: {  	v38 =	vadd.f32 v53, v52;
	v39 =	vld [tilespmem:s0+$0x9430];
	[tilespmem:s0+$0x10870] =	vst v33  }
0x7b: {  	v40 =	vadd.f32 v55, v54;
	v41 =	vld [tilespmem:s0+$0x1440];
	[tilespmem:s0+$0x10C00] =	vst v34  }
0x7c: {  	v42 =	vadd.f32 v57, v56;
	v43 =	vld [tilespmem:s0+$0x9440];
	[tilespmem:s0+$0x10C20] =	vst v38  }
0x7d: {  	v44 =	vadd.f32 v59, v58;
	v45 =	vld [tilespmem:s0+$0x1450];
	[tilespmem:s0+$0x10C30] =	vst v40  }
0x7e: {  	v47 =	vld [tilespmem:s0+$0x9450];
	[tilespmem:s0+$0x10C40] =	vst v42;
	v46 =	vadd.f32 v1, v60  }
0x7f: {  	v49 =	vld [tilespmem:s0+$0x1460];
	[tilespmem:s0+$0x10C50] =	vst v44;
	v48 =	vadd.f32 v4, v3  }
0x80: {  	v53 =	vld [tilespmem:s0+$0x1470];
	v50 =	vadd.f32 v6, v5;
	[tilespmem:s0+$0x10C60] =	vst v46  }
0x81: {  	v55 =	vld [tilespmem:s0+$0x9470];
	v52 =	vadd.f32 v8, v7;
	[tilespmem:s0+$0x10C70] =	vst v48  }
0x82: {  	v57 =	vld [tilespmem:s0+$0x1800];
	[tilespmem:s0+$0x11000] =	vst v50;
	v54 =	vadd.f32 v10, v9  }
0x83: {  	v59 =	vld [tilespmem:s0+$0x9800];
	[tilespmem:s0+$0x11010] =	vst v52;
	v56 =	vadd.f32 v12, v11  }
0x84: {  	v36 =	vld [tilespmem:s0+$0x9830];
	v58 =	vadd.f32 v14, v13;
	[tilespmem:s0+$0x11020] =	vst v54  }
0x85: {  	v63 =	vld [tilespmem:s0+$0x9060];
	v60 =	vadd.f32 v16, v15;
	[tilespmem:s0+$0x11030] =	vst v56  }
0x86: {  	v61 =	vld [tilespmem:s0+$0x1810];
	v19 =	vadd.f32 v20, v19;
	[tilespmem:s0+$0x11040] =	vst v58  }
0x87: {  	v32 =	vld [tilespmem:s0+$0x9820];
	v22 =	vadd.f32 v22, v21;
	[tilespmem:s0+$0x11050] =	vst v60  }
0x88: {  	v34 =	vld [tilespmem:s0+$0x1830];
	v33 =	vadd.f32 v24, v23;
	[tilespmem:s0+$0x11070] =	vst v19  }
0x89: {  	v38 =	vld [tilespmem:s0+$0x1840];
	v35 =	vadd.f32 v35, v25;
	[tilespmem:s0+$0x11400] =	vst v22  }
0x8a: {  	v40 =	vld [tilespmem:s0+$0x9840];
	v37 =	vadd.f32 v39, v37;
	[tilespmem:s0+$0x11410] =	vst v33  }
0x8b: {  	v20 =	vld [tilespmem:s0+$0x1820];
	v39 =	vadd.f32 v43, v41;
	[tilespmem:s0+$0x11420] =	vst v35  }
0x8c: {  	v1 =	vadd.f32 v47, v45;
	v41 =	vld [tilespmem:s0+$0x1850];
	[tilespmem:s0+$0x11430] =	vst v37  }
0x8d: {  	v42 =	vadd.f32 v51, v49;
	v43 =	vld [tilespmem:s0+$0x9850];
	[tilespmem:s0+$0x11440] =	vst v39  }
0x8e: {  	v44 =	vadd.f32 v55, v53;
	v45 =	vld [tilespmem:s0+$0x1860];
	[tilespmem:s0+$0x11450] =	vst v1  }
0x8f: {  	v46 =	vadd.f32 v59, v57;
	v47 =	vld [tilespmem:s0+$0x9860];
	[tilespmem:s0+$0x11460] =	vst v42  }
0x90: {  	v49 =	vld [tilespmem:s0+$0x1870];
	v62 =	vadd.f32 v63, v17;
	[tilespmem:s0+$0x11470] =	vst v44  }
0x91: {  	v51 =	vld [tilespmem:s0+$0x9870];
	[tilespmem:s0+$0x11800] =	vst v46;
	v52 =	vadd.f32 v36, v34  }
0x92: {  	v63 =	vld [tilespmem:s0+$0x9810];
	v53 =	vadd.f32 v40, v38;
	[tilespmem:s0+$0x11060] =	vst v62  }
0x93: {  	[tilespmem:s0+$0x11830] =	vst v52;
	v50 =	vadd.f32 v32, v20  }
0x94: {  	[tilespmem:s0+$0x11840] =	vst v53;
	v54 =	vadd.f32 v43, v41  }
0x95: {  	v55 =	vadd.f32 v47, v45;
	[tilespmem:s0+$0x11820] =	vst v50  }
0x96: {  	s4 =	sand.u32 $0x7, s28;
	v56 =	vadd.f32 v51, v49;
	[tilespmem:s0+$0x11850] =	vst v54  }
0x97: {  	s4 =	sshll.u32 s4, $0x7;
	v48 =	vadd.f32 v63, v61;
	[tilespmem:s0+$0x11860] =	vst v55  }
0x98: {  	s4 =	sadd.s32 s4, s30;
	[tilespmem:s0+$0x11870] =	vst v56  }
0x99: {  	[tilespmem:s0+$0x11810] =	vst v48;
	s0 =	sor.u32 $0x1C00, s4  }
0x9a: {  	v0 =	vld [tilespmem:s0+$0x0]  }
0x9b: {  	v1 =	vld [tilespmem:s0+$0x8000];
	_ =	sdelay $0x4  }
0x9c: {  	v0 =	vadd.f32 v1, v0;
	_ =	sdelay $0x1  }
0x9d: {  	[tilespmem:s0+$0x10000] =	vst v0;
	s0 =	sor.u32 $0x1C10, s4  }
0x9e: {  	v0 =	vld [tilespmem:s0+$0x0]  }
0x9f: {  	v57 =	vld [tilespmem:s0+$0x8000];
	_ =	sdelay $0x4  }
0xa0: {  	v0 =	vadd.f32 v57, v0;
	_ =	sdelay $0x1  }
0xa1: {  	[tilespmem:s0+$0x10000] =	vst v0;
	s0 =	sor.u32 $0x1C20, s4  }
0xa2: {  	v0 =	vld [tilespmem:s0+$0x0]  }
0xa3: {  	v58 =	vld [tilespmem:s0+$0x8000];
	_ =	sdelay $0x4  }
0xa4: {  	v0 =	vadd.f32 v58, v0;
	_ =	sdelay $0x1  }
0xa5: {  	[tilespmem:s0+$0x10000] =	vst v0;
	s0 =	sor.u32 $0x1C30, s4  }
0xa6: {  	v0 =	vld [tilespmem:s0+$0x0]  }
0xa7: {  	v59 =	vld [tilespmem:s0+$0x8000];
	_ =	sdelay $0x4  }
0xa8: {  	v0 =	vadd.f32 v59, v0;
	_ =	sdelay $0x1  }
0xa9: {  	[tilespmem:s0+$0x10000] =	vst v0;
	s0 =	sor.u32 $0x1C40, s4  }
0xaa: {  	v0 =	vld [tilespmem:s0+$0x0]  }
0xab: {  	v60 =	vld [tilespmem:s0+$0x8000];
	_ =	sdelay $0x4  }
0xac: {  	v0 =	vadd.f32 v60, v0;
	_ =	sdelay $0x1  }
0xad: {  	[tilespmem:s0+$0x10000] =	vst v0;
	s0 =	sor.u32 $0x1C50, s4  }
0xae: {  	v0 =	vld [tilespmem:s0+$0x0]  }
0xaf: {  	v61 =	vld [tilespmem:s0+$0x8000];
	_ =	sdelay $0x4  }
0xb0: {  	v0 =	vadd.f32 v61, v0;
	_ =	sdelay $0x1  }
0xb1: {  	[tilespmem:s0+$0x10000] =	vst v0;
	s0 =	sor.u32 $0x1C60, s4  }
0xb2: {  	v0 =	vld [tilespmem:s0+$0x0]  }
0xb3: {  	v62 =	vld [tilespmem:s0+$0x8000];
	_ =	sdelay $0x4  }
0xb4: {  	v0 =	vadd.f32 v62, v0;
	_ =	sdelay $0x1  }
0xb5: {  	s4 =	sor.u32 $0x1C70, s4;
	[tilespmem:s0+$0x10000] =	vst v0  }
0xb6: {  	v0 =	vld [tilespmem:s4+$0x0]  }
0xb7: {  	v63 =	vld [tilespmem:s4+$0x8000];
	_ =	sdelay $0x1  }
0xb8: {  	p1 =	sne.s32 s31, $0x780  }
.Ltmp0:
0xb9: {  	_ = 	snop;
	(pc) =	sbr.rel @p1 .LBB2_3-.Ltmp0, $4  }
0xba: {  	_ = 	snop  }
0xbb: {  	v0 =	vadd.f32 v63, v0  }
0xbc: {  	s29 =	sadd.s32 $0x400, s29  }
0xbd: {  	s31 =	sadd.s32 $0x80, s31;
	s28 =	sadd.s32 $0x1, s28;
	s30 =	sadd.s32 $0x400, s30;
	[tilespmem:s4+$0x10000] =	vst v0  }
0xbe: {  	s0 =	sadd.s32 s26, s9;
	p1 =	seq.s32 s24, $0x7  }
0xbf: {  	[hbm4b:s0+s5] =	stream.linear.scatter [tilespmem:s17], [sflag:$0x5], $0x4000, $0x38;
	[tilespmem:$0x18000] =	vst v63  }
0xc0: {  	s0 =	sadd.s32 @!p1 s26, s10  }
0xc1: {  	s26 =	simm.s32 @!p1 $0x0;
	s4 =	sadd.s32 @!p1 s1, s0  }
0xc2: {  	[tilespmem:s26], [sflag:$0x1] =	stream.linear.gather @!p1 [hbm4b:s4+s26], $0x4000, $0x38;
	[tilespmem:$0x18000] =	vst v63  }
0xc3: {  	s0 =	sadd.s32 @!p1 s2, s0;
	s4 =	simm.s32 @!p1 $0x8000  }
0xc4: {  	[tilespmem:s4], [sflag:$0x3] =	stream.linear.gather @!p1 [hbm4b:s0+s26], $0x4000, $0x38;
	[tilespmem:$0x18000] =	vst v63  }
0xc5: {  	_ =	swait.ge [sflag:s18], $0x4000  }
0xc6: {  	[sflag:s18] =	ssyncset.done $0x0  }
0xc7: {  	[sflag:s18] =	ssyncadd.s32 $0xFFFFC000  }
0xc8: {  	_ =	swait.ge [sflag:s19], $0x4000  }
0xc9: {  	[sflag:s19] =	ssyncset.done $0x0  }
0xca: {  	s0 =	simm.s32 @!p0 $0x6;
	[sflag:s19] =	ssyncadd.s32 $0xFFFFC000  }
0xcb: {  	_ =	swait.ge @!p0 [sflag:s0], $0x4000  }
0xcc: {  	s28 =	simm.s32 $0xFFFFC000;
	s29 =	simm.s32 $0x0;
	[sflag:s0] =	ssyncset.done @!p0 $0x0  }
0xcd: {  	s30 =	simm.s32 $0x0;
	s26 =	simm.s32 $0x0;
	[sflag:s0] =	ssyncadd.s32 @!p0 $0xFFFFC000  }
.LBB2_5:
0xce: {  	s0 =	sadd.s32 $0x4000, s28  }
0xcf: {  	s4 =	sand.u32 $0x380, s30;
	s0 =	sand.u32 $0x2000, s0  }
0xd0: {  	s0 =	sor.u32 s4, s0  }
0xd1: {  	v0 =	vld [tilespmem:s0+$0x4000]  }
0xd2: {  	v1 =	vld [tilespmem:s0+$0xC000]  }
0xd3: {  	v2 =	vld [tilespmem:s0+$0x4010]  }
0xd4: {  	v3 =	vld [tilespmem:s0+$0xC010]  }
0xd5: {  	v4 =	vld [tilespmem:s0+$0x4020]  }
0xd6: {  	v5 =	vld [tilespmem:s0+$0xC020]  }
0xd7: {  	v6 =	vld [tilespmem:s0+$0x4030]  }
0xd8: {  	v7 =	vld [tilespmem:s0+$0xC030]  }
0xd9: {  	v8 =	vld [tilespmem:s0+$0x4040]  }
0xda: {  	v9 =	vld [tilespmem:s0+$0xC040]  }
0xdb: {  	v10 =	vld [tilespmem:s0+$0x4050]  }
0xdc: {  	v11 =	vld [tilespmem:s0+$0xC050]  }
0xdd: {  	v12 =	vld [tilespmem:s0+$0x4060]  }
0xde: {  	v13 =	vld [tilespmem:s0+$0xC060]  }
0xdf: {  	v14 =	vld [tilespmem:s0+$0x4070]  }
0xe0: {  	v15 =	vld [tilespmem:s0+$0xC070]  }
0xe1: {  	v16 =	vld [tilespmem:s0+$0x4400]  }
0xe2: {  	v17 =	vld [tilespmem:s0+$0xC400]  }
0xe3: {  	v18 =	vld [tilespmem:s0+$0x4410]  }
0xe4: {  	v19 =	vld [tilespmem:s0+$0xC410]  }
0xe5: {  	v20 =	vld [tilespmem:s0+$0x4420]  }
0xe6: {  	v21 =	vld [tilespmem:s0+$0xC420]  }
0xe7: {  	v22 =	vld [tilespmem:s0+$0x4430]  }
0xe8: {  	v23 =	vld [tilespmem:s0+$0xC430]  }
0xe9: {  	v24 =	vld [tilespmem:s0+$0x4440]  }
0xea: {  	v25 =	vld [tilespmem:s0+$0xC440]  }
0xeb: {  	v26 =	vld [tilespmem:s0+$0x4450]  }
0xec: {  	v27 =	vld [tilespmem:s0+$0xC450]  }
0xed: {  	v28 =	vld [tilespmem:s0+$0x4460]  }
0xee: {  	v29 =	vld [tilespmem:s0+$0xC460]  }
0xef: {  	v30 =	vld [tilespmem:s0+$0x4470]  }
0xf0: {  	v31 =	vld [tilespmem:s0+$0xC470]  }
0xf1: {  	v32 =	vld [tilespmem:s0+$0x4800]  }
0xf2: {  	v33 =	vld [tilespmem:s0+$0xC800]  }
0xf3: {  	v34 =	vld [tilespmem:s0+$0x4810]  }
0xf4: {  	v35 =	vld [tilespmem:s0+$0xC810]  }
0xf5: {  	v36 =	vld [tilespmem:s0+$0x4820]  }
0xf6: {  	v37 =	vld [tilespmem:s0+$0xC820]  }
0xf7: {  	v38 =	vld [tilespmem:s0+$0x4830]  }
0xf8: {  	v39 =	vld [tilespmem:s0+$0xC830]  }
0xf9: {  	v40 =	vld [tilespmem:s0+$0x4840]  }
0xfa: {  	v41 =	vld [tilespmem:s0+$0xC840]  }
0xfb: {  	v42 =	vld [tilespmem:s0+$0x4850]  }
0xfc: {  	v43 =	vld [tilespmem:s0+$0xC850]  }
0xfd: {  	v44 =	vld [tilespmem:s0+$0x4860]  }
0xfe: {  	v45 =	vld [tilespmem:s0+$0xC860]  }
0xff: {  	v46 =	vld [tilespmem:s0+$0x4870]  }
0x100: {  	v47 =	vld [tilespmem:s0+$0xC870]  }
0x101: {  	v48 =	vld [tilespmem:s0+$0x4C00]  }
0x102: {  	v49 =	vld [tilespmem:s0+$0xCC00]  }
0x103: {  	v50 =	vld [tilespmem:s0+$0x4C10]  }
0x104: {  	v51 =	vld [tilespmem:s0+$0xCC10]  }
0x105: {  	v52 =	vld [tilespmem:s0+$0x4C20]  }
0x106: {  	v53 =	vld [tilespmem:s0+$0xCC20]  }
0x107: {  	v54 =	vld [tilespmem:s0+$0x4C30]  }
0x108: {  	v55 =	vld [tilespmem:s0+$0xCC30]  }
0x109: {  	v56 =	vld [tilespmem:s0+$0x4C40]  }
0x10a: {  	v57 =	vld [tilespmem:s0+$0xCC40]  }
0x10b: {  	v58 =	vld [tilespmem:s0+$0x4C50]  }
0x10c: {  	v59 =	vld [tilespmem:s0+$0xCC50]  }
0x10d: {  	v60 =	vld [tilespmem:s0+$0x4C60]  }
0x10e: {  	v0 =	vadd.f32 v1, v0;
	v1 =	vld [tilespmem:s0+$0xCC60]  }
0x10f: {  	v2 =	vadd.f32 v3, v2;
	v3 =	vld [tilespmem:s0+$0x4C70]  }
0x110: {  	v63 =	vadd.f32 v5, v4;
	v4 =	vld [tilespmem:s0+$0xCC70];
	[tilespmem:s0+$0x14000] =	vst v0  }
0x111: {  	v61 =	vadd.f32 v7, v6;
	v5 =	vld [tilespmem:s0+$0x5000];
	[tilespmem:s0+$0x14010] =	vst v2  }
0x112: {  	v62 =	vadd.f32 v9, v8;
	v6 =	vld [tilespmem:s0+$0xD000];
	[tilespmem:s0+$0x14020] =	vst v63  }
0x113: {  	v7 =	vld [tilespmem:s0+$0x5010];
	v13 =	vadd.f32 v13, v12;
	[tilespmem:s0+$0x14030] =	vst v61  }
0x114: {  	v8 =	vld [tilespmem:s0+$0xD010];
	v15 =	vadd.f32 v15, v14;
	[tilespmem:s0+$0x14040] =	vst v62  }
0x115: {  	v9 =	vld [tilespmem:s0+$0x5020];
	v17 =	vadd.f32 v17, v16;
	[tilespmem:s0+$0x14060] =	vst v13  }
0x116: {  	v19 =	vadd.f32 v19, v18;
	v12 =	vld [tilespmem:s0+$0xD030];
	[tilespmem:s0+$0x14070] =	vst v15  }
0x117: {  	v21 =	vadd.f32 v21, v20;
	v14 =	vld [tilespmem:s0+$0xD040];
	[tilespmem:s0+$0x14400] =	vst v17  }
0x118: {  	v23 =	vadd.f32 v23, v22;
	v16 =	vld [tilespmem:s0+$0xD050];
	[tilespmem:s0+$0x14410] =	vst v19  }
0x119: {  	v25 =	vadd.f32 v25, v24;
	v20 =	vld [tilespmem:s0+$0xD070];
	[tilespmem:s0+$0x14420] =	vst v21  }
0x11a: {  	v27 =	vadd.f32 v27, v26;
	v22 =	vld [tilespmem:s0+$0xD400];
	[tilespmem:s0+$0x14430] =	vst v23  }
0x11b: {  	v29 =	vadd.f32 v29, v28;
	v24 =	vld [tilespmem:s0+$0xD410];
	[tilespmem:s0+$0x14440] =	vst v25  }
0x11c: {  	v28 =	vadd.f32 v37, v36;
	v37 =	vld [tilespmem:s0+$0x5430];
	[tilespmem:s0+$0x14450] =	vst v27  }
0x11d: {  	v36 =	vadd.f32 v51, v50;
	v51 =	vld [tilespmem:s0+$0xD460];
	[tilespmem:s0+$0x14460] =	vst v29  }
0x11e: {  	v63 =	vadd.f32 v11, v10;
	v10 =	vld [tilespmem:s0+$0xD020];
	[tilespmem:s0+$0x14820] =	vst v28  }
0x11f: {  	v11 =	vld [tilespmem:s0+$0x5030];
	v61 =	vadd.f32 v31, v30;
	[tilespmem:s0+$0x14C10] =	vst v36  }
0x120: {  	v13 =	vld [tilespmem:s0+$0x5040];
	v62 =	vadd.f32 v33, v32;
	[tilespmem:s0+$0x14050] =	vst v63  }
0x121: {  	v15 =	vld [tilespmem:s0+$0x5050];
	v27 =	vadd.f32 v35, v34;
	[tilespmem:s0+$0x14470] =	vst v61  }
0x122: {  	v17 =	vld [tilespmem:s0+$0x5060];
	v29 =	vadd.f32 v39, v38;
	[tilespmem:s0+$0x14800] =	vst v62  }
0x123: {  	v19 =	vld [tilespmem:s0+$0x5070];
	v30 =	vadd.f32 v41, v40;
	[tilespmem:s0+$0x14810] =	vst v27  }
0x124: {  	v21 =	vld [tilespmem:s0+$0x5400];
	v31 =	vadd.f32 v43, v42;
	[tilespmem:s0+$0x14830] =	vst v29  }
0x125: {  	v23 =	vld [tilespmem:s0+$0x5410];
	v32 =	vadd.f32 v45, v44;
	[tilespmem:s0+$0x14840] =	vst v30  }
0x126: {  	v33 =	vadd.f32 v47, v46;
	v25 =	vld [tilespmem:s0+$0x5420];
	[tilespmem:s0+$0x14850] =	vst v31  }
0x127: {  	v34 =	vadd.f32 v49, v48;
	v35 =	vld [tilespmem:s0+$0xD420];
	[tilespmem:s0+$0x14860] =	vst v32  }
0x128: {  	v38 =	vadd.f32 v53, v52;
	v39 =	vld [tilespmem:s0+$0xD430];
	[tilespmem:s0+$0x14870] =	vst v33  }
0x129: {  	v40 =	vadd.f32 v55, v54;
	v41 =	vld [tilespmem:s0+$0x5440];
	[tilespmem:s0+$0x14C00] =	vst v34  }
0x12a: {  	v42 =	vadd.f32 v57, v56;
	v43 =	vld [tilespmem:s0+$0xD440];
	[tilespmem:s0+$0x14C20] =	vst v38  }
0x12b: {  	v44 =	vadd.f32 v59, v58;
	v45 =	vld [tilespmem:s0+$0x5450];
	[tilespmem:s0+$0x14C30] =	vst v40  }
0x12c: {  	v47 =	vld [tilespmem:s0+$0xD450];
	[tilespmem:s0+$0x14C40] =	vst v42;
	v46 =	vadd.f32 v1, v60  }
0x12d: {  	v49 =	vld [tilespmem:s0+$0x5460];
	[tilespmem:s0+$0x14C50] =	vst v44;
	v48 =	vadd.f32 v4, v3  }
0x12e: {  	v53 =	vld [tilespmem:s0+$0x5470];
	v50 =	vadd.f32 v6, v5;
	[tilespmem:s0+$0x14C60] =	vst v46  }
0x12f: {  	v55 =	vld [tilespmem:s0+$0xD470];
	v52 =	vadd.f32 v8, v7;
	[tilespmem:s0+$0x14C70] =	vst v48  }
0x130: {  	v57 =	vld [tilespmem:s0+$0x5800];
	[tilespmem:s0+$0x15000] =	vst v50;
	v54 =	vadd.f32 v10, v9  }
0x131: {  	v59 =	vld [tilespmem:s0+$0xD800];
	[tilespmem:s0+$0x15010] =	vst v52;
	v56 =	vadd.f32 v12, v11  }
0x132: {  	v36 =	vld [tilespmem:s0+$0xD830];
	v58 =	vadd.f32 v14, v13;
	[tilespmem:s0+$0x15020] =	vst v54  }
0x133: {  	v63 =	vld [tilespmem:s0+$0xD060];
	v60 =	vadd.f32 v16, v15;
	[tilespmem:s0+$0x15030] =	vst v56  }
0x134: {  	v61 =	vld [tilespmem:s0+$0x5810];
	v19 =	vadd.f32 v20, v19;
	[tilespmem:s0+$0x15040] =	vst v58  }
0x135: {  	v32 =	vld [tilespmem:s0+$0xD820];
	v22 =	vadd.f32 v22, v21;
	[tilespmem:s0+$0x15050] =	vst v60  }
0x136: {  	v34 =	vld [tilespmem:s0+$0x5830];
	v33 =	vadd.f32 v24, v23;
	[tilespmem:s0+$0x15070] =	vst v19  }
0x137: {  	v38 =	vld [tilespmem:s0+$0x5840];
	v35 =	vadd.f32 v35, v25;
	[tilespmem:s0+$0x15400] =	vst v22  }
0x138: {  	v40 =	vld [tilespmem:s0+$0xD840];
	v37 =	vadd.f32 v39, v37;
	[tilespmem:s0+$0x15410] =	vst v33  }
0x139: {  	v20 =	vld [tilespmem:s0+$0x5820];
	v39 =	vadd.f32 v43, v41;
	[tilespmem:s0+$0x15420] =	vst v35  }
0x13a: {  	v1 =	vadd.f32 v47, v45;
	v41 =	vld [tilespmem:s0+$0x5850];
	[tilespmem:s0+$0x15430] =	vst v37  }
0x13b: {  	v42 =	vadd.f32 v51, v49;
	v43 =	vld [tilespmem:s0+$0xD850];
	[tilespmem:s0+$0x15440] =	vst v39  }
0x13c: {  	v44 =	vadd.f32 v55, v53;
	v45 =	vld [tilespmem:s0+$0x5860];
	[tilespmem:s0+$0x15450] =	vst v1  }
0x13d: {  	v46 =	vadd.f32 v59, v57;
	v47 =	vld [tilespmem:s0+$0xD860];
	[tilespmem:s0+$0x15460] =	vst v42  }
0x13e: {  	v49 =	vld [tilespmem:s0+$0x5870];
	v62 =	vadd.f32 v63, v17;
	[tilespmem:s0+$0x15470] =	vst v44  }
0x13f: {  	v51 =	vld [tilespmem:s0+$0xD870];
	[tilespmem:s0+$0x15800] =	vst v46;
	v52 =	vadd.f32 v36, v34  }
0x140: {  	v63 =	vld [tilespmem:s0+$0xD810];
	v53 =	vadd.f32 v40, v38;
	[tilespmem:s0+$0x15060] =	vst v62  }
0x141: {  	[tilespmem:s0+$0x15830] =	vst v52;
	v50 =	vadd.f32 v32, v20  }
0x142: {  	[tilespmem:s0+$0x15840] =	vst v53;
	v54 =	vadd.f32 v43, v41  }
0x143: {  	v55 =	vadd.f32 v47, v45;
	[tilespmem:s0+$0x15820] =	vst v50  }
0x144: {  	s31 =	sand.u32 $0x7, s26;
	v56 =	vadd.f32 v51, v49;
	[tilespmem:s0+$0x15850] =	vst v54  }
0x145: {  	s4 =	sshll.u32 s31, $0x7;
	v48 =	vadd.f32 v63, v61;
	[tilespmem:s0+$0x15860] =	vst v55  }
0x146: {  	s4 =	sadd.s32 s4, s29;
	[tilespmem:s0+$0x15870] =	vst v56  }
0x147: {  	s31 =	sor.u32 $0x1C00, s4;
	[tilespmem:s0+$0x15810] =	vst v48  }
0x148: {  	v0 =	vld [tilespmem:s31+$0x4000]  }
0x149: {  	v1 =	vld [tilespmem:s31+$0xC000];
	_ =	sdelay $0x4  }
0x14a: {  	v0 =	vadd.f32 v1, v0;
	_ =	sdelay $0x1  }
0x14b: {  	[tilespmem:s31+$0x14000] =	vst v0;
	s31 =	sor.u32 $0x1C10, s4  }
0x14c: {  	v0 =	vld [tilespmem:s31+$0x4000]  }
0x14d: {  	v57 =	vld [tilespmem:s31+$0xC000];
	_ =	sdelay $0x4  }
0x14e: {  	v0 =	vadd.f32 v57, v0;
	_ =	sdelay $0x1  }
0x14f: {  	[tilespmem:s31+$0x14000] =	vst v0;
	s31 =	sor.u32 $0x1C20, s4  }
0x150: {  	v0 =	vld [tilespmem:s31+$0x4000]  }
0x151: {  	v58 =	vld [tilespmem:s31+$0xC000];
	_ =	sdelay $0x4  }
0x152: {  	v0 =	vadd.f32 v58, v0;
	_ =	sdelay $0x1  }
0x153: {  	[tilespmem:s31+$0x14000] =	vst v0;
	s31 =	sor.u32 $0x1C30, s4  }
0x154: {  	v0 =	vld [tilespmem:s31+$0x4000]  }
0x155: {  	v59 =	vld [tilespmem:s31+$0xC000];
	_ =	sdelay $0x4  }
0x156: {  	v0 =	vadd.f32 v59, v0;
	_ =	sdelay $0x1  }
0x157: {  	[tilespmem:s31+$0x14000] =	vst v0;
	s31 =	sor.u32 $0x1C40, s4  }
0x158: {  	v0 =	vld [tilespmem:s31+$0x4000]  }
0x159: {  	v60 =	vld [tilespmem:s31+$0xC000];
	_ =	sdelay $0x4  }
0x15a: {  	v0 =	vadd.f32 v60, v0;
	_ =	sdelay $0x1  }
0x15b: {  	[tilespmem:s31+$0x14000] =	vst v0;
	s31 =	sor.u32 $0x1C50, s4  }
0x15c: {  	v0 =	vld [tilespmem:s31+$0x4000]  }
0x15d: {  	v61 =	vld [tilespmem:s31+$0xC000];
	_ =	sdelay $0x4  }
0x15e: {  	v0 =	vadd.f32 v61, v0;
	_ =	sdelay $0x1  }
0x15f: {  	[tilespmem:s31+$0x14000] =	vst v0;
	s31 =	sor.u32 $0x1C60, s4  }
0x160: {  	v0 =	vld [tilespmem:s31+$0x4000]  }
0x161: {  	v62 =	vld [tilespmem:s31+$0xC000];
	_ =	sdelay $0x4  }
0x162: {  	v0 =	vadd.f32 v62, v0;
	_ =	sdelay $0x1  }
0x163: {  	[tilespmem:s31+$0x14000] =	vst v0;
	s31 =	sor.u32 $0x1C70, s4  }
0x164: {  	v0 =	vld [tilespmem:s31+$0x4000]  }
0x165: {  	v63 =	vld [tilespmem:s31+$0xC000];
	_ =	sdelay $0x1  }
0x166: {  	p0 =	sne.s32 s30, $0x780  }
.Ltmp1:
0x167: {  	_ = 	snop;
	(pc) =	sbr.rel @p0 .LBB2_5-.Ltmp1, $4  }
0x168: {  	_ = 	snop  }
0x169: {  	v0 =	vadd.f32 v63, v0  }
0x16a: {  	s26 =	sadd.s32 $0x1, s26  }
0x16b: {  	s28 =	sadd.s32 $0x400, s28;
	s30 =	sadd.s32 $0x80, s30;
	s29 =	sadd.s32 $0x400, s29;
	[tilespmem:s31+$0x14000] =	vst v0  }
0x16c: {  	s24 =	sadd.s32 $0x1, s24  }
0x16d: {  	p0 =	sne.s32 s24, $0x8  }
.Ltmp2:
0x16e: {  	_ = 	snop;
	(pc) =	sbr.rel @p0 .LBB2_2-.Ltmp2, $3  }
0x16f: {  	_ =	sdelay $0x1  }
0x170: {  	s0 =	sadd.s32 s3, s25  }
0x171: {  	[hbm4b:s0+s5] =	stream.linear.scatter [tilespmem:s20], [sflag:$0x6], $0x4000, $0x38;
	[tilespmem:$0x18000] =	vst v63  }
0x172: {  	s23 =	sadd.s32 $0x1, s23  }
0x173: {  	_ =	swait.ge [sflag:s21], $0x4000;
	p0 =	sne.s32 s23, s11  }
.Ltmp3:
0x174: {  	[sflag:s21] =	ssyncset.done $0x0;
	(pc) =	sbr.rel @p0 .LBB2_1-.Ltmp3, $4  }
0x175: {  	[sflag:s21] =	ssyncadd.s32 $0xFFFFC000  }
0x176: {  	_ =	swait.ge [sflag:s22], $0x4000  }
0x177: {  	[sflag:s22] =	ssyncset.done $0x0  }
0x178: {  	[sflag:s22] =	ssyncadd.s32 $0xFFFFC000  }
0x179: {  	_ =	sfence.sel $0x180000  }
0x17a: {  	[bflag:$0x0] =	sbarrier.arrive $0xFFFF  }
0x17b: {  	_ =	strace $0x90000047  }
0x17c: {  	s0 =	stileid.u32;
	[bflag:$0x2] =	sbarrier.arrive $0xFFFF  }
0x17d: {  	p0 =	sne.s32 s0, $0x0;
	s0 =	rddreg [dreg:$0x3]  }
0x17e: {  	s0 =	sadd.s32 @!p0 $0x100000, s0  }
0x17f: {  	[sflag:s0] =	ssyncadd.tile.s32 @!p0 $0x1;
	_ =	shalt  }
.Lfunc_end2:
_tile_overlayer_lowered:
.L_overlay_start_2:
0x180: {  	(tag) =	ssettag $0x2  }
0x181: {  	s0 =	rddreg [dreg:$0x0];
	s2 =	stileid.u32  }
0x182: {  	s1 =	rddreg [dreg:$0x1];
	p0 =	sne.s32 s2, $0x0  }
0x183: {  	s3 =	rddreg [dreg:$0x2];
	[bflag:$0x3] =	sbarrier.arrive $0xFFFF;
	s2 =	simm.s32 @!p0 $0x1C07  }
0x184: {  	[timem:s3], [sflag:s2] =	dma.local @!p0 [hbm:s0], s1  }
0x185: {  	s0 =	simm.s32 @!p0 $0x7  }
0x186: {  	_ =	swait.ge @!p0 [sflag:s0], s1  }
0x187: {  	s1 =	ssub.s32 @!p0 $0x0, s1;
	[sflag:s0] =	ssyncset.done @!p0 $0x0  }
0x188: {  	[sflag:s0] =	ssyncadd.s32 @!p0 s1  }
0x189: {  	[bflag:$0x3] =	sbarrier.arrive $0xFFFF  }
0x18a: {  	_ =	shalt  }

</sc_bundles>
